<compile_context>
chip_gen: v7x
topology: tpu7x:2x2x1
jax: 0.10.2.dev20260603
libtpu: 0.0.44.dev20260713+nightly
codegen_flags: <defaults>
</compile_context>

<pallas_src>
import functools
import jax
import jax.numpy as jnp
from jax import lax
from jax.experimental import pallas as pl
from jax.experimental.pallas import tpu as pltpu, tpu_sc as plsc

N_EDGES_K = 6400000
N_NODES_K = 100000
NUM_SYS_K = 1000

CHUNK = 2048
ROWS = 16
ROWW = 128
NCHUNK = N_EDGES_K // CHUNK
NW = 32
MAXK = 2 * ((NCHUNK // NW + 2) // 2)
ACC = 1024
SYS_MASK = 0x3FF


def _rsqrt_f32(y):
    bits = lax.bitcast_convert_type(y, jnp.int32)
    bits = jnp.int32(0x5F3759DF) - lax.shift_right_arithmetic(bits, 1)
    r = lax.bitcast_convert_type(bits, jnp.float32)
    r = r * (jnp.float32(1.5) - jnp.float32(0.5) * y * r * r)
    return r


def _coulomb_body(vtab_hbm, pairs_hbm, dd_hbm, out_hbm,
                  v_tab, ii0, jj0, dd0, ii1, jj1, dd1, acc2, sem0, sem1):
    c = lax.axis_index("c")
    s = lax.axis_index("s")
    w = s * 2 + c

    zf = jnp.zeros((16,), jnp.float32)
    lane = lax.iota(jnp.int32, 16)

    def zero_row(l, carry):
        def zero_col(cc, carry2):
            acc2[l, pl.ds(cc * 16, 16)] = zf
            return carry2
        lax.fori_loop(0, ACC // 16, zero_col, 0)
        return carry
    lax.fori_loop(0, ROWS, zero_row, 0)

    pltpu.sync_copy(vtab_hbm, v_tab)

    def start_chunk(ch, bufs, sem):
        iib, jjb, ddb = bufs
        pltpu.async_copy(pairs_hbm.at[0, ch], iib, sem)
        pltpu.async_copy(pairs_hbm.at[1, ch], jjb, sem)
        pltpu.async_copy(dd_hbm.at[ch], ddb, sem)

    def wait_chunk(ch, bufs, sem):
        iib, jjb, ddb = bufs
        pltpu.make_async_copy(pairs_hbm.at[0, ch], iib, sem).wait()
        pltpu.make_async_copy(pairs_hbm.at[1, ch], jjb, sem).wait()
        pltpu.make_async_copy(dd_hbm.at[ch], ddb, sem).wait()

    def do_chunk(bufs):
        iib, jjb, ddb = bufs

        @plsc.parallel_loop(0, ROWS)
        def row_step(r):
          for u in range(ROWW // 16):
            ii = iib[r, pl.ds(u * 16, 16)]
            jj = jjb[r, pl.ds(u * 16, 16)]
            d = ddb[r, pl.ds(u * 16, 16)]
            vi = plsc.load_gather(v_tab, [ii])
            vj = plsc.load_gather(v_tab, [jj])
            sys = vi & jnp.int32(SYS_MASK)
            qi = lax.bitcast_convert_type(vi, jnp.float32)
            qj = lax.bitcast_convert_type(vj, jnp.float32)
            d2 = d * d
            t = jnp.float32(240.0) - jnp.float32(192.0) * d
            t = jnp.float32(-80.0) + d * t
            p = jnp.float32(1.0) + d2 * d * t
            phi = jnp.where(d < jnp.float32(0.5), p, jnp.float32(0.0))
            rinv = _rsqrt_f32(d2 + jnp.float32(1.0))
            invd = jnp.float32(1.0) / d
            chi = invd + phi * (rinv - invd)
            e = qi * qj * chi
            plsc.addupdate_scatter(acc2, [lane, sys], e, mask=ii < jj)

    bufs = ((ii0, jj0, dd0), (ii1, jj1, dd1))
    sems = (sem0, sem1)

    start_chunk(w, bufs[0], sem0)

    def k2_step(k2, carry):
        for b in range(2):
            p = k2 * 2 + b
            ch = w + p * NW
            chn = ch + NW

            @pl.when(chn < NCHUNK)
            def _():
                start_chunk(chn, bufs[1 - b], sems[1 - b])

            @pl.when(ch < NCHUNK)
            def _():
                wait_chunk(ch, bufs[b], sems[b])
                do_chunk(bufs[b])
        return carry
    lax.fori_loop(0, MAXK // 2, k2_step, 0)

    def fold_col(cc, carry):
        t = acc2[0, pl.ds(cc * 16, 16)]
        for l in range(1, ROWS):
            t = t + acc2[l, pl.ds(cc * 16, 16)]
        acc2[0, pl.ds(cc * 16, 16)] = t
        return carry
    lax.fori_loop(0, ACC // 16, fold_col, 0)
    pltpu.sync_copy(acc2.at[0], out_hbm.at[w])


def kernel(per_atom_charge, atomic_subsystem_indices, electrostatic_pair_indices, electrostatic_d_ij):
    q = per_atom_charge.reshape(-1).astype(jnp.float32)
    sysi = atomic_subsystem_indices.astype(jnp.int32)
    qb = lax.bitcast_convert_type(q, jnp.int32)
    vtab = ((qb - sysi + jnp.int32(0x200)) & jnp.int32(~SYS_MASK)) | sysi
    pairs4 = electrostatic_pair_indices.reshape(2, NCHUNK, ROWS, ROWW)
    dd3 = electrostatic_d_ij.astype(jnp.float32).reshape(NCHUNK, ROWS, ROWW)

    mesh = plsc.VectorSubcoreMesh(core_axis_name="c", subcore_axis_name="s")
    run = functools.partial(
        pl.kernel,
        mesh=mesh,
        out_type=jax.ShapeDtypeStruct((NW, ACC), jnp.float32),
        scratch_types=[
            pltpu.VMEM((N_NODES_K,), jnp.int32),
            pltpu.VMEM((ROWS, ROWW), jnp.int32),
            pltpu.VMEM((ROWS, ROWW), jnp.int32),
            pltpu.VMEM((ROWS, ROWW), jnp.float32),
            pltpu.VMEM((ROWS, ROWW), jnp.int32),
            pltpu.VMEM((ROWS, ROWW), jnp.int32),
            pltpu.VMEM((ROWS, ROWW), jnp.float32),
            pltpu.VMEM((ROWS, ACC), jnp.float32),
            pltpu.SemaphoreType.DMA,
            pltpu.SemaphoreType.DMA,
        ],
        compiler_params=pltpu.CompilerParams(needs_layout_passes=False),
    )(_coulomb_body)
    partial = run(vtab, pairs4, dd3)
    per_system = partial.sum(axis=0)[:NUM_SYS_K] * jnp.float32(138.96)
    return per_system[:, None]

# --- scband reference (transcript-rebuilt; emitter-appended) ---
"""Pipeline reference for scband-coulomb-potential-79860621902321 (READ-ONLY COPY).

The authoritative reference and input builder live on the scoring server;
editing this copy changes nothing except your own understanding.
"""

import jax, jax.numpy as jnp
import numpy as np

CUTOFF = 1.0
NUM_SYSTEMS = 1000
N_NODES = 100000
N_EDGES = 6400000


def physnet_cutoff(d, cutoff):
    # PhysNet attenuation/cutoff function: phi(r) = 1 - 6x^5 + 15x^4 - 10x^3 for r < cutoff, else 0
    x = d / cutoff
    phi = 1.0 - 6.0 * x**5 + 15.0 * x**4 - 10.0 * x**3
    return jnp.where(d < cutoff, phi, jnp.zeros_like(d))


def setup_inputs(seed: int = 0) -> dict:
    key = jax.random.key(seed)
    k1, k2, k3, k4 = jax.random.split(key, 4)
    electrostatic_pair_indices = jax.random.randint(k1, (2, N_EDGES), 0, N_NODES, dtype=jnp.int32)
    # distances in nm; keep strictly positive to avoid 0-division in 1/r term
    electrostatic_d_ij = jax.random.uniform(k2, (N_EDGES,), dtype=jnp.float32, minval=0.05, maxval=1.5)
    per_atom_charge = jax.random.normal(k3, (N_NODES,), dtype=jnp.float32) * 0.2
    atomic_subsystem_indices = jnp.sort(jax.random.randint(k4, (N_NODES,), 0, NUM_SYSTEMS, dtype=jnp.int32))
    return {
        "per_atom_charge": per_atom_charge,
        "atomic_subsystem_indices": atomic_subsystem_indices,
        "electrostatic_pair_indices": electrostatic_pair_indices,
        "electrostatic_d_ij": electrostatic_d_ij,
    }


def reference(per_atom_charge, atomic_subsystem_indices, electrostatic_pair_indices, electrostatic_d_ij):
    idx_i = electrostatic_pair_indices[0]
    idx_j = electrostatic_pair_indices[1]
    # unique-pair selection implemented as a multiplicative mask (shape-static, math-identical for the sum)
    unique_pairs_mask = (idx_i < idx_j).astype(electrostatic_d_ij.dtype)
    system_indices_of_pair = atomic_subsystem_indices[idx_i]
    d = electrostatic_d_ij
    q = per_atom_charge.reshape(-1)
    phi_2r = physnet_cutoff(2.0 * d, CUTOFF)
    chi_r = phi_2r * (1.0 / jnp.sqrt(d**2 + 1.0)) + (1.0 - phi_2r) * (1.0 / d)
    coulomb_interactions = q[idx_i] * q[idx_j] * chi_r * unique_pairs_mask
    electrostatic_energy = jnp.zeros((NUM_SYSTEMS,), dtype=q.dtype).at[system_indices_of_pair].add(coulomb_interactions)
    per_system_electrostatic_energy = (electrostatic_energy * 138.96)[:, None]
    return per_system_electrostatic_energy

if __name__ == "__main__":
    import jax
    _d = setup_inputs()
    print(jax.jit(kernel)(*tuple(_d.values())))

</pallas_src>

<mosaic_0001>
#map = affine_map<(d0, d1) -> (0)>
#map1 = affine_map<(d0, d1) -> (0, 0, 0, 0)>
#map2 = affine_map<(d0, d1) -> (0, 0, 0)>
#map3 = affine_map<(d0, d1) -> (0, 0)>
module attributes {stable_mosaic.version = 14 : i64} {
  func.func @_coulomb_body(%arg0: i32, %arg1: i32, %arg2: memref<100000xi32, #tpu.memory_space<hbm>>, %arg3: memref<2x3125x16x128xi32, #tpu.memory_space<hbm>>, %arg4: memref<3125x16x128xf32, #tpu.memory_space<hbm>>, %arg5: memref<32x1024xf32, #tpu.memory_space<hbm>>, %arg6: memref<100000xi32, #tpu.memory_space<vmem>>, %arg7: memref<16x128xi32, #tpu.memory_space<vmem>>, %arg8: memref<16x128xi32, #tpu.memory_space<vmem>>, %arg9: memref<16x128xf32, #tpu.memory_space<vmem>>, %arg10: memref<16x128xi32, #tpu.memory_space<vmem>>, %arg11: memref<16x128xi32, #tpu.memory_space<vmem>>, %arg12: memref<16x128xf32, #tpu.memory_space<vmem>>, %arg13: memref<16x1024xf32, #tpu.memory_space<vmem>>, %arg14: memref<!tpu.dma_semaphore, #tpu.memory_space<semaphore_mem>>, %arg15: memref<!tpu.dma_semaphore, #tpu.memory_space<semaphore_mem>>) attributes {dimension_semantics = [#tpu.dimension_semantics<core_parallel>, #tpu.dimension_semantics<subcore_parallel>], iteration_bounds = array<i64: 2, 16>, scalar_prefetch = 0 : i64, scratch_operands = 10 : i64, tpu.core_type = #tpu.core_type<sc_vector_subcore>, window_params = [{transform_indices = #map}, {transform_indices = #map1}, {transform_indices = #map2}, {transform_indices = #map3}]} {
    %mul3A = arith.constant 2 : i32
    %mul3A_0 = arith.muli %arg1, %mul3A : i32
    %add3A = arith.addi %mul3A_0, %arg0 : i32
    %broadcast_in_dim3A = arith.constant 0.000000e+00 : f32
    %broadcast_in_dim3A_1 = vector.broadcast %broadcast_in_dim3A : f32 to vector<16xf32>
    %iota3A = tpu.iota {dimensions = array<i32: 0>} : vector<16xi32>
    %scan3A = arith.constant 0 : i32
    %scan3A_2 = arith.constant 0 : i32
    %scan3A_3 = arith.constant 16 : i32
    %scan3A_4 = arith.addi %scan3A_2, %scan3A_3 : i32
    %scan3A_5 = arith.constant 1 : i32
    scf.for %scan3A_44 = %scan3A_2 to %scan3A_4 step %scan3A_5  : i32 {
      %scan3A_45 = arith.constant 0 : i32
      %scan3A_46 = arith.constant 0 : i32
      %scan3A_47 = arith.constant 64 : i32
      %scan3A_48 = arith.addi %scan3A_46, %scan3A_47 : i32
      %scan3A_49 = arith.constant 1 : i32
      scf.for %scan3A_51 = %scan3A_46 to %scan3A_48 step %scan3A_49  : i32 {
        %mul3A_52 = arith.constant 16 : i32
        %mul3A_53 = arith.muli %scan3A_51, %mul3A_52 : i32
        %swap3A = arith.index_cast %scan3A_44 : i32 to index
        %swap3A_54 = arith.index_cast %mul3A_53 : i32 to index
        %swap3A_55 = tpu.vector_load %arg13[%swap3A, %swap3A_54] {strides = array<i32>} : memref<16x1024xf32, #tpu.memory_space<vmem>>, vector<16xf32>,
        tpu.vector_store %arg13[%swap3A, %swap3A_54], %broadcast_in_dim3A_1 {strides = array<i32>} : memref<16x1024xf32, #tpu.memory_space<vmem>>, vector<16xf32>,
      }
      %scan3A_50 = arith.constant 64 : i32
    }
    %scan3A_6 = arith.constant 16 : i32
    "tpu.region"() ({
      %run_scoped3A_44 = tpu.sem_alloc : memref<!tpu.dma_semaphore, #tpu.memory_space<semaphore_mem>>
      tpu.enqueue_dma source(%arg2 : memref<100000xi32, #tpu.memory_space<hbm>>) target(%arg6 : memref<100000xi32, #tpu.memory_space<vmem>>) target_semaphore(%run_scoped3A_44 : memref<!tpu.dma_semaphore, #tpu.memory_space<semaphore_mem>>)
      tpu.wait_dma2 semaphore(%run_scoped3A_44 : memref<!tpu.dma_semaphore, #tpu.memory_space<semaphore_mem>>) src(%arg2 : memref<100000xi32, #tpu.memory_space<hbm>>) dst(%arg6 : memref<100000xi32, #tpu.memory_space<vmem>>)
      tpu.yield
    }) : () -> ()
    %dma_start3A = arith.constant 0 : i32
    %dma_start3A_7 = arith.constant 0 : i32
    %dma_start3A_8 = arith.constant 0 : i32
    %dma_start3A_9 = tpu.memref_slice %arg3[%dma_start3A, %add3A, %dma_start3A_7, %dma_start3A_8] : memref<2x3125x16x128xi32, #tpu.memory_space<hbm>> -> memref<1x1x16x128xi32, #tpu.memory_space<hbm>>
    %dma_start3A_10 = tpu.memref_squeeze %dma_start3A_9 : memref<1x1x16x128xi32, #tpu.memory_space<hbm>> -> memref<16x128xi32, #tpu.memory_space<hbm>>
    %dma_start3A_11 = arith.constant 0 : i32
    %dma_start3A_12 = arith.constant 0 : i32
    %dma_start3A_13 = tpu.memref_slice %arg3[%dma_start3A, %add3A, %dma_start3A_11, %dma_start3A_12] : memref<2x3125x16x128xi32, #tpu.memory_space<hbm>> -> memref<1x1x16x128xi32, #tpu.memory_space<hbm>>
    %dma_start3A_14 = tpu.memref_squeeze %dma_start3A_13 : memref<1x1x16x128xi32, #tpu.memory_space<hbm>> -> memref<16x128xi32, #tpu.memory_space<hbm>>
    tpu.enqueue_dma source(%dma_start3A_14 : memref<16x128xi32, #tpu.memory_space<hbm>>) target(%arg7 : memref<16x128xi32, #tpu.memory_space<vmem>>) target_semaphore(%arg14 : memref<!tpu.dma_semaphore, #tpu.memory_space<semaphore_mem>>)
    %dma_start3A_15 = arith.constant 1 : i32
    %dma_start3A_16 = arith.constant 0 : i32
    %dma_start3A_17 = arith.constant 0 : i32
    %dma_start3A_18 = tpu.memref_slice %arg3[%dma_start3A_15, %add3A, %dma_start3A_16, %dma_start3A_17] : memref<2x3125x16x128xi32, #tpu.memory_space<hbm>> -> memref<1x1x16x128xi32, #tpu.memory_space<hbm>>
    %dma_start3A_19 = tpu.memref_squeeze %dma_start3A_18 : memref<1x1x16x128xi32, #tpu.memory_space<hbm>> -> memref<16x128xi32, #tpu.memory_space<hbm>>
    %dma_start3A_20 = arith.constant 0 : i32
    %dma_start3A_21 = arith.constant 0 : i32
    %dma_start3A_22 = tpu.memref_slice %arg3[%dma_start3A_15, %add3A, %dma_start3A_20, %dma_start3A_21] : memref<2x3125x16x128xi32, #tpu.memory_space<hbm>> -> memref<1x1x16x128xi32, #tpu.memory_space<hbm>>
    %dma_start3A_23 = tpu.memref_squeeze %dma_start3A_22 : memref<1x1x16x128xi32, #tpu.memory_space<hbm>> -> memref<16x128xi32, #tpu.memory_space<hbm>>
    tpu.enqueue_dma source(%dma_start3A_23 : memref<16x128xi32, #tpu.memory_space<hbm>>) target(%arg8 : memref<16x128xi32, #tpu.memory_space<vmem>>) target_semaphore(%arg14 : memref<!tpu.dma_semaphore, #tpu.memory_space<semaphore_mem>>)
    %dma_start3A_24 = arith.constant 0 : i32
    %dma_start3A_25 = arith.constant 0 : i32
    %dma_start3A_26 = tpu.memref_slice %arg4[%add3A, %dma_start3A_24, %dma_start3A_25] : memref<3125x16x128xf32, #tpu.memory_space<hbm>> -> memref<1x16x128xf32, #tpu.memory_space<hbm>>
    %dma_start3A_27 = tpu.memref_squeeze %dma_start3A_26 : memref<1x16x128xf32, #tpu.memory_space<hbm>> -> memref<16x128xf32, #tpu.memory_space<hbm>>
    %dma_start3A_28 = arith.constant 0 : i32
    %dma_start3A_29 = arith.constant 0 : i32
    %dma_start3A_30 = tpu.memref_slice %arg4[%add3A, %dma_start3A_28, %dma_start3A_29] : memref<3125x16x128xf32, #tpu.memory_space<hbm>> -> memref<1x16x128xf32, #tpu.memory_space<hbm>>
    %dma_start3A_31 = tpu.memref_squeeze %dma_start3A_30 : memref<1x16x128xf32, #tpu.memory_space<hbm>> -> memref<16x128xf32, #tpu.memory_space<hbm>>
    tpu.enqueue_dma source(%dma_start3A_31 : memref<16x128xf32, #tpu.memory_space<hbm>>) target(%arg9 : memref<16x128xf32, #tpu.memory_space<vmem>>) target_semaphore(%arg14 : memref<!tpu.dma_semaphore, #tpu.memory_space<semaphore_mem>>)
    %scan3A_32 = arith.constant 0 : i32
    %scan3A_33 = arith.constant 0 : i32
    %scan3A_34 = arith.constant 49 : i32
    %scan3A_35 = arith.addi %scan3A_33, %scan3A_34 : i32
    %scan3A_36 = arith.constant 1 : i32
    scf.for %scan3A_44 = %scan3A_33 to %scan3A_35 step %scan3A_36  : i32 {
      %mul3A_45 = arith.constant 2 : i32
      %mul3A_46 = arith.muli %scan3A_44, %mul3A_45 : i32
      %add3A_47 = arith.constant 0 : i32
      %add3A_48 = arith.addi %mul3A_46, %add3A_47 : i32
      %mul3A_49 = arith.constant 32 : i32
      %mul3A_50 = arith.muli %add3A_48, %mul3A_49 : i32
      %add3A_51 = arith.addi %add3A, %mul3A_50 : i32
      %add3A_52 = arith.constant 32 : i32
      %add3A_53 = arith.addi %add3A_51, %add3A_52 : i32
      %lt3A = arith.constant 3125 : i32
      %lt3A_54 = arith.cmpi slt, %add3A_53, %lt3A : i32
      %convert_element_type3A = arith.extui %lt3A_54 : i1 to i32
      %cond3A = arith.constant 0 : i32
      %cond3A_55 = arith.cmpi ne, %convert_element_type3A, %cond3A : i32
      scf.if %cond3A_55 {
        %dma_start3A_80 = arith.constant 0 : i32
        %dma_start3A_81 = arith.constant 0 : i32
        %dma_start3A_82 = arith.constant 0 : i32
        %dma_start3A_83 = tpu.memref_slice %arg3[%dma_start3A_80, %add3A_53, %dma_start3A_81, %dma_start3A_82] : memref<2x3125x16x128xi32, #tpu.memory_space<hbm>> -> memref<1x1x16x128xi32, #tpu.memory_space<hbm>>
        %dma_start3A_84 = tpu.memref_squeeze %dma_start3A_83 : memref<1x1x16x128xi32, #tpu.memory_space<hbm>> -> memref<16x128xi32, #tpu.memory_space<hbm>>
        %dma_start3A_85 = arith.constant 0 : i32
        %dma_start3A_86 = arith.constant 0 : i32
        %dma_start3A_87 = tpu.memref_slice %arg3[%dma_start3A_80, %add3A_53, %dma_start3A_85, %dma_start3A_86] : memref<2x3125x16x128xi32, #tpu.memory_space<hbm>> -> memref<1x1x16x128xi32, #tpu.memory_space<hbm>>
        %dma_start3A_88 = tpu.memref_squeeze %dma_start3A_87 : memref<1x1x16x128xi32, #tpu.memory_space<hbm>> -> memref<16x128xi32, #tpu.memory_space<hbm>>
        tpu.enqueue_dma source(%dma_start3A_88 : memref<16x128xi32, #tpu.memory_space<hbm>>) target(%arg10 : memref<16x128xi32, #tpu.memory_space<vmem>>) target_semaphore(%arg15 : memref<!tpu.dma_semaphore, #tpu.memory_space<semaphore_mem>>)
        %dma_start3A_89 = arith.constant 1 : i32
        %dma_start3A_90 = arith.constant 0 : i32
        %dma_start3A_91 = arith.constant 0 : i32
        %dma_start3A_92 = tpu.memref_slice %arg3[%dma_start3A_89, %add3A_53, %dma_start3A_90, %dma_start3A_91] : memref<2x3125x16x128xi32, #tpu.memory_space<hbm>> -> memref<1x1x16x128xi32, #tpu.memory_space<hbm>>
        %dma_start3A_93 = tpu.memref_squeeze %dma_start3A_92 : memref<1x1x16x128xi32, #tpu.memory_space<hbm>> -> memref<16x128xi32, #tpu.memory_space<hbm>>
        %dma_start3A_94 = arith.constant 0 : i32
        %dma_start3A_95 = arith.constant 0 : i32
        %dma_start3A_96 = tpu.memref_slice %arg3[%dma_start3A_89, %add3A_53, %dma_start3A_94, %dma_start3A_95] : memref<2x3125x16x128xi32, #tpu.memory_space<hbm>> -> memref<1x1x16x128xi32, #tpu.memory_space<hbm>>
        %dma_start3A_97 = tpu.memref_squeeze %dma_start3A_96 : memref<1x1x16x128xi32, #tpu.memory_space<hbm>> -> memref<16x128xi32, #tpu.memory_space<hbm>>
        tpu.enqueue_dma source(%dma_start3A_97 : memref<16x128xi32, #tpu.memory_space<hbm>>) target(%arg11 : memref<16x128xi32, #tpu.memory_space<vmem>>) target_semaphore(%arg15 : memref<!tpu.dma_semaphore, #tpu.memory_space<semaphore_mem>>)
        %dma_start3A_98 = arith.constant 0 : i32
        %dma_start3A_99 = arith.constant 0 : i32
        %dma_start3A_100 = tpu.memref_slice %arg4[%add3A_53, %dma_start3A_98, %dma_start3A_99] : memref<3125x16x128xf32, #tpu.memory_space<hbm>> -> memref<1x16x128xf32, #tpu.memory_space<hbm>>
        %dma_start3A_101 = tpu.memref_squeeze %dma_start3A_100 : memref<1x16x128xf32, #tpu.memory_space<hbm>> -> memref<16x128xf32, #tpu.memory_space<hbm>>
        %dma_start3A_102 = arith.constant 0 : i32
        %dma_start3A_103 = arith.constant 0 : i32
        %dma_start3A_104 = tpu.memref_slice %arg4[%add3A_53, %dma_start3A_102, %dma_start3A_103] : memref<3125x16x128xf32, #tpu.memory_space<hbm>> -> memref<1x16x128xf32, #tpu.memory_space<hbm>>
        %dma_start3A_105 = tpu.memref_squeeze %dma_start3A_104 : memref<1x16x128xf32, #tpu.memory_space<hbm>> -> memref<16x128xf32, #tpu.memory_space<hbm>>
        tpu.enqueue_dma source(%dma_start3A_105 : memref<16x128xf32, #tpu.memory_space<hbm>>) target(%arg12 : memref<16x128xf32, #tpu.memory_space<vmem>>) target_semaphore(%arg15 : memref<!tpu.dma_semaphore, #tpu.memory_space<semaphore_mem>>)
      } else {
      }
      %lt3A_56 = arith.constant 3125 : i32
      %lt3A_57 = arith.cmpi slt, %add3A_51, %lt3A_56 : i32
      %convert_element_type3A_58 = arith.extui %lt3A_57 : i1 to i32
      %cond3A_59 = arith.constant 0 : i32
      %cond3A_60 = arith.cmpi ne, %convert_element_type3A_58, %cond3A_59 : i32
      scf.if %cond3A_60 {
        %dma_wait3A = arith.constant 0 : i32
        %dma_wait3A_80 = arith.constant 0 : i32
        %dma_wait3A_81 = arith.constant 0 : i32
        %dma_wait3A_82 = tpu.memref_slice %arg3[%dma_wait3A, %add3A_51, %dma_wait3A_80, %dma_wait3A_81] : memref<2x3125x16x128xi32, #tpu.memory_space<hbm>> -> memref<1x1x16x128xi32, #tpu.memory_space<hbm>>
        %dma_wait3A_83 = tpu.memref_squeeze %dma_wait3A_82 : memref<1x1x16x128xi32, #tpu.memory_space<hbm>> -> memref<16x128xi32, #tpu.memory_space<hbm>>
        %dma_wait3A_84 = arith.constant 0 : i32
        %dma_wait3A_85 = arith.constant 0 : i32
        %dma_wait3A_86 = tpu.memref_slice %arg3[%dma_wait3A, %add3A_51, %dma_wait3A_84, %dma_wait3A_85] : memref<2x3125x16x128xi32, #tpu.memory_space<hbm>> -> memref<1x1x16x128xi32, #tpu.memory_space<hbm>>
        %dma_wait3A_87 = tpu.memref_squeeze %dma_wait3A_86 : memref<1x1x16x128xi32, #tpu.memory_space<hbm>> -> memref<16x128xi32, #tpu.memory_space<hbm>>
        tpu.wait_dma2 semaphore(%arg14 : memref<!tpu.dma_semaphore, #tpu.memory_space<semaphore_mem>>) src(%dma_wait3A_87 : memref<16x128xi32, #tpu.memory_space<hbm>>) dst(%arg7 : memref<16x128xi32, #tpu.memory_space<vmem>>)
        %dma_wait3A_88 = arith.constant 1 : i32
        %dma_wait3A_89 = arith.constant 0 : i32
        %dma_wait3A_90 = arith.constant 0 : i32
        %dma_wait3A_91 = tpu.memref_slice %arg3[%dma_wait3A_88, %add3A_51, %dma_wait3A_89, %dma_wait3A_90] : memref<2x3125x16x128xi32, #tpu.memory_space<hbm>> -> memref<1x1x16x128xi32, #tpu.memory_space<hbm>>
        %dma_wait3A_92 = tpu.memref_squeeze %dma_wait3A_91 : memref<1x1x16x128xi32, #tpu.memory_space<hbm>> -> memref<16x128xi32, #tpu.memory_space<hbm>>
        %dma_wait3A_93 = arith.constant 0 : i32
        %dma_wait3A_94 = arith.constant 0 : i32
        %dma_wait3A_95 = tpu.memref_slice %arg3[%dma_wait3A_88, %add3A_51, %dma_wait3A_93, %dma_wait3A_94] : memref<2x3125x16x128xi32, #tpu.memory_space<hbm>> -> memref<1x1x16x128xi32, #tpu.memory_space<hbm>>
        %dma_wait3A_96 = tpu.memref_squeeze %dma_wait3A_95 : memref<1x1x16x128xi32, #tpu.memory_space<hbm>> -> memref<16x128xi32, #tpu.memory_space<hbm>>
        tpu.wait_dma2 semaphore(%arg14 : memref<!tpu.dma_semaphore, #tpu.memory_space<semaphore_mem>>) src(%dma_wait3A_96 : memref<16x128xi32, #tpu.memory_space<hbm>>) dst(%arg8 : memref<16x128xi32, #tpu.memory_space<vmem>>)
        %dma_wait3A_97 = arith.constant 0 : i32
        %dma_wait3A_98 = arith.constant 0 : i32
        %dma_wait3A_99 = tpu.memref_slice %arg4[%add3A_51, %dma_wait3A_97, %dma_wait3A_98] : memref<3125x16x128xf32, #tpu.memory_space<hbm>> -> memref<1x16x128xf32, #tpu.memory_space<hbm>>
        %dma_wait3A_100 = tpu.memref_squeeze %dma_wait3A_99 : memref<1x16x128xf32, #tpu.memory_space<hbm>> -> memref<16x128xf32, #tpu.memory_space<hbm>>
        %dma_wait3A_101 = arith.constant 0 : i32
        %dma_wait3A_102 = arith.constant 0 : i32
        %dma_wait3A_103 = tpu.memref_slice %arg4[%add3A_51, %dma_wait3A_101, %dma_wait3A_102] : memref<3125x16x128xf32, #tpu.memory_space<hbm>> -> memref<1x16x128xf32, #tpu.memory_space<hbm>>
        %dma_wait3A_104 = tpu.memref_squeeze %dma_wait3A_103 : memref<1x16x128xf32, #tpu.memory_space<hbm>> -> memref<16x128xf32, #tpu.memory_space<hbm>>
        tpu.wait_dma2 semaphore(%arg14 : memref<!tpu.dma_semaphore, #tpu.memory_space<semaphore_mem>>) src(%dma_wait3A_104 : memref<16x128xf32, #tpu.memory_space<hbm>>) dst(%arg9 : memref<16x128xf32, #tpu.memory_space<vmem>>)
        %parallel_loop3A = arith.constant 0 : i32
        %parallel_loop3A_105 = arith.constant 16 : i32
        %parallel_loop3A_106 = arith.constant 1 : i32
        scf.for %parallel_loop3A_107 = %parallel_loop3A to %parallel_loop3A_105 step %parallel_loop3A_106  : i32 {
          %parallel_loop3A_108 = arith.index_cast %parallel_loop3A_107 : i32 to index
          %parallel_loop3A_109 = arith.constant 0 : index
          %parallel_loop3A_110 = tpu.vector_load %arg7[%parallel_loop3A_108, %parallel_loop3A_109] {strides = array<i32>} : memref<16x128xi32, #tpu.memory_space<vmem>>, vector<16xi32>,
          %parallel_loop3A_111 = arith.index_cast %parallel_loop3A_107 : i32 to index
          %parallel_loop3A_112 = arith.constant 0 : index
          %parallel_loop3A_113 = tpu.vector_load %arg8[%parallel_loop3A_111, %parallel_loop3A_112] {strides = array<i32>} : memref<16x128xi32, #tpu.memory_space<vmem>>, vector<16xi32>,
          %parallel_loop3A_114 = arith.index_cast %parallel_loop3A_107 : i32 to index
          %parallel_loop3A_115 = arith.constant 0 : index
          %parallel_loop3A_116 = tpu.vector_load %arg9[%parallel_loop3A_114, %parallel_loop3A_115] {strides = array<i32>} : memref<16x128xf32, #tpu.memory_space<vmem>>, vector<16xf32>,
          %parallel_loop3A_117 = tpu.vector_load_idx %arg6[%parallel_loop3A_110] : memref<100000xi32, #tpu.memory_space<vmem>>[vector<16xi32>], vector<16xi32>,
          %parallel_loop3A_118 = tpu.vector_load_idx %arg6[%parallel_loop3A_113] : memref<100000xi32, #tpu.memory_space<vmem>>[vector<16xi32>], vector<16xi32>,
          %parallel_loop3A_119 = arith.constant 1023 : i32
          %parallel_loop3A_120 = vector.broadcast %parallel_loop3A_119 : i32 to vector<16xi32>
          %parallel_loop3A_121 = arith.andi %parallel_loop3A_117, %parallel_loop3A_120 : vector<16xi32>
          %parallel_loop3A_122 = tpu.bitcast %parallel_loop3A_117 : vector<16xi32> -> vector<16xf32>
          %parallel_loop3A_123 = tpu.bitcast %parallel_loop3A_118 : vector<16xi32> -> vector<16xf32>
          %parallel_loop3A_124 = arith.mulf %parallel_loop3A_116, %parallel_loop3A_116 : vector<16xf32>
          %parallel_loop3A_125 = arith.constant 1.920000e+02 : f32
          %parallel_loop3A_126 = vector.broadcast %parallel_loop3A_125 : f32 to vector<16xf32>
          %parallel_loop3A_127 = arith.mulf %parallel_loop3A_126, %parallel_loop3A_116 : vector<16xf32>
          %parallel_loop3A_128 = arith.constant 2.400000e+02 : f32
          %parallel_loop3A_129 = vector.broadcast %parallel_loop3A_128 : f32 to vector<16xf32>
          %parallel_loop3A_130 = arith.subf %parallel_loop3A_129, %parallel_loop3A_127 : vector<16xf32>
          %parallel_loop3A_131 = arith.mulf %parallel_loop3A_116, %parallel_loop3A_130 : vector<16xf32>
          %parallel_loop3A_132 = arith.constant -8.000000e+01 : f32
          %parallel_loop3A_133 = vector.broadcast %parallel_loop3A_132 : f32 to vector<16xf32>
          %parallel_loop3A_134 = arith.addf %parallel_loop3A_133, %parallel_loop3A_131 : vector<16xf32>
          %parallel_loop3A_135 = arith.mulf %parallel_loop3A_124, %parallel_loop3A_116 : vector<16xf32>
          %parallel_loop3A_136 = arith.mulf %parallel_loop3A_135, %parallel_loop3A_134 : vector<16xf32>
          %parallel_loop3A_137 = arith.constant 1.000000e+00 : f32
          %parallel_loop3A_138 = vector.broadcast %parallel_loop3A_137 : f32 to vector<16xf32>
          %parallel_loop3A_139 = arith.addf %parallel_loop3A_138, %parallel_loop3A_136 : vector<16xf32>
          %parallel_loop3A_140 = arith.constant 5.000000e-01 : f32
          %parallel_loop3A_141 = vector.broadcast %parallel_loop3A_140 : f32 to vector<16xf32>
          %parallel_loop3A_142 = arith.cmpf olt, %parallel_loop3A_116, %parallel_loop3A_141 : vector<16xf32>
          %parallel_loop3A_143 = arith.constant 0.000000e+00 : f32
          %parallel_loop3A_144 = vector.broadcast %parallel_loop3A_143 : f32 to vector<16xf32>
          %parallel_loop3A_145 = arith.select %parallel_loop3A_142, %parallel_loop3A_139, %parallel_loop3A_144 : vector<16xi1>, vector<16xf32>
          %parallel_loop3A_146 = arith.constant 1.000000e+00 : f32
          %parallel_loop3A_147 = vector.broadcast %parallel_loop3A_146 : f32 to vector<16xf32>
          %parallel_loop3A_148 = arith.addf %parallel_loop3A_124, %parallel_loop3A_147 : vector<16xf32>
          %parallel_loop3A_149 = tpu.bitcast %parallel_loop3A_148 : vector<16xf32> -> vector<16xi32>
          %parallel_loop3A_150 = arith.constant 1 : i32
          %parallel_loop3A_151 = vector.broadcast %parallel_loop3A_150 : i32 to vector<16xi32>
          %parallel_loop3A_152 = arith.shrsi %parallel_loop3A_149, %parallel_loop3A_151 : vector<16xi32>
          %parallel_loop3A_153 = arith.constant 1597463007 : i32
          %parallel_loop3A_154 = vector.broadcast %parallel_loop3A_153 : i32 to vector<16xi32>
          %parallel_loop3A_155 = arith.subi %parallel_loop3A_154, %parallel_loop3A_152 : vector<16xi32>
          %parallel_loop3A_156 = tpu.bitcast %parallel_loop3A_155 : vector<16xi32> -> vector<16xf32>
          %parallel_loop3A_157 = arith.constant 5.000000e-01 : f32
          %parallel_loop3A_158 = vector.broadcast %parallel_loop3A_157 : f32 to vector<16xf32>
          %parallel_loop3A_159 = arith.mulf %parallel_loop3A_158, %parallel_loop3A_148 : vector<16xf32>
          %parallel_loop3A_160 = arith.mulf %parallel_loop3A_159, %parallel_loop3A_156 : vector<16xf32>
          %parallel_loop3A_161 = arith.mulf %parallel_loop3A_160, %parallel_loop3A_156 : vector<16xf32>
          %parallel_loop3A_162 = arith.constant 1.500000e+00 : f32
          %parallel_loop3A_163 = vector.broadcast %parallel_loop3A_162 : f32 to vector<16xf32>
          %parallel_loop3A_164 = arith.subf %parallel_loop3A_163, %parallel_loop3A_161 : vector<16xf32>
          %parallel_loop3A_165 = arith.mulf %parallel_loop3A_156, %parallel_loop3A_164 : vector<16xf32>
          %parallel_loop3A_166 = arith.constant 1.000000e+00 : f32
          %parallel_loop3A_167 = vector.broadcast %parallel_loop3A_166 : f32 to vector<16xf32>
          %parallel_loop3A_168 = arith.divf %parallel_loop3A_167, %parallel_loop3A_116 : vector<16xf32>
          %parallel_loop3A_169 = arith.subf %parallel_loop3A_165, %parallel_loop3A_168 : vector<16xf32>
          %parallel_loop3A_170 = arith.mulf %parallel_loop3A_145, %parallel_loop3A_169 : vector<16xf32>
          %parallel_loop3A_171 = arith.addf %parallel_loop3A_168, %parallel_loop3A_170 : vector<16xf32>
          %parallel_loop3A_172 = arith.mulf %parallel_loop3A_122, %parallel_loop3A_123 : vector<16xf32>
          %parallel_loop3A_173 = arith.mulf %parallel_loop3A_172, %parallel_loop3A_171 : vector<16xf32>
          %parallel_loop3A_174 = arith.cmpi slt, %parallel_loop3A_110, %parallel_loop3A_113 : vector<16xi32>
          tpu.vector_store_idx %arg13[%iota3A, %parallel_loop3A_121], %parallel_loop3A_173 masked %parallel_loop3A_174 {add = true} : memref<16x1024xf32, #tpu.memory_space<vmem>>[vector<16xi32>, vector<16xi32>], vector<16xf32>, vector<16xi1>
          %parallel_loop3A_175 = arith.index_cast %parallel_loop3A_107 : i32 to index
          %parallel_loop3A_176 = arith.constant 16 : index
          %parallel_loop3A_177 = tpu.vector_load %arg7[%parallel_loop3A_175, %parallel_loop3A_176] {strides = array<i32>} : memref<16x128xi32, #tpu.memory_space<vmem>>, vector<16xi32>,
          %parallel_loop3A_178 = arith.index_cast %parallel_loop3A_107 : i32 to index
          %parallel_loop3A_179 = arith.constant 16 : index
          %parallel_loop3A_180 = tpu.vector_load %arg8[%parallel_loop3A_178, %parallel_loop3A_179] {strides = array<i32>} : memref<16x128xi32, #tpu.memory_space<vmem>>, vector<16xi32>,
          %parallel_loop3A_181 = arith.index_cast %parallel_loop3A_107 : i32 to index
          %parallel_loop3A_182 = arith.constant 16 : index
          %parallel_loop3A_183 = tpu.vector_load %arg9[%parallel_loop3A_181, %parallel_loop3A_182] {strides = array<i32>} : memref<16x128xf32, #tpu.memory_space<vmem>>, vector<16xf32>,
          %parallel_loop3A_184 = tpu.vector_load_idx %arg6[%parallel_loop3A_177] : memref<100000xi32, #tpu.memory_space<vmem>>[vector<16xi32>], vector<16xi32>,
          %parallel_loop3A_185 = tpu.vector_load_idx %arg6[%parallel_loop3A_180] : memref<100000xi32, #tpu.memory_space<vmem>>[vector<16xi32>], vector<16xi32>,
          %parallel_loop3A_186 = arith.constant 1023 : i32
          %parallel_loop3A_187 = vector.broadcast %parallel_loop3A_186 : i32 to vector<16xi32>
          %parallel_loop3A_188 = arith.andi %parallel_loop3A_184, %parallel_loop3A_187 : vector<16xi32>
          %parallel_loop3A_189 = tpu.bitcast %parallel_loop3A_184 : vector<16xi32> -> vector<16xf32>
          %parallel_loop3A_190 = tpu.bitcast %parallel_loop3A_185 : vector<16xi32> -> vector<16xf32>
          %parallel_loop3A_191 = arith.mulf %parallel_loop3A_183, %parallel_loop3A_183 : vector<16xf32>
          %parallel_loop3A_192 = arith.constant 1.920000e+02 : f32
          %parallel_loop3A_193 = vector.broadcast %parallel_loop3A_192 : f32 to vector<16xf32>
          %parallel_loop3A_194 = arith.mulf %parallel_loop3A_193, %parallel_loop3A_183 : vector<16xf32>
          %parallel_loop3A_195 = arith.constant 2.400000e+02 : f32
          %parallel_loop3A_196 = vector.broadcast %parallel_loop3A_195 : f32 to vector<16xf32>
          %parallel_loop3A_197 = arith.subf %parallel_loop3A_196, %parallel_loop3A_194 : vector<16xf32>
          %parallel_loop3A_198 = arith.mulf %parallel_loop3A_183, %parallel_loop3A_197 : vector<16xf32>
          %parallel_loop3A_199 = arith.constant -8.000000e+01 : f32
          %parallel_loop3A_200 = vector.broadcast %parallel_loop3A_199 : f32 to vector<16xf32>
          %parallel_loop3A_201 = arith.addf %parallel_loop3A_200, %parallel_loop3A_198 : vector<16xf32>
          %parallel_loop3A_202 = arith.mulf %parallel_loop3A_191, %parallel_loop3A_183 : vector<16xf32>
          %parallel_loop3A_203 = arith.mulf %parallel_loop3A_202, %parallel_loop3A_201 : vector<16xf32>
          %parallel_loop3A_204 = arith.constant 1.000000e+00 : f32
          %parallel_loop3A_205 = vector.broadcast %parallel_loop3A_204 : f32 to vector<16xf32>
          %parallel_loop3A_206 = arith.addf %parallel_loop3A_205, %parallel_loop3A_203 : vector<16xf32>
          %parallel_loop3A_207 = arith.constant 5.000000e-01 : f32
          %parallel_loop3A_208 = vector.broadcast %parallel_loop3A_207 : f32 to vector<16xf32>
          %parallel_loop3A_209 = arith.cmpf olt, %parallel_loop3A_183, %parallel_loop3A_208 : vector<16xf32>
          %parallel_loop3A_210 = arith.constant 0.000000e+00 : f32
          %parallel_loop3A_211 = vector.broadcast %parallel_loop3A_210 : f32 to vector<16xf32>
          %parallel_loop3A_212 = arith.select %parallel_loop3A_209, %parallel_loop3A_206, %parallel_loop3A_211 : vector<16xi1>, vector<16xf32>
          %parallel_loop3A_213 = arith.constant 1.000000e+00 : f32
          %parallel_loop3A_214 = vector.broadcast %parallel_loop3A_213 : f32 to vector<16xf32>
          %parallel_loop3A_215 = arith.addf %parallel_loop3A_191, %parallel_loop3A_214 : vector<16xf32>
          %parallel_loop3A_216 = tpu.bitcast %parallel_loop3A_215 : vector<16xf32> -> vector<16xi32>
          %parallel_loop3A_217 = arith.constant 1 : i32
          %parallel_loop3A_218 = vector.broadcast %parallel_loop3A_217 : i32 to vector<16xi32>
          %parallel_loop3A_219 = arith.shrsi %parallel_loop3A_216, %parallel_loop3A_218 : vector<16xi32>
          %parallel_loop3A_220 = arith.constant 1597463007 : i32
          %parallel_loop3A_221 = vector.broadcast %parallel_loop3A_220 : i32 to vector<16xi32>
          %parallel_loop3A_222 = arith.subi %parallel_loop3A_221, %parallel_loop3A_219 : vector<16xi32>
          %parallel_loop3A_223 = tpu.bitcast %parallel_loop3A_222 : vector<16xi32> -> vector<16xf32>
          %parallel_loop3A_224 = arith.constant 5.000000e-01 : f32
          %parallel_loop3A_225 = vector.broadcast %parallel_loop3A_224 : f32 to vector<16xf32>
          %parallel_loop3A_226 = arith.mulf %parallel_loop3A_225, %parallel_loop3A_215 : vector<16xf32>
          %parallel_loop3A_227 = arith.mulf %parallel_loop3A_226, %parallel_loop3A_223 : vector<16xf32>
          %parallel_loop3A_228 = arith.mulf %parallel_loop3A_227, %parallel_loop3A_223 : vector<16xf32>
          %parallel_loop3A_229 = arith.constant 1.500000e+00 : f32
          %parallel_loop3A_230 = vector.broadcast %parallel_loop3A_229 : f32 to vector<16xf32>
          %parallel_loop3A_231 = arith.subf %parallel_loop3A_230, %parallel_loop3A_228 : vector<16xf32>
          %parallel_loop3A_232 = arith.mulf %parallel_loop3A_223, %parallel_loop3A_231 : vector<16xf32>
          %parallel_loop3A_233 = arith.constant 1.000000e+00 : f32
          %parallel_loop3A_234 = vector.broadcast %parallel_loop3A_233 : f32 to vector<16xf32>
          %parallel_loop3A_235 = arith.divf %parallel_loop3A_234, %parallel_loop3A_183 : vector<16xf32>
          %parallel_loop3A_236 = arith.subf %parallel_loop3A_232, %parallel_loop3A_235 : vector<16xf32>
          %parallel_loop3A_237 = arith.mulf %parallel_loop3A_212, %parallel_loop3A_236 : vector<16xf32>
          %parallel_loop3A_238 = arith.addf %parallel_loop3A_235, %parallel_loop3A_237 : vector<16xf32>
          %parallel_loop3A_239 = arith.mulf %parallel_loop3A_189, %parallel_loop3A_190 : vector<16xf32>
          %parallel_loop3A_240 = arith.mulf %parallel_loop3A_239, %parallel_loop3A_238 : vector<16xf32>
          %parallel_loop3A_241 = arith.cmpi slt, %parallel_loop3A_177, %parallel_loop3A_180 : vector<16xi32>
          tpu.vector_store_idx %arg13[%iota3A, %parallel_loop3A_188], %parallel_loop3A_240 masked %parallel_loop3A_241 {add = true} : memref<16x1024xf32, #tpu.memory_space<vmem>>[vector<16xi32>, vector<16xi32>], vector<16xf32>, vector<16xi1>
          %parallel_loop3A_242 = arith.index_cast %parallel_loop3A_107 : i32 to index
          %parallel_loop3A_243 = arith.constant 32 : index
          %parallel_loop3A_244 = tpu.vector_load %arg7[%parallel_loop3A_242, %parallel_loop3A_243] {strides = array<i32>} : memref<16x128xi32, #tpu.memory_space<vmem>>, vector<16xi32>,
          %parallel_loop3A_245 = arith.index_cast %parallel_loop3A_107 : i32 to index
          %parallel_loop3A_246 = arith.constant 32 : index
          %parallel_loop3A_247 = tpu.vector_load %arg8[%parallel_loop3A_245, %parallel_loop3A_246] {strides = array<i32>} : memref<16x128xi32, #tpu.memory_space<vmem>>, vector<16xi32>,
          %parallel_loop3A_248 = arith.index_cast %parallel_loop3A_107 : i32 to index
          %parallel_loop3A_249 = arith.constant 32 : index
          %parallel_loop3A_250 = tpu.vector_load %arg9[%parallel_loop3A_248, %parallel_loop3A_249] {strides = array<i32>} : memref<16x128xf32, #tpu.memory_space<vmem>>, vector<16xf32>,
          %parallel_loop3A_251 = tpu.vector_load_idx %arg6[%parallel_loop3A_244] : memref<100000xi32, #tpu.memory_space<vmem>>[vector<16xi32>], vector<16xi32>,
          %parallel_loop3A_252 = tpu.vector_load_idx %arg6[%parallel_loop3A_247] : memref<100000xi32, #tpu.memory_space<vmem>>[vector<16xi32>], vector<16xi32>,
          %parallel_loop3A_253 = arith.constant 1023 : i32
          %parallel_loop3A_254 = vector.broadcast %parallel_loop3A_253 : i32 to vector<16xi32>
          %parallel_loop3A_255 = arith.andi %parallel_loop3A_251, %parallel_loop3A_254 : vector<16xi32>
          %parallel_loop3A_256 = tpu.bitcast %parallel_loop3A_251 : vector<16xi32> -> vector<16xf32>
          %parallel_loop3A_257 = tpu.bitcast %parallel_loop3A_252 : vector<16xi32> -> vector<16xf32>
          %parallel_loop3A_258 = arith.mulf %parallel_loop3A_250, %parallel_loop3A_250 : vector<16xf32>
          %parallel_loop3A_259 = arith.constant 1.920000e+02 : f32
          %parallel_loop3A_260 = vector.broadcast %parallel_loop3A_259 : f32 to vector<16xf32>
          %parallel_loop3A_261 = arith.mulf %parallel_loop3A_260, %parallel_loop3A_250 : vector<16xf32>
          %parallel_loop3A_262 = arith.constant 2.400000e+02 : f32
          %parallel_loop3A_263 = vector.broadcast %parallel_loop3A_262 : f32 to vector<16xf32>
          %parallel_loop3A_264 = arith.subf %parallel_loop3A_263, %parallel_loop3A_261 : vector<16xf32>
          %parallel_loop3A_265 = arith.mulf %parallel_loop3A_250, %parallel_loop3A_264 : vector<16xf32>
          %parallel_loop3A_266 = arith.constant -8.000000e+01 : f32
          %parallel_loop3A_267 = vector.broadcast %parallel_loop3A_266 : f32 to vector<16xf32>
          %parallel_loop3A_268 = arith.addf %parallel_loop3A_267, %parallel_loop3A_265 : vector<16xf32>
          %parallel_loop3A_269 = arith.mulf %parallel_loop3A_258, %parallel_loop3A_250 : vector<16xf32>
          %parallel_loop3A_270 = arith.mulf %parallel_loop3A_269, %parallel_loop3A_268 : vector<16xf32>
          %parallel_loop3A_271 = arith.constant 1.000000e+00 : f32
          %parallel_loop3A_272 = vector.broadcast %parallel_loop3A_271 : f32 to vector<16xf32>
          %parallel_loop3A_273 = arith.addf %parallel_loop3A_272, %parallel_loop3A_270 : vector<16xf32>
          %parallel_loop3A_274 = arith.constant 5.000000e-01 : f32
          %parallel_loop3A_275 = vector.broadcast %parallel_loop3A_274 : f32 to vector<16xf32>
          %parallel_loop3A_276 = arith.cmpf olt, %parallel_loop3A_250, %parallel_loop3A_275 : vector<16xf32>
          %parallel_loop3A_277 = arith.constant 0.000000e+00 : f32
          %parallel_loop3A_278 = vector.broadcast %parallel_loop3A_277 : f32 to vector<16xf32>
          %parallel_loop3A_279 = arith.select %parallel_loop3A_276, %parallel_loop3A_273, %parallel_loop3A_278 : vector<16xi1>, vector<16xf32>
          %parallel_loop3A_280 = arith.constant 1.000000e+00 : f32
          %parallel_loop3A_281 = vector.broadcast %parallel_loop3A_280 : f32 to vector<16xf32>
          %parallel_loop3A_282 = arith.addf %parallel_loop3A_258, %parallel_loop3A_281 : vector<16xf32>
          %parallel_loop3A_283 = tpu.bitcast %parallel_loop3A_282 : vector<16xf32> -> vector<16xi32>
          %parallel_loop3A_284 = arith.constant 1 : i32
          %parallel_loop3A_285 = vector.broadcast %parallel_loop3A_284 : i32 to vector<16xi32>
          %parallel_loop3A_286 = arith.shrsi %parallel_loop3A_283, %parallel_loop3A_285 : vector<16xi32>
          %parallel_loop3A_287 = arith.constant 1597463007 : i32
          %parallel_loop3A_288 = vector.broadcast %parallel_loop3A_287 : i32 to vector<16xi32>
          %parallel_loop3A_289 = arith.subi %parallel_loop3A_288, %parallel_loop3A_286 : vector<16xi32>
          %parallel_loop3A_290 = tpu.bitcast %parallel_loop3A_289 : vector<16xi32> -> vector<16xf32>
          %parallel_loop3A_291 = arith.constant 5.000000e-01 : f32
          %parallel_loop3A_292 = vector.broadcast %parallel_loop3A_291 : f32 to vector<16xf32>
          %parallel_loop3A_293 = arith.mulf %parallel_loop3A_292, %parallel_loop3A_282 : vector<16xf32>
          %parallel_loop3A_294 = arith.mulf %parallel_loop3A_293, %parallel_loop3A_290 : vector<16xf32>
          %parallel_loop3A_295 = arith.mulf %parallel_loop3A_294, %parallel_loop3A_290 : vector<16xf32>
          %parallel_loop3A_296 = arith.constant 1.500000e+00 : f32
          %parallel_loop3A_297 = vector.broadcast %parallel_loop3A_296 : f32 to vector<16xf32>
          %parallel_loop3A_298 = arith.subf %parallel_loop3A_297, %parallel_loop3A_295 : vector<16xf32>
          %parallel_loop3A_299 = arith.mulf %parallel_loop3A_290, %parallel_loop3A_298 : vector<16xf32>
          %parallel_loop3A_300 = arith.constant 1.000000e+00 : f32
          %parallel_loop3A_301 = vector.broadcast %parallel_loop3A_300 : f32 to vector<16xf32>
          %parallel_loop3A_302 = arith.divf %parallel_loop3A_301, %parallel_loop3A_250 : vector<16xf32>
          %parallel_loop3A_303 = arith.subf %parallel_loop3A_299, %parallel_loop3A_302 : vector<16xf32>
          %parallel_loop3A_304 = arith.mulf %parallel_loop3A_279, %parallel_loop3A_303 : vector<16xf32>
          %parallel_loop3A_305 = arith.addf %parallel_loop3A_302, %parallel_loop3A_304 : vector<16xf32>
          %parallel_loop3A_306 = arith.mulf %parallel_loop3A_256, %parallel_loop3A_257 : vector<16xf32>
          %parallel_loop3A_307 = arith.mulf %parallel_loop3A_306, %parallel_loop3A_305 : vector<16xf32>
          %parallel_loop3A_308 = arith.cmpi slt, %parallel_loop3A_244, %parallel_loop3A_247 : vector<16xi32>
          tpu.vector_store_idx %arg13[%iota3A, %parallel_loop3A_255], %parallel_loop3A_307 masked %parallel_loop3A_308 {add = true} : memref<16x1024xf32, #tpu.memory_space<vmem>>[vector<16xi32>, vector<16xi32>], vector<16xf32>, vector<16xi1>
          %parallel_loop3A_309 = arith.index_cast %parallel_loop3A_107 : i32 to index
          %parallel_loop3A_310 = arith.constant 48 : index
          %parallel_loop3A_311 = tpu.vector_load %arg7[%parallel_loop3A_309, %parallel_loop3A_310] {strides = array<i32>} : memref<16x128xi32, #tpu.memory_space<vmem>>, vector<16xi32>,
          %parallel_loop3A_312 = arith.index_cast %parallel_loop3A_107 : i32 to index
          %parallel_loop3A_313 = arith.constant 48 : index
          %parallel_loop3A_314 = tpu.vector_load %arg8[%parallel_loop3A_312, %parallel_loop3A_313] {strides = array<i32>} : memref<16x128xi32, #tpu.memory_space<vmem>>, vector<16xi32>,
          %parallel_loop3A_315 = arith.index_cast %parallel_loop3A_107 : i32 to index
          %parallel_loop3A_316 = arith.constant 48 : index
          %parallel_loop3A_317 = tpu.vector_load %arg9[%parallel_loop3A_315, %parallel_loop3A_316] {strides = array<i32>} : memref<16x128xf32, #tpu.memory_space<vmem>>, vector<16xf32>,
          %parallel_loop3A_318 = tpu.vector_load_idx %arg6[%parallel_loop3A_311] : memref<100000xi32, #tpu.memory_space<vmem>>[vector<16xi32>], vector<16xi32>,
          %parallel_loop3A_319 = tpu.vector_load_idx %arg6[%parallel_loop3A_314] : memref<100000xi32, #tpu.memory_space<vmem>>[vector<16xi32>], vector<16xi32>,
          %parallel_loop3A_320 = arith.constant 1023 : i32
          %parallel_loop3A_321 = vector.broadcast %parallel_loop3A_320 : i32 to vector<16xi32>
          %parallel_loop3A_322 = arith.andi %parallel_loop3A_318, %parallel_loop3A_321 : vector<16xi32>
          %parallel_loop3A_323 = tpu.bitcast %parallel_loop3A_318 : vector<16xi32> -> vector<16xf32>
          %parallel_loop3A_324 = tpu.bitcast %parallel_loop3A_319 : vector<16xi32> -> vector<16xf32>
          %parallel_loop3A_325 = arith.mulf %parallel_loop3A_317, %parallel_loop3A_317 : vector<16xf32>
          %parallel_loop3A_326 = arith.constant 1.920000e+02 : f32
          %parallel_loop3A_327 = vector.broadcast %parallel_loop3A_326 : f32 to vector<16xf32>
          %parallel_loop3A_328 = arith.mulf %parallel_loop3A_327, %parallel_loop3A_317 : vector<16xf32>
          %parallel_loop3A_329 = arith.constant 2.400000e+02 : f32
          %parallel_loop3A_330 = vector.broadcast %parallel_loop3A_329 : f32 to vector<16xf32>
          %parallel_loop3A_331 = arith.subf %parallel_loop3A_330, %parallel_loop3A_328 : vector<16xf32>
          %parallel_loop3A_332 = arith.mulf %parallel_loop3A_317, %parallel_loop3A_331 : vector<16xf32>
          %parallel_loop3A_333 = arith.constant -8.000000e+01 : f32
          %parallel_loop3A_334 = vector.broadcast %parallel_loop3A_333 : f32 to vector<16xf32>
          %parallel_loop3A_335 = arith.addf %parallel_loop3A_334, %parallel_loop3A_332 : vector<16xf32>
          %parallel_loop3A_336 = arith.mulf %parallel_loop3A_325, %parallel_loop3A_317 : vector<16xf32>
          %parallel_loop3A_337 = arith.mulf %parallel_loop3A_336, %parallel_loop3A_335 : vector<16xf32>
          %parallel_loop3A_338 = arith.constant 1.000000e+00 : f32
          %parallel_loop3A_339 = vector.broadcast %parallel_loop3A_338 : f32 to vector<16xf32>
          %parallel_loop3A_340 = arith.addf %parallel_loop3A_339, %parallel_loop3A_337 : vector<16xf32>
          %parallel_loop3A_341 = arith.constant 5.000000e-01 : f32
          %parallel_loop3A_342 = vector.broadcast %parallel_loop3A_341 : f32 to vector<16xf32>
          %parallel_loop3A_343 = arith.cmpf olt, %parallel_loop3A_317, %parallel_loop3A_342 : vector<16xf32>
          %parallel_loop3A_344 = arith.constant 0.000000e+00 : f32
          %parallel_loop3A_345 = vector.broadcast %parallel_loop3A_344 : f32 to vector<16xf32>
          %parallel_loop3A_346 = arith.select %parallel_loop3A_343, %parallel_loop3A_340, %parallel_loop3A_345 : vector<16xi1>, vector<16xf32>
          %parallel_loop3A_347 = arith.constant 1.000000e+00 : f32
          %parallel_loop3A_348 = vector.broadcast %parallel_loop3A_347 : f32 to vector<16xf32>
          %parallel_loop3A_349 = arith.addf %parallel_loop3A_325, %parallel_loop3A_348 : vector<16xf32>
          %parallel_loop3A_350 = tpu.bitcast %parallel_loop3A_349 : vector<16xf32> -> vector<16xi32>
          %parallel_loop3A_351 = arith.constant 1 : i32
          %parallel_loop3A_352 = vector.broadcast %parallel_loop3A_351 : i32 to vector<16xi32>
          %parallel_loop3A_353 = arith.shrsi %parallel_loop3A_350, %parallel_loop3A_352 : vector<16xi32>
          %parallel_loop3A_354 = arith.constant 1597463007 : i32
          %parallel_loop3A_355 = vector.broadcast %parallel_loop3A_354 : i32 to vector<16xi32>
          %parallel_loop3A_356 = arith.subi %parallel_loop3A_355, %parallel_loop3A_353 : vector<16xi32>
          %parallel_loop3A_357 = tpu.bitcast %parallel_loop3A_356 : vector<16xi32> -> vector<16xf32>
          %parallel_loop3A_358 = arith.constant 5.000000e-01 : f32
          %parallel_loop3A_359 = vector.broadcast %parallel_loop3A_358 : f32 to vector<16xf32>
          %parallel_loop3A_360 = arith.mulf %parallel_loop3A_359, %parallel_loop3A_349 : vector<16xf32>
          %parallel_loop3A_361 = arith.mulf %parallel_loop3A_360, %parallel_loop3A_357 : vector<16xf32>
          %parallel_loop3A_362 = arith.mulf %parallel_loop3A_361, %parallel_loop3A_357 : vector<16xf32>
          %parallel_loop3A_363 = arith.constant 1.500000e+00 : f32
          %parallel_loop3A_364 = vector.broadcast %parallel_loop3A_363 : f32 to vector<16xf32>
          %parallel_loop3A_365 = arith.subf %parallel_loop3A_364, %parallel_loop3A_362 : vector<16xf32>
          %parallel_loop3A_366 = arith.mulf %parallel_loop3A_357, %parallel_loop3A_365 : vector<16xf32>
          %parallel_loop3A_367 = arith.constant 1.000000e+00 : f32
          %parallel_loop3A_368 = vector.broadcast %parallel_loop3A_367 : f32 to vector<16xf32>
          %parallel_loop3A_369 = arith.divf %parallel_loop3A_368, %parallel_loop3A_317 : vector<16xf32>
          %parallel_loop3A_370 = arith.subf %parallel_loop3A_366, %parallel_loop3A_369 : vector<16xf32>
          %parallel_loop3A_371 = arith.mulf %parallel_loop3A_346, %parallel_loop3A_370 : vector<16xf32>
          %parallel_loop3A_372 = arith.addf %parallel_loop3A_369, %parallel_loop3A_371 : vector<16xf32>
          %parallel_loop3A_373 = arith.mulf %parallel_loop3A_323, %parallel_loop3A_324 : vector<16xf32>
          %parallel_loop3A_374 = arith.mulf %parallel_loop3A_373, %parallel_loop3A_372 : vector<16xf32>
          %parallel_loop3A_375 = arith.cmpi slt, %parallel_loop3A_311, %parallel_loop3A_314 : vector<16xi32>
          tpu.vector_store_idx %arg13[%iota3A, %parallel_loop3A_322], %parallel_loop3A_374 masked %parallel_loop3A_375 {add = true} : memref<16x1024xf32, #tpu.memory_space<vmem>>[vector<16xi32>, vector<16xi32>], vector<16xf32>, vector<16xi1>
          %parallel_loop3A_376 = arith.index_cast %parallel_loop3A_107 : i32 to index
          %parallel_loop3A_377 = arith.constant 64 : index
          %parallel_loop3A_378 = tpu.vector_load %arg7[%parallel_loop3A_376, %parallel_loop3A_377] {strides = array<i32>} : memref<16x128xi32, #tpu.memory_space<vmem>>, vector<16xi32>,
          %parallel_loop3A_379 = arith.index_cast %parallel_loop3A_107 : i32 to index
          %parallel_loop3A_380 = arith.constant 64 : index
          %parallel_loop3A_381 = tpu.vector_load %arg8[%parallel_loop3A_379, %parallel_loop3A_380] {strides = array<i32>} : memref<16x128xi32, #tpu.memory_space<vmem>>, vector<16xi32>,
          %parallel_loop3A_382 = arith.index_cast %parallel_loop3A_107 : i32 to index
          %parallel_loop3A_383 = arith.constant 64 : index
          %parallel_loop3A_384 = tpu.vector_load %arg9[%parallel_loop3A_382, %parallel_loop3A_383] {strides = array<i32>} : memref<16x128xf32, #tpu.memory_space<vmem>>, vector<16xf32>,
          %parallel_loop3A_385 = tpu.vector_load_idx %arg6[%parallel_loop3A_378] : memref<100000xi32, #tpu.memory_space<vmem>>[vector<16xi32>], vector<16xi32>,
          %parallel_loop3A_386 = tpu.vector_load_idx %arg6[%parallel_loop3A_381] : memref<100000xi32, #tpu.memory_space<vmem>>[vector<16xi32>], vector<16xi32>,
          %parallel_loop3A_387 = arith.constant 1023 : i32
          %parallel_loop3A_388 = vector.broadcast %parallel_loop3A_387 : i32 to vector<16xi32>
          %parallel_loop3A_389 = arith.andi %parallel_loop3A_385, %parallel_loop3A_388 : vector<16xi32>
          %parallel_loop3A_390 = tpu.bitcast %parallel_loop3A_385 : vector<16xi32> -> vector<16xf32>
          %parallel_loop3A_391 = tpu.bitcast %parallel_loop3A_386 : vector<16xi32> -> vector<16xf32>
          %parallel_loop3A_392 = arith.mulf %parallel_loop3A_384, %parallel_loop3A_384 : vector<16xf32>
          %parallel_loop3A_393 = arith.constant 1.920000e+02 : f32
          %parallel_loop3A_394 = vector.broadcast %parallel_loop3A_393 : f32 to vector<16xf32>
          %parallel_loop3A_395 = arith.mulf %parallel_loop3A_394, %parallel_loop3A_384 : vector<16xf32>
          %parallel_loop3A_396 = arith.constant 2.400000e+02 : f32
          %parallel_loop3A_397 = vector.broadcast %parallel_loop3A_396 : f32 to vector<16xf32>
          %parallel_loop3A_398 = arith.subf %parallel_loop3A_397, %parallel_loop3A_395 : vector<16xf32>
          %parallel_loop3A_399 = arith.mulf %parallel_loop3A_384, %parallel_loop3A_398 : vector<16xf32>
          %parallel_loop3A_400 = arith.constant -8.000000e+01 : f32
          %parallel_loop3A_401 = vector.broadcast %parallel_loop3A_400 : f32 to vector<16xf32>
          %parallel_loop3A_402 = arith.addf %parallel_loop3A_401, %parallel_loop3A_399 : vector<16xf32>
          %parallel_loop3A_403 = arith.mulf %parallel_loop3A_392, %parallel_loop3A_384 : vector<16xf32>
          %parallel_loop3A_404 = arith.mulf %parallel_loop3A_403, %parallel_loop3A_402 : vector<16xf32>
          %parallel_loop3A_405 = arith.constant 1.000000e+00 : f32
          %parallel_loop3A_406 = vector.broadcast %parallel_loop3A_405 : f32 to vector<16xf32>
          %parallel_loop3A_407 = arith.addf %parallel_loop3A_406, %parallel_loop3A_404 : vector<16xf32>
          %parallel_loop3A_408 = arith.constant 5.000000e-01 : f32
          %parallel_loop3A_409 = vector.broadcast %parallel_loop3A_408 : f32 to vector<16xf32>
          %parallel_loop3A_410 = arith.cmpf olt, %parallel_loop3A_384, %parallel_loop3A_409 : vector<16xf32>
          %parallel_loop3A_411 = arith.constant 0.000000e+00 : f32
          %parallel_loop3A_412 = vector.broadcast %parallel_loop3A_411 : f32 to vector<16xf32>
          %parallel_loop3A_413 = arith.select %parallel_loop3A_410, %parallel_loop3A_407, %parallel_loop3A_412 : vector<16xi1>, vector<16xf32>
          %parallel_loop3A_414 = arith.constant 1.000000e+00 : f32
          %parallel_loop3A_415 = vector.broadcast %parallel_loop3A_414 : f32 to vector<16xf32>
          %parallel_loop3A_416 = arith.addf %parallel_loop3A_392, %parallel_loop3A_415 : vector<16xf32>
          %parallel_loop3A_417 = tpu.bitcast %parallel_loop3A_416 : vector<16xf32> -> vector<16xi32>
          %parallel_loop3A_418 = arith.constant 1 : i32
          %parallel_loop3A_419 = vector.broadcast %parallel_loop3A_418 : i32 to vector<16xi32>
          %parallel_loop3A_420 = arith.shrsi %parallel_loop3A_417, %parallel_loop3A_419 : vector<16xi32>
          %parallel_loop3A_421 = arith.constant 1597463007 : i32
          %parallel_loop3A_422 = vector.broadcast %parallel_loop3A_421 : i32 to vector<16xi32>
          %parallel_loop3A_423 = arith.subi %parallel_loop3A_422, %parallel_loop3A_420 : vector<16xi32>
          %parallel_loop3A_424 = tpu.bitcast %parallel_loop3A_423 : vector<16xi32> -> vector<16xf32>
          %parallel_loop3A_425 = arith.constant 5.000000e-01 : f32
          %parallel_loop3A_426 = vector.broadcast %parallel_loop3A_425 : f32 to vector<16xf32>
          %parallel_loop3A_427 = arith.mulf %parallel_loop3A_426, %parallel_loop3A_416 : vector<16xf32>
          %parallel_loop3A_428 = arith.mulf %parallel_loop3A_427, %parallel_loop3A_424 : vector<16xf32>
          %parallel_loop3A_429 = arith.mulf %parallel_loop3A_428, %parallel_loop3A_424 : vector<16xf32>
          %parallel_loop3A_430 = arith.constant 1.500000e+00 : f32
          %parallel_loop3A_431 = vector.broadcast %parallel_loop3A_430 : f32 to vector<16xf32>
          %parallel_loop3A_432 = arith.subf %parallel_loop3A_431, %parallel_loop3A_429 : vector<16xf32>
          %parallel_loop3A_433 = arith.mulf %parallel_loop3A_424, %parallel_loop3A_432 : vector<16xf32>
          %parallel_loop3A_434 = arith.constant 1.000000e+00 : f32
          %parallel_loop3A_435 = vector.broadcast %parallel_loop3A_434 : f32 to vector<16xf32>
          %parallel_loop3A_436 = arith.divf %parallel_loop3A_435, %parallel_loop3A_384 : vector<16xf32>
          %parallel_loop3A_437 = arith.subf %parallel_loop3A_433, %parallel_loop3A_436 : vector<16xf32>
          %parallel_loop3A_438 = arith.mulf %parallel_loop3A_413, %parallel_loop3A_437 : vector<16xf32>
          %parallel_loop3A_439 = arith.addf %parallel_loop3A_436, %parallel_loop3A_438 : vector<16xf32>
          %parallel_loop3A_440 = arith.mulf %parallel_loop3A_390, %parallel_loop3A_391 : vector<16xf32>
          %parallel_loop3A_441 = arith.mulf %parallel_loop3A_440, %parallel_loop3A_439 : vector<16xf32>
          %parallel_loop3A_442 = arith.cmpi slt, %parallel_loop3A_378, %parallel_loop3A_381 : vector<16xi32>
          tpu.vector_store_idx %arg13[%iota3A, %parallel_loop3A_389], %parallel_loop3A_441 masked %parallel_loop3A_442 {add = true} : memref<16x1024xf32, #tpu.memory_space<vmem>>[vector<16xi32>, vector<16xi32>], vector<16xf32>, vector<16xi1>
          %parallel_loop3A_443 = arith.index_cast %parallel_loop3A_107 : i32 to index
          %parallel_loop3A_444 = arith.constant 80 : index
          %parallel_loop3A_445 = tpu.vector_load %arg7[%parallel_loop3A_443, %parallel_loop3A_444] {strides = array<i32>} : memref<16x128xi32, #tpu.memory_space<vmem>>, vector<16xi32>,
          %parallel_loop3A_446 = arith.index_cast %parallel_loop3A_107 : i32 to index
          %parallel_loop3A_447 = arith.constant 80 : index
          %parallel_loop3A_448 = tpu.vector_load %arg8[%parallel_loop3A_446, %parallel_loop3A_447] {strides = array<i32>} : memref<16x128xi32, #tpu.memory_space<vmem>>, vector<16xi32>,
          %parallel_loop3A_449 = arith.index_cast %parallel_loop3A_107 : i32 to index
          %parallel_loop3A_450 = arith.constant 80 : index
          %parallel_loop3A_451 = tpu.vector_load %arg9[%parallel_loop3A_449, %parallel_loop3A_450] {strides = array<i32>} : memref<16x128xf32, #tpu.memory_space<vmem>>, vector<16xf32>,
          %parallel_loop3A_452 = tpu.vector_load_idx %arg6[%parallel_loop3A_445] : memref<100000xi32, #tpu.memory_space<vmem>>[vector<16xi32>], vector<16xi32>,
          %parallel_loop3A_453 = tpu.vector_load_idx %arg6[%parallel_loop3A_448] : memref<100000xi32, #tpu.memory_space<vmem>>[vector<16xi32>], vector<16xi32>,
          %parallel_loop3A_454 = arith.constant 1023 : i32
          %parallel_loop3A_455 = vector.broadcast %parallel_loop3A_454 : i32 to vector<16xi32>
          %parallel_loop3A_456 = arith.andi %parallel_loop3A_452, %parallel_loop3A_455 : vector<16xi32>
          %parallel_loop3A_457 = tpu.bitcast %parallel_loop3A_452 : vector<16xi32> -> vector<16xf32>
          %parallel_loop3A_458 = tpu.bitcast %parallel_loop3A_453 : vector<16xi32> -> vector<16xf32>
          %parallel_loop3A_459 = arith.mulf %parallel_loop3A_451, %parallel_loop3A_451 : vector<16xf32>
          %parallel_loop3A_460 = arith.constant 1.920000e+02 : f32
          %parallel_loop3A_461 = vector.broadcast %parallel_loop3A_460 : f32 to vector<16xf32>
          %parallel_loop3A_462 = arith.mulf %parallel_loop3A_461, %parallel_loop3A_451 : vector<16xf32>
          %parallel_loop3A_463 = arith.constant 2.400000e+02 : f32
          %parallel_loop3A_464 = vector.broadcast %parallel_loop3A_463 : f32 to vector<16xf32>
          %parallel_loop3A_465 = arith.subf %parallel_loop3A_464, %parallel_loop3A_462 : vector<16xf32>
          %parallel_loop3A_466 = arith.mulf %parallel_loop3A_451, %parallel_loop3A_465 : vector<16xf32>
          %parallel_loop3A_467 = arith.constant -8.000000e+01 : f32
          %parallel_loop3A_468 = vector.broadcast %parallel_loop3A_467 : f32 to vector<16xf32>
          %parallel_loop3A_469 = arith.addf %parallel_loop3A_468, %parallel_loop3A_466 : vector<16xf32>
          %parallel_loop3A_470 = arith.mulf %parallel_loop3A_459, %parallel_loop3A_451 : vector<16xf32>
          %parallel_loop3A_471 = arith.mulf %parallel_loop3A_470, %parallel_loop3A_469 : vector<16xf32>
          %parallel_loop3A_472 = arith.constant 1.000000e+00 : f32
          %parallel_loop3A_473 = vector.broadcast %parallel_loop3A_472 : f32 to vector<16xf32>
          %parallel_loop3A_474 = arith.addf %parallel_loop3A_473, %parallel_loop3A_471 : vector<16xf32>
          %parallel_loop3A_475 = arith.constant 5.000000e-01 : f32
          %parallel_loop3A_476 = vector.broadcast %parallel_loop3A_475 : f32 to vector<16xf32>
          %parallel_loop3A_477 = arith.cmpf olt, %parallel_loop3A_451, %parallel_loop3A_476 : vector<16xf32>
          %parallel_loop3A_478 = arith.constant 0.000000e+00 : f32
          %parallel_loop3A_479 = vector.broadcast %parallel_loop3A_478 : f32 to vector<16xf32>
          %parallel_loop3A_480 = arith.select %parallel_loop3A_477, %parallel_loop3A_474, %parallel_loop3A_479 : vector<16xi1>, vector<16xf32>
          %parallel_loop3A_481 = arith.constant 1.000000e+00 : f32
          %parallel_loop3A_482 = vector.broadcast %parallel_loop3A_481 : f32 to vector<16xf32>
          %parallel_loop3A_483 = arith.addf %parallel_loop3A_459, %parallel_loop3A_482 : vector<16xf32>
          %parallel_loop3A_484 = tpu.bitcast %parallel_loop3A_483 : vector<16xf32> -> vector<16xi32>
          %parallel_loop3A_485 = arith.constant 1 : i32
          %parallel_loop3A_486 = vector.broadcast %parallel_loop3A_485 : i32 to vector<16xi32>
          %parallel_loop3A_487 = arith.shrsi %parallel_loop3A_484, %parallel_loop3A_486 : vector<16xi32>
          %parallel_loop3A_488 = arith.constant 1597463007 : i32
          %parallel_loop3A_489 = vector.broadcast %parallel_loop3A_488 : i32 to vector<16xi32>
          %parallel_loop3A_490 = arith.subi %parallel_loop3A_489, %parallel_loop3A_487 : vector<16xi32>
          %parallel_loop3A_491 = tpu.bitcast %parallel_loop3A_490 : vector<16xi32> -> vector<16xf32>
          %parallel_loop3A_492 = arith.constant 5.000000e-01 : f32
          %parallel_loop3A_493 = vector.broadcast %parallel_loop3A_492 : f32 to vector<16xf32>
          %parallel_loop3A_494 = arith.mulf %parallel_loop3A_493, %parallel_loop3A_483 : vector<16xf32>
          %parallel_loop3A_495 = arith.mulf %parallel_loop3A_494, %parallel_loop3A_491 : vector<16xf32>
          %parallel_loop3A_496 = arith.mulf %parallel_loop3A_495, %parallel_loop3A_491 : vector<16xf32>
          %parallel_loop3A_497 = arith.constant 1.500000e+00 : f32
          %parallel_loop3A_498 = vector.broadcast %parallel_loop3A_497 : f32 to vector<16xf32>
          %parallel_loop3A_499 = arith.subf %parallel_loop3A_498, %parallel_loop3A_496 : vector<16xf32>
          %parallel_loop3A_500 = arith.mulf %parallel_loop3A_491, %parallel_loop3A_499 : vector<16xf32>
          %parallel_loop3A_501 = arith.constant 1.000000e+00 : f32
          %parallel_loop3A_502 = vector.broadcast %parallel_loop3A_501 : f32 to vector<16xf32>
          %parallel_loop3A_503 = arith.divf %parallel_loop3A_502, %parallel_loop3A_451 : vector<16xf32>
          %parallel_loop3A_504 = arith.subf %parallel_loop3A_500, %parallel_loop3A_503 : vector<16xf32>
          %parallel_loop3A_505 = arith.mulf %parallel_loop3A_480, %parallel_loop3A_504 : vector<16xf32>
          %parallel_loop3A_506 = arith.addf %parallel_loop3A_503, %parallel_loop3A_505 : vector<16xf32>
          %parallel_loop3A_507 = arith.mulf %parallel_loop3A_457, %parallel_loop3A_458 : vector<16xf32>
          %parallel_loop3A_508 = arith.mulf %parallel_loop3A_507, %parallel_loop3A_506 : vector<16xf32>
          %parallel_loop3A_509 = arith.cmpi slt, %parallel_loop3A_445, %parallel_loop3A_448 : vector<16xi32>
          tpu.vector_store_idx %arg13[%iota3A, %parallel_loop3A_456], %parallel_loop3A_508 masked %parallel_loop3A_509 {add = true} : memref<16x1024xf32, #tpu.memory_space<vmem>>[vector<16xi32>, vector<16xi32>], vector<16xf32>, vector<16xi1>
          %parallel_loop3A_510 = arith.index_cast %parallel_loop3A_107 : i32 to index
          %parallel_loop3A_511 = arith.constant 96 : index
          %parallel_loop3A_512 = tpu.vector_load %arg7[%parallel_loop3A_510, %parallel_loop3A_511] {strides = array<i32>} : memref<16x128xi32, #tpu.memory_space<vmem>>, vector<16xi32>,
          %parallel_loop3A_513 = arith.index_cast %parallel_loop3A_107 : i32 to index
          %parallel_loop3A_514 = arith.constant 96 : index
          %parallel_loop3A_515 = tpu.vector_load %arg8[%parallel_loop3A_513, %parallel_loop3A_514] {strides = array<i32>} : memref<16x128xi32, #tpu.memory_space<vmem>>, vector<16xi32>,
          %parallel_loop3A_516 = arith.index_cast %parallel_loop3A_107 : i32 to index
          %parallel_loop3A_517 = arith.constant 96 : index
          %parallel_loop3A_518 = tpu.vector_load %arg9[%parallel_loop3A_516, %parallel_loop3A_517] {strides = array<i32>} : memref<16x128xf32, #tpu.memory_space<vmem>>, vector<16xf32>,
          %parallel_loop3A_519 = tpu.vector_load_idx %arg6[%parallel_loop3A_512] : memref<100000xi32, #tpu.memory_space<vmem>>[vector<16xi32>], vector<16xi32>,
          %parallel_loop3A_520 = tpu.vector_load_idx %arg6[%parallel_loop3A_515] : memref<100000xi32, #tpu.memory_space<vmem>>[vector<16xi32>], vector<16xi32>,
          %parallel_loop3A_521 = arith.constant 1023 : i32
          %parallel_loop3A_522 = vector.broadcast %parallel_loop3A_521 : i32 to vector<16xi32>
          %parallel_loop3A_523 = arith.andi %parallel_loop3A_519, %parallel_loop3A_522 : vector<16xi32>
          %parallel_loop3A_524 = tpu.bitcast %parallel_loop3A_519 : vector<16xi32> -> vector<16xf32>
          %parallel_loop3A_525 = tpu.bitcast %parallel_loop3A_520 : vector<16xi32> -> vector<16xf32>
          %parallel_loop3A_526 = arith.mulf %parallel_loop3A_518, %parallel_loop3A_518 : vector<16xf32>
          %parallel_loop3A_527 = arith.constant 1.920000e+02 : f32
          %parallel_loop3A_528 = vector.broadcast %parallel_loop3A_527 : f32 to vector<16xf32>
          %parallel_loop3A_529 = arith.mulf %parallel_loop3A_528, %parallel_loop3A_518 : vector<16xf32>
          %parallel_loop3A_530 = arith.constant 2.400000e+02 : f32
          %parallel_loop3A_531 = vector.broadcast %parallel_loop3A_530 : f32 to vector<16xf32>
          %parallel_loop3A_532 = arith.subf %parallel_loop3A_531, %parallel_loop3A_529 : vector<16xf32>
          %parallel_loop3A_533 = arith.mulf %parallel_loop3A_518, %parallel_loop3A_532 : vector<16xf32>
          %parallel_loop3A_534 = arith.constant -8.000000e+01 : f32
          %parallel_loop3A_535 = vector.broadcast %parallel_loop3A_534 : f32 to vector<16xf32>
          %parallel_loop3A_536 = arith.addf %parallel_loop3A_535, %parallel_loop3A_533 : vector<16xf32>
          %parallel_loop3A_537 = arith.mulf %parallel_loop3A_526, %parallel_loop3A_518 : vector<16xf32>
          %parallel_loop3A_538 = arith.mulf %parallel_loop3A_537, %parallel_loop3A_536 : vector<16xf32>
          %parallel_loop3A_539 = arith.constant 1.000000e+00 : f32
          %parallel_loop3A_540 = vector.broadcast %parallel_loop3A_539 : f32 to vector<16xf32>
          %parallel_loop3A_541 = arith.addf %parallel_loop3A_540, %parallel_loop3A_538 : vector<16xf32>
          %parallel_loop3A_542 = arith.constant 5.000000e-01 : f32
          %parallel_loop3A_543 = vector.broadcast %parallel_loop3A_542 : f32 to vector<16xf32>
          %parallel_loop3A_544 = arith.cmpf olt, %parallel_loop3A_518, %parallel_loop3A_543 : vector<16xf32>
          %parallel_loop3A_545 = arith.constant 0.000000e+00 : f32
          %parallel_loop3A_546 = vector.broadcast %parallel_loop3A_545 : f32 to vector<16xf32>
          %parallel_loop3A_547 = arith.select %parallel_loop3A_544, %parallel_loop3A_541, %parallel_loop3A_546 : vector<16xi1>, vector<16xf32>
          %parallel_loop3A_548 = arith.constant 1.000000e+00 : f32
          %parallel_loop3A_549 = vector.broadcast %parallel_loop3A_548 : f32 to vector<16xf32>
          %parallel_loop3A_550 = arith.addf %parallel_loop3A_526, %parallel_loop3A_549 : vector<16xf32>
          %parallel_loop3A_551 = tpu.bitcast %parallel_loop3A_550 : vector<16xf32> -> vector<16xi32>
          %parallel_loop3A_552 = arith.constant 1 : i32
          %parallel_loop3A_553 = vector.broadcast %parallel_loop3A_552 : i32 to vector<16xi32>
          %parallel_loop3A_554 = arith.shrsi %parallel_loop3A_551, %parallel_loop3A_553 : vector<16xi32>
          %parallel_loop3A_555 = arith.constant 1597463007 : i32
          %parallel_loop3A_556 = vector.broadcast %parallel_loop3A_555 : i32 to vector<16xi32>
          %parallel_loop3A_557 = arith.subi %parallel_loop3A_556, %parallel_loop3A_554 : vector<16xi32>
          %parallel_loop3A_558 = tpu.bitcast %parallel_loop3A_557 : vector<16xi32> -> vector<16xf32>
          %parallel_loop3A_559 = arith.constant 5.000000e-01 : f32
          %parallel_loop3A_560 = vector.broadcast %parallel_loop3A_559 : f32 to vector<16xf32>
          %parallel_loop3A_561 = arith.mulf %parallel_loop3A_560, %parallel_loop3A_550 : vector<16xf32>
          %parallel_loop3A_562 = arith.mulf %parallel_loop3A_561, %parallel_loop3A_558 : vector<16xf32>
          %parallel_loop3A_563 = arith.mulf %parallel_loop3A_562, %parallel_loop3A_558 : vector<16xf32>
          %parallel_loop3A_564 = arith.constant 1.500000e+00 : f32
          %parallel_loop3A_565 = vector.broadcast %parallel_loop3A_564 : f32 to vector<16xf32>
          %parallel_loop3A_566 = arith.subf %parallel_loop3A_565, %parallel_loop3A_563 : vector<16xf32>
          %parallel_loop3A_567 = arith.mulf %parallel_loop3A_558, %parallel_loop3A_566 : vector<16xf32>
          %parallel_loop3A_568 = arith.constant 1.000000e+00 : f32
          %parallel_loop3A_569 = vector.broadcast %parallel_loop3A_568 : f32 to vector<16xf32>
          %parallel_loop3A_570 = arith.divf %parallel_loop3A_569, %parallel_loop3A_518 : vector<16xf32>
          %parallel_loop3A_571 = arith.subf %parallel_loop3A_567, %parallel_loop3A_570 : vector<16xf32>
          %parallel_loop3A_572 = arith.mulf %parallel_loop3A_547, %parallel_loop3A_571 : vector<16xf32>
          %parallel_loop3A_573 = arith.addf %parallel_loop3A_570, %parallel_loop3A_572 : vector<16xf32>
          %parallel_loop3A_574 = arith.mulf %parallel_loop3A_524, %parallel_loop3A_525 : vector<16xf32>
          %parallel_loop3A_575 = arith.mulf %parallel_loop3A_574, %parallel_loop3A_573 : vector<16xf32>
          %parallel_loop3A_576 = arith.cmpi slt, %parallel_loop3A_512, %parallel_loop3A_515 : vector<16xi32>
          tpu.vector_store_idx %arg13[%iota3A, %parallel_loop3A_523], %parallel_loop3A_575 masked %parallel_loop3A_576 {add = true} : memref<16x1024xf32, #tpu.memory_space<vmem>>[vector<16xi32>, vector<16xi32>], vector<16xf32>, vector<16xi1>
          %parallel_loop3A_577 = arith.index_cast %parallel_loop3A_107 : i32 to index
          %parallel_loop3A_578 = arith.constant 112 : index
          %parallel_loop3A_579 = tpu.vector_load %arg7[%parallel_loop3A_577, %parallel_loop3A_578] {strides = array<i32>} : memref<16x128xi32, #tpu.memory_space<vmem>>, vector<16xi32>,
          %parallel_loop3A_580 = arith.index_cast %parallel_loop3A_107 : i32 to index
          %parallel_loop3A_581 = arith.constant 112 : index
          %parallel_loop3A_582 = tpu.vector_load %arg8[%parallel_loop3A_580, %parallel_loop3A_581] {strides = array<i32>} : memref<16x128xi32, #tpu.memory_space<vmem>>, vector<16xi32>,
          %parallel_loop3A_583 = arith.index_cast %parallel_loop3A_107 : i32 to index
          %parallel_loop3A_584 = arith.constant 112 : index
          %parallel_loop3A_585 = tpu.vector_load %arg9[%parallel_loop3A_583, %parallel_loop3A_584] {strides = array<i32>} : memref<16x128xf32, #tpu.memory_space<vmem>>, vector<16xf32>,
          %parallel_loop3A_586 = tpu.vector_load_idx %arg6[%parallel_loop3A_579] : memref<100000xi32, #tpu.memory_space<vmem>>[vector<16xi32>], vector<16xi32>,
          %parallel_loop3A_587 = tpu.vector_load_idx %arg6[%parallel_loop3A_582] : memref<100000xi32, #tpu.memory_space<vmem>>[vector<16xi32>], vector<16xi32>,
          %parallel_loop3A_588 = arith.constant 1023 : i32
          %parallel_loop3A_589 = vector.broadcast %parallel_loop3A_588 : i32 to vector<16xi32>
          %parallel_loop3A_590 = arith.andi %parallel_loop3A_586, %parallel_loop3A_589 : vector<16xi32>
          %parallel_loop3A_591 = tpu.bitcast %parallel_loop3A_586 : vector<16xi32> -> vector<16xf32>
          %parallel_loop3A_592 = tpu.bitcast %parallel_loop3A_587 : vector<16xi32> -> vector<16xf32>
          %parallel_loop3A_593 = arith.mulf %parallel_loop3A_585, %parallel_loop3A_585 : vector<16xf32>
          %parallel_loop3A_594 = arith.constant 1.920000e+02 : f32
          %parallel_loop3A_595 = vector.broadcast %parallel_loop3A_594 : f32 to vector<16xf32>
          %parallel_loop3A_596 = arith.mulf %parallel_loop3A_595, %parallel_loop3A_585 : vector<16xf32>
          %parallel_loop3A_597 = arith.constant 2.400000e+02 : f32
          %parallel_loop3A_598 = vector.broadcast %parallel_loop3A_597 : f32 to vector<16xf32>
          %parallel_loop3A_599 = arith.subf %parallel_loop3A_598, %parallel_loop3A_596 : vector<16xf32>
          %parallel_loop3A_600 = arith.mulf %parallel_loop3A_585, %parallel_loop3A_599 : vector<16xf32>
          %parallel_loop3A_601 = arith.constant -8.000000e+01 : f32
          %parallel_loop3A_602 = vector.broadcast %parallel_loop3A_601 : f32 to vector<16xf32>
          %parallel_loop3A_603 = arith.addf %parallel_loop3A_602, %parallel_loop3A_600 : vector<16xf32>
          %parallel_loop3A_604 = arith.mulf %parallel_loop3A_593, %parallel_loop3A_585 : vector<16xf32>
          %parallel_loop3A_605 = arith.mulf %parallel_loop3A_604, %parallel_loop3A_603 : vector<16xf32>
          %parallel_loop3A_606 = arith.constant 1.000000e+00 : f32
          %parallel_loop3A_607 = vector.broadcast %parallel_loop3A_606 : f32 to vector<16xf32>
          %parallel_loop3A_608 = arith.addf %parallel_loop3A_607, %parallel_loop3A_605 : vector<16xf32>
          %parallel_loop3A_609 = arith.constant 5.000000e-01 : f32
          %parallel_loop3A_610 = vector.broadcast %parallel_loop3A_609 : f32 to vector<16xf32>
          %parallel_loop3A_611 = arith.cmpf olt, %parallel_loop3A_585, %parallel_loop3A_610 : vector<16xf32>
          %parallel_loop3A_612 = arith.constant 0.000000e+00 : f32
          %parallel_loop3A_613 = vector.broadcast %parallel_loop3A_612 : f32 to vector<16xf32>
          %parallel_loop3A_614 = arith.select %parallel_loop3A_611, %parallel_loop3A_608, %parallel_loop3A_613 : vector<16xi1>, vector<16xf32>
          %parallel_loop3A_615 = arith.constant 1.000000e+00 : f32
          %parallel_loop3A_616 = vector.broadcast %parallel_loop3A_615 : f32 to vector<16xf32>
          %parallel_loop3A_617 = arith.addf %parallel_loop3A_593, %parallel_loop3A_616 : vector<16xf32>
          %parallel_loop3A_618 = tpu.bitcast %parallel_loop3A_617 : vector<16xf32> -> vector<16xi32>
          %parallel_loop3A_619 = arith.constant 1 : i32
          %parallel_loop3A_620 = vector.broadcast %parallel_loop3A_619 : i32 to vector<16xi32>
          %parallel_loop3A_621 = arith.shrsi %parallel_loop3A_618, %parallel_loop3A_620 : vector<16xi32>
          %parallel_loop3A_622 = arith.constant 1597463007 : i32
          %parallel_loop3A_623 = vector.broadcast %parallel_loop3A_622 : i32 to vector<16xi32>
          %parallel_loop3A_624 = arith.subi %parallel_loop3A_623, %parallel_loop3A_621 : vector<16xi32>
          %parallel_loop3A_625 = tpu.bitcast %parallel_loop3A_624 : vector<16xi32> -> vector<16xf32>
          %parallel_loop3A_626 = arith.constant 5.000000e-01 : f32
          %parallel_loop3A_627 = vector.broadcast %parallel_loop3A_626 : f32 to vector<16xf32>
          %parallel_loop3A_628 = arith.mulf %parallel_loop3A_627, %parallel_loop3A_617 : vector<16xf32>
          %parallel_loop3A_629 = arith.mulf %parallel_loop3A_628, %parallel_loop3A_625 : vector<16xf32>
          %parallel_loop3A_630 = arith.mulf %parallel_loop3A_629, %parallel_loop3A_625 : vector<16xf32>
          %parallel_loop3A_631 = arith.constant 1.500000e+00 : f32
          %parallel_loop3A_632 = vector.broadcast %parallel_loop3A_631 : f32 to vector<16xf32>
          %parallel_loop3A_633 = arith.subf %parallel_loop3A_632, %parallel_loop3A_630 : vector<16xf32>
          %parallel_loop3A_634 = arith.mulf %parallel_loop3A_625, %parallel_loop3A_633 : vector<16xf32>
          %parallel_loop3A_635 = arith.constant 1.000000e+00 : f32
          %parallel_loop3A_636 = vector.broadcast %parallel_loop3A_635 : f32 to vector<16xf32>
          %parallel_loop3A_637 = arith.divf %parallel_loop3A_636, %parallel_loop3A_585 : vector<16xf32>
          %parallel_loop3A_638 = arith.subf %parallel_loop3A_634, %parallel_loop3A_637 : vector<16xf32>
          %parallel_loop3A_639 = arith.mulf %parallel_loop3A_614, %parallel_loop3A_638 : vector<16xf32>
          %parallel_loop3A_640 = arith.addf %parallel_loop3A_637, %parallel_loop3A_639 : vector<16xf32>
          %parallel_loop3A_641 = arith.mulf %parallel_loop3A_591, %parallel_loop3A_592 : vector<16xf32>
          %parallel_loop3A_642 = arith.mulf %parallel_loop3A_641, %parallel_loop3A_640 : vector<16xf32>
          %parallel_loop3A_643 = arith.cmpi slt, %parallel_loop3A_579, %parallel_loop3A_582 : vector<16xi32>
          tpu.vector_store_idx %arg13[%iota3A, %parallel_loop3A_590], %parallel_loop3A_642 masked %parallel_loop3A_643 {add = true} : memref<16x1024xf32, #tpu.memory_space<vmem>>[vector<16xi32>, vector<16xi32>], vector<16xf32>, vector<16xi1>
        } {sc.loop_unroll_factor = 1 : i64, sc.parallel_access}
      } else {
      }
      %mul3A_61 = arith.constant 2 : i32
      %mul3A_62 = arith.muli %scan3A_44, %mul3A_61 : i32
      %add3A_63 = arith.constant 1 : i32
      %add3A_64 = arith.addi %mul3A_62, %add3A_63 : i32
      %mul3A_65 = arith.constant 32 : i32
      %mul3A_66 = arith.muli %add3A_64, %mul3A_65 : i32
      %add3A_67 = arith.addi %add3A, %mul3A_66 : i32
      %add3A_68 = arith.constant 32 : i32
      %add3A_69 = arith.addi %add3A_67, %add3A_68 : i32
      %lt3A_70 = arith.constant 3125 : i32
      %lt3A_71 = arith.cmpi slt, %add3A_69, %lt3A_70 : i32
      %convert_element_type3A_72 = arith.extui %lt3A_71 : i1 to i32
      %cond3A_73 = arith.constant 0 : i32
      %cond3A_74 = arith.cmpi ne, %convert_element_type3A_72, %cond3A_73 : i32
      scf.if %cond3A_74 {
        %dma_start3A_80 = arith.constant 0 : i32
        %dma_start3A_81 = arith.constant 0 : i32
        %dma_start3A_82 = arith.constant 0 : i32
        %dma_start3A_83 = tpu.memref_slice %arg3[%dma_start3A_80, %add3A_69, %dma_start3A_81, %dma_start3A_82] : memref<2x3125x16x128xi32, #tpu.memory_space<hbm>> -> memref<1x1x16x128xi32, #tpu.memory_space<hbm>>
        %dma_start3A_84 = tpu.memref_squeeze %dma_start3A_83 : memref<1x1x16x128xi32, #tpu.memory_space<hbm>> -> memref<16x128xi32, #tpu.memory_space<hbm>>
        %dma_start3A_85 = arith.constant 0 : i32
        %dma_start3A_86 = arith.constant 0 : i32
        %dma_start3A_87 = tpu.memref_slice %arg3[%dma_start3A_80, %add3A_69, %dma_start3A_85, %dma_start3A_86] : memref<2x3125x16x128xi32, #tpu.memory_space<hbm>> -> memref<1x1x16x128xi32, #tpu.memory_space<hbm>>
        %dma_start3A_88 = tpu.memref_squeeze %dma_start3A_87 : memref<1x1x16x128xi32, #tpu.memory_space<hbm>> -> memref<16x128xi32, #tpu.memory_space<hbm>>
        tpu.enqueue_dma source(%dma_start3A_88 : memref<16x128xi32, #tpu.memory_space<hbm>>) target(%arg7 : memref<16x128xi32, #tpu.memory_space<vmem>>) target_semaphore(%arg14 : memref<!tpu.dma_semaphore, #tpu.memory_space<semaphore_mem>>)
        %dma_start3A_89 = arith.constant 1 : i32
        %dma_start3A_90 = arith.constant 0 : i32
        %dma_start3A_91 = arith.constant 0 : i32
        %dma_start3A_92 = tpu.memref_slice %arg3[%dma_start3A_89, %add3A_69, %dma_start3A_90, %dma_start3A_91] : memref<2x3125x16x128xi32, #tpu.memory_space<hbm>> -> memref<1x1x16x128xi32, #tpu.memory_space<hbm>>
        %dma_start3A_93 = tpu.memref_squeeze %dma_start3A_92 : memref<1x1x16x128xi32, #tpu.memory_space<hbm>> -> memref<16x128xi32, #tpu.memory_space<hbm>>
        %dma_start3A_94 = arith.constant 0 : i32
        %dma_start3A_95 = arith.constant 0 : i32
        %dma_start3A_96 = tpu.memref_slice %arg3[%dma_start3A_89, %add3A_69, %dma_start3A_94, %dma_start3A_95] : memref<2x3125x16x128xi32, #tpu.memory_space<hbm>> -> memref<1x1x16x128xi32, #tpu.memory_space<hbm>>
        %dma_start3A_97 = tpu.memref_squeeze %dma_start3A_96 : memref<1x1x16x128xi32, #tpu.memory_space<hbm>> -> memref<16x128xi32, #tpu.memory_space<hbm>>
        tpu.enqueue_dma source(%dma_start3A_97 : memref<16x128xi32, #tpu.memory_space<hbm>>) target(%arg8 : memref<16x128xi32, #tpu.memory_space<vmem>>) target_semaphore(%arg14 : memref<!tpu.dma_semaphore, #tpu.memory_space<semaphore_mem>>)
        %dma_start3A_98 = arith.constant 0 : i32
        %dma_start3A_99 = arith.constant 0 : i32
        %dma_start3A_100 = tpu.memref_slice %arg4[%add3A_69, %dma_start3A_98, %dma_start3A_99] : memref<3125x16x128xf32, #tpu.memory_space<hbm>> -> memref<1x16x128xf32, #tpu.memory_space<hbm>>
        %dma_start3A_101 = tpu.memref_squeeze %dma_start3A_100 : memref<1x16x128xf32, #tpu.memory_space<hbm>> -> memref<16x128xf32, #tpu.memory_space<hbm>>
        %dma_start3A_102 = arith.constant 0 : i32
        %dma_start3A_103 = arith.constant 0 : i32
        %dma_start3A_104 = tpu.memref_slice %arg4[%add3A_69, %dma_start3A_102, %dma_start3A_103] : memref<3125x16x128xf32, #tpu.memory_space<hbm>> -> memref<1x16x128xf32, #tpu.memory_space<hbm>>
        %dma_start3A_105 = tpu.memref_squeeze %dma_start3A_104 : memref<1x16x128xf32, #tpu.memory_space<hbm>> -> memref<16x128xf32, #tpu.memory_space<hbm>>
        tpu.enqueue_dma source(%dma_start3A_105 : memref<16x128xf32, #tpu.memory_space<hbm>>) target(%arg9 : memref<16x128xf32, #tpu.memory_space<vmem>>) target_semaphore(%arg14 : memref<!tpu.dma_semaphore, #tpu.memory_space<semaphore_mem>>)
      } else {
      }
      %lt3A_75 = arith.constant 3125 : i32
      %lt3A_76 = arith.cmpi slt, %add3A_67, %lt3A_75 : i32
      %convert_element_type3A_77 = arith.extui %lt3A_76 : i1 to i32
      %cond3A_78 = arith.constant 0 : i32
      %cond3A_79 = arith.cmpi ne, %convert_element_type3A_77, %cond3A_78 : i32
      scf.if %cond3A_79 {
        %dma_wait3A = arith.constant 0 : i32
        %dma_wait3A_80 = arith.constant 0 : i32
        %dma_wait3A_81 = arith.constant 0 : i32
        %dma_wait3A_82 = tpu.memref_slice %arg3[%dma_wait3A, %add3A_67, %dma_wait3A_80, %dma_wait3A_81] : memref<2x3125x16x128xi32, #tpu.memory_space<hbm>> -> memref<1x1x16x128xi32, #tpu.memory_space<hbm>>
        %dma_wait3A_83 = tpu.memref_squeeze %dma_wait3A_82 : memref<1x1x16x128xi32, #tpu.memory_space<hbm>> -> memref<16x128xi32, #tpu.memory_space<hbm>>
        %dma_wait3A_84 = arith.constant 0 : i32
        %dma_wait3A_85 = arith.constant 0 : i32
        %dma_wait3A_86 = tpu.memref_slice %arg3[%dma_wait3A, %add3A_67, %dma_wait3A_84, %dma_wait3A_85] : memref<2x3125x16x128xi32, #tpu.memory_space<hbm>> -> memref<1x1x16x128xi32, #tpu.memory_space<hbm>>
        %dma_wait3A_87 = tpu.memref_squeeze %dma_wait3A_86 : memref<1x1x16x128xi32, #tpu.memory_space<hbm>> -> memref<16x128xi32, #tpu.memory_space<hbm>>
        tpu.wait_dma2 semaphore(%arg15 : memref<!tpu.dma_semaphore, #tpu.memory_space<semaphore_mem>>) src(%dma_wait3A_87 : memref<16x128xi32, #tpu.memory_space<hbm>>) dst(%arg10 : memref<16x128xi32, #tpu.memory_space<vmem>>)
        %dma_wait3A_88 = arith.constant 1 : i32
        %dma_wait3A_89 = arith.constant 0 : i32
        %dma_wait3A_90 = arith.constant 0 : i32
        %dma_wait3A_91 = tpu.memref_slice %arg3[%dma_wait3A_88, %add3A_67, %dma_wait3A_89, %dma_wait3A_90] : memref<2x3125x16x128xi32, #tpu.memory_space<hbm>> -> memref<1x1x16x128xi32, #tpu.memory_space<hbm>>
        %dma_wait3A_92 = tpu.memref_squeeze %dma_wait3A_91 : memref<1x1x16x128xi32, #tpu.memory_space<hbm>> -> memref<16x128xi32, #tpu.memory_space<hbm>>
        %dma_wait3A_93 = arith.constant 0 : i32
        %dma_wait3A_94 = arith.constant 0 : i32
        %dma_wait3A_95 = tpu.memref_slice %arg3[%dma_wait3A_88, %add3A_67, %dma_wait3A_93, %dma_wait3A_94] : memref<2x3125x16x128xi32, #tpu.memory_space<hbm>> -> memref<1x1x16x128xi32, #tpu.memory_space<hbm>>
        %dma_wait3A_96 = tpu.memref_squeeze %dma_wait3A_95 : memref<1x1x16x128xi32, #tpu.memory_space<hbm>> -> memref<16x128xi32, #tpu.memory_space<hbm>>
        tpu.wait_dma2 semaphore(%arg15 : memref<!tpu.dma_semaphore, #tpu.memory_space<semaphore_mem>>) src(%dma_wait3A_96 : memref<16x128xi32, #tpu.memory_space<hbm>>) dst(%arg11 : memref<16x128xi32, #tpu.memory_space<vmem>>)
        %dma_wait3A_97 = arith.constant 0 : i32
        %dma_wait3A_98 = arith.constant 0 : i32
        %dma_wait3A_99 = tpu.memref_slice %arg4[%add3A_67, %dma_wait3A_97, %dma_wait3A_98] : memref<3125x16x128xf32, #tpu.memory_space<hbm>> -> memref<1x16x128xf32, #tpu.memory_space<hbm>>
        %dma_wait3A_100 = tpu.memref_squeeze %dma_wait3A_99 : memref<1x16x128xf32, #tpu.memory_space<hbm>> -> memref<16x128xf32, #tpu.memory_space<hbm>>
        %dma_wait3A_101 = arith.constant 0 : i32
        %dma_wait3A_102 = arith.constant 0 : i32
        %dma_wait3A_103 = tpu.memref_slice %arg4[%add3A_67, %dma_wait3A_101, %dma_wait3A_102] : memref<3125x16x128xf32, #tpu.memory_space<hbm>> -> memref<1x16x128xf32, #tpu.memory_space<hbm>>
        %dma_wait3A_104 = tpu.memref_squeeze %dma_wait3A_103 : memref<1x16x128xf32, #tpu.memory_space<hbm>> -> memref<16x128xf32, #tpu.memory_space<hbm>>
        tpu.wait_dma2 semaphore(%arg15 : memref<!tpu.dma_semaphore, #tpu.memory_space<semaphore_mem>>) src(%dma_wait3A_104 : memref<16x128xf32, #tpu.memory_space<hbm>>) dst(%arg12 : memref<16x128xf32, #tpu.memory_space<vmem>>)
        %parallel_loop3A = arith.constant 0 : i32
        %parallel_loop3A_105 = arith.constant 16 : i32
        %parallel_loop3A_106 = arith.constant 1 : i32
        scf.for %parallel_loop3A_107 = %parallel_loop3A to %parallel_loop3A_105 step %parallel_loop3A_106  : i32 {
          %parallel_loop3A_108 = arith.index_cast %parallel_loop3A_107 : i32 to index
          %parallel_loop3A_109 = arith.constant 0 : index
          %parallel_loop3A_110 = tpu.vector_load %arg10[%parallel_loop3A_108, %parallel_loop3A_109] {strides = array<i32>} : memref<16x128xi32, #tpu.memory_space<vmem>>, vector<16xi32>,
          %parallel_loop3A_111 = arith.index_cast %parallel_loop3A_107 : i32 to index
          %parallel_loop3A_112 = arith.constant 0 : index
          %parallel_loop3A_113 = tpu.vector_load %arg11[%parallel_loop3A_111, %parallel_loop3A_112] {strides = array<i32>} : memref<16x128xi32, #tpu.memory_space<vmem>>, vector<16xi32>,
          %parallel_loop3A_114 = arith.index_cast %parallel_loop3A_107 : i32 to index
          %parallel_loop3A_115 = arith.constant 0 : index
          %parallel_loop3A_116 = tpu.vector_load %arg12[%parallel_loop3A_114, %parallel_loop3A_115] {strides = array<i32>} : memref<16x128xf32, #tpu.memory_space<vmem>>, vector<16xf32>,
          %parallel_loop3A_117 = tpu.vector_load_idx %arg6[%parallel_loop3A_110] : memref<100000xi32, #tpu.memory_space<vmem>>[vector<16xi32>], vector<16xi32>,
          %parallel_loop3A_118 = tpu.vector_load_idx %arg6[%parallel_loop3A_113] : memref<100000xi32, #tpu.memory_space<vmem>>[vector<16xi32>], vector<16xi32>,
          %parallel_loop3A_119 = arith.constant 1023 : i32
          %parallel_loop3A_120 = vector.broadcast %parallel_loop3A_119 : i32 to vector<16xi32>
          %parallel_loop3A_121 = arith.andi %parallel_loop3A_117, %parallel_loop3A_120 : vector<16xi32>
          %parallel_loop3A_122 = tpu.bitcast %parallel_loop3A_117 : vector<16xi32> -> vector<16xf32>
          %parallel_loop3A_123 = tpu.bitcast %parallel_loop3A_118 : vector<16xi32> -> vector<16xf32>
          %parallel_loop3A_124 = arith.mulf %parallel_loop3A_116, %parallel_loop3A_116 : vector<16xf32>
          %parallel_loop3A_125 = arith.constant 1.920000e+02 : f32
          %parallel_loop3A_126 = vector.broadcast %parallel_loop3A_125 : f32 to vector<16xf32>
          %parallel_loop3A_127 = arith.mulf %parallel_loop3A_126, %parallel_loop3A_116 : vector<16xf32>
          %parallel_loop3A_128 = arith.constant 2.400000e+02 : f32
          %parallel_loop3A_129 = vector.broadcast %parallel_loop3A_128 : f32 to vector<16xf32>
          %parallel_loop3A_130 = arith.subf %parallel_loop3A_129, %parallel_loop3A_127 : vector<16xf32>
          %parallel_loop3A_131 = arith.mulf %parallel_loop3A_116, %parallel_loop3A_130 : vector<16xf32>
          %parallel_loop3A_132 = arith.constant -8.000000e+01 : f32
          %parallel_loop3A_133 = vector.broadcast %parallel_loop3A_132 : f32 to vector<16xf32>
          %parallel_loop3A_134 = arith.addf %parallel_loop3A_133, %parallel_loop3A_131 : vector<16xf32>
          %parallel_loop3A_135 = arith.mulf %parallel_loop3A_124, %parallel_loop3A_116 : vector<16xf32>
          %parallel_loop3A_136 = arith.mulf %parallel_loop3A_135, %parallel_loop3A_134 : vector<16xf32>
          %parallel_loop3A_137 = arith.constant 1.000000e+00 : f32
          %parallel_loop3A_138 = vector.broadcast %parallel_loop3A_137 : f32 to vector<16xf32>
          %parallel_loop3A_139 = arith.addf %parallel_loop3A_138, %parallel_loop3A_136 : vector<16xf32>
          %parallel_loop3A_140 = arith.constant 5.000000e-01 : f32
          %parallel_loop3A_141 = vector.broadcast %parallel_loop3A_140 : f32 to vector<16xf32>
          %parallel_loop3A_142 = arith.cmpf olt, %parallel_loop3A_116, %parallel_loop3A_141 : vector<16xf32>
          %parallel_loop3A_143 = arith.constant 0.000000e+00 : f32
          %parallel_loop3A_144 = vector.broadcast %parallel_loop3A_143 : f32 to vector<16xf32>
          %parallel_loop3A_145 = arith.select %parallel_loop3A_142, %parallel_loop3A_139, %parallel_loop3A_144 : vector<16xi1>, vector<16xf32>
          %parallel_loop3A_146 = arith.constant 1.000000e+00 : f32
          %parallel_loop3A_147 = vector.broadcast %parallel_loop3A_146 : f32 to vector<16xf32>
          %parallel_loop3A_148 = arith.addf %parallel_loop3A_124, %parallel_loop3A_147 : vector<16xf32>
          %parallel_loop3A_149 = tpu.bitcast %parallel_loop3A_148 : vector<16xf32> -> vector<16xi32>
          %parallel_loop3A_150 = arith.constant 1 : i32
          %parallel_loop3A_151 = vector.broadcast %parallel_loop3A_150 : i32 to vector<16xi32>
          %parallel_loop3A_152 = arith.shrsi %parallel_loop3A_149, %parallel_loop3A_151 : vector<16xi32>
          %parallel_loop3A_153 = arith.constant 1597463007 : i32
          %parallel_loop3A_154 = vector.broadcast %parallel_loop3A_153 : i32 to vector<16xi32>
          %parallel_loop3A_155 = arith.subi %parallel_loop3A_154, %parallel_loop3A_152 : vector<16xi32>
          %parallel_loop3A_156 = tpu.bitcast %parallel_loop3A_155 : vector<16xi32> -> vector<16xf32>
          %parallel_loop3A_157 = arith.constant 5.000000e-01 : f32
          %parallel_loop3A_158 = vector.broadcast %parallel_loop3A_157 : f32 to vector<16xf32>
          %parallel_loop3A_159 = arith.mulf %parallel_loop3A_158, %parallel_loop3A_148 : vector<16xf32>
          %parallel_loop3A_160 = arith.mulf %parallel_loop3A_159, %parallel_loop3A_156 : vector<16xf32>
          %parallel_loop3A_161 = arith.mulf %parallel_loop3A_160, %parallel_loop3A_156 : vector<16xf32>
          %parallel_loop3A_162 = arith.constant 1.500000e+00 : f32
          %parallel_loop3A_163 = vector.broadcast %parallel_loop3A_162 : f32 to vector<16xf32>
          %parallel_loop3A_164 = arith.subf %parallel_loop3A_163, %parallel_loop3A_161 : vector<16xf32>
          %parallel_loop3A_165 = arith.mulf %parallel_loop3A_156, %parallel_loop3A_164 : vector<16xf32>
          %parallel_loop3A_166 = arith.constant 1.000000e+00 : f32
          %parallel_loop3A_167 = vector.broadcast %parallel_loop3A_166 : f32 to vector<16xf32>
          %parallel_loop3A_168 = arith.divf %parallel_loop3A_167, %parallel_loop3A_116 : vector<16xf32>
          %parallel_loop3A_169 = arith.subf %parallel_loop3A_165, %parallel_loop3A_168 : vector<16xf32>
          %parallel_loop3A_170 = arith.mulf %parallel_loop3A_145, %parallel_loop3A_169 : vector<16xf32>
          %parallel_loop3A_171 = arith.addf %parallel_loop3A_168, %parallel_loop3A_170 : vector<16xf32>
          %parallel_loop3A_172 = arith.mulf %parallel_loop3A_122, %parallel_loop3A_123 : vector<16xf32>
          %parallel_loop3A_173 = arith.mulf %parallel_loop3A_172, %parallel_loop3A_171 : vector<16xf32>
          %parallel_loop3A_174 = arith.cmpi slt, %parallel_loop3A_110, %parallel_loop3A_113 : vector<16xi32>
          tpu.vector_store_idx %arg13[%iota3A, %parallel_loop3A_121], %parallel_loop3A_173 masked %parallel_loop3A_174 {add = true} : memref<16x1024xf32, #tpu.memory_space<vmem>>[vector<16xi32>, vector<16xi32>], vector<16xf32>, vector<16xi1>
          %parallel_loop3A_175 = arith.index_cast %parallel_loop3A_107 : i32 to index
          %parallel_loop3A_176 = arith.constant 16 : index
          %parallel_loop3A_177 = tpu.vector_load %arg10[%parallel_loop3A_175, %parallel_loop3A_176] {strides = array<i32>} : memref<16x128xi32, #tpu.memory_space<vmem>>, vector<16xi32>,
          %parallel_loop3A_178 = arith.index_cast %parallel_loop3A_107 : i32 to index
          %parallel_loop3A_179 = arith.constant 16 : index
          %parallel_loop3A_180 = tpu.vector_load %arg11[%parallel_loop3A_178, %parallel_loop3A_179] {strides = array<i32>} : memref<16x128xi32, #tpu.memory_space<vmem>>, vector<16xi32>,
          %parallel_loop3A_181 = arith.index_cast %parallel_loop3A_107 : i32 to index
          %parallel_loop3A_182 = arith.constant 16 : index
          %parallel_loop3A_183 = tpu.vector_load %arg12[%parallel_loop3A_181, %parallel_loop3A_182] {strides = array<i32>} : memref<16x128xf32, #tpu.memory_space<vmem>>, vector<16xf32>,
          %parallel_loop3A_184 = tpu.vector_load_idx %arg6[%parallel_loop3A_177] : memref<100000xi32, #tpu.memory_space<vmem>>[vector<16xi32>], vector<16xi32>,
          %parallel_loop3A_185 = tpu.vector_load_idx %arg6[%parallel_loop3A_180] : memref<100000xi32, #tpu.memory_space<vmem>>[vector<16xi32>], vector<16xi32>,
          %parallel_loop3A_186 = arith.constant 1023 : i32
          %parallel_loop3A_187 = vector.broadcast %parallel_loop3A_186 : i32 to vector<16xi32>
          %parallel_loop3A_188 = arith.andi %parallel_loop3A_184, %parallel_loop3A_187 : vector<16xi32>
          %parallel_loop3A_189 = tpu.bitcast %parallel_loop3A_184 : vector<16xi32> -> vector<16xf32>
          %parallel_loop3A_190 = tpu.bitcast %parallel_loop3A_185 : vector<16xi32> -> vector<16xf32>
          %parallel_loop3A_191 = arith.mulf %parallel_loop3A_183, %parallel_loop3A_183 : vector<16xf32>
          %parallel_loop3A_192 = arith.constant 1.920000e+02 : f32
          %parallel_loop3A_193 = vector.broadcast %parallel_loop3A_192 : f32 to vector<16xf32>
          %parallel_loop3A_194 = arith.mulf %parallel_loop3A_193, %parallel_loop3A_183 : vector<16xf32>
          %parallel_loop3A_195 = arith.constant 2.400000e+02 : f32
          %parallel_loop3A_196 = vector.broadcast %parallel_loop3A_195 : f32 to vector<16xf32>
          %parallel_loop3A_197 = arith.subf %parallel_loop3A_196, %parallel_loop3A_194 : vector<16xf32>
          %parallel_loop3A_198 = arith.mulf %parallel_loop3A_183, %parallel_loop3A_197 : vector<16xf32>
          %parallel_loop3A_199 = arith.constant -8.000000e+01 : f32
          %parallel_loop3A_200 = vector.broadcast %parallel_loop3A_199 : f32 to vector<16xf32>
          %parallel_loop3A_201 = arith.addf %parallel_loop3A_200, %parallel_loop3A_198 : vector<16xf32>
          %parallel_loop3A_202 = arith.mulf %parallel_loop3A_191, %parallel_loop3A_183 : vector<16xf32>
          %parallel_loop3A_203 = arith.mulf %parallel_loop3A_202, %parallel_loop3A_201 : vector<16xf32>
          %parallel_loop3A_204 = arith.constant 1.000000e+00 : f32
          %parallel_loop3A_205 = vector.broadcast %parallel_loop3A_204 : f32 to vector<16xf32>
          %parallel_loop3A_206 = arith.addf %parallel_loop3A_205, %parallel_loop3A_203 : vector<16xf32>
          %parallel_loop3A_207 = arith.constant 5.000000e-01 : f32
          %parallel_loop3A_208 = vector.broadcast %parallel_loop3A_207 : f32 to vector<16xf32>
          %parallel_loop3A_209 = arith.cmpf olt, %parallel_loop3A_183, %parallel_loop3A_208 : vector<16xf32>
          %parallel_loop3A_210 = arith.constant 0.000000e+00 : f32
          %parallel_loop3A_211 = vector.broadcast %parallel_loop3A_210 : f32 to vector<16xf32>
          %parallel_loop3A_212 = arith.select %parallel_loop3A_209, %parallel_loop3A_206, %parallel_loop3A_211 : vector<16xi1>, vector<16xf32>
          %parallel_loop3A_213 = arith.constant 1.000000e+00 : f32
          %parallel_loop3A_214 = vector.broadcast %parallel_loop3A_213 : f32 to vector<16xf32>
          %parallel_loop3A_215 = arith.addf %parallel_loop3A_191, %parallel_loop3A_214 : vector<16xf32>
          %parallel_loop3A_216 = tpu.bitcast %parallel_loop3A_215 : vector<16xf32> -> vector<16xi32>
          %parallel_loop3A_217 = arith.constant 1 : i32
          %parallel_loop3A_218 = vector.broadcast %parallel_loop3A_217 : i32 to vector<16xi32>
          %parallel_loop3A_219 = arith.shrsi %parallel_loop3A_216, %parallel_loop3A_218 : vector<16xi32>
          %parallel_loop3A_220 = arith.constant 1597463007 : i32
          %parallel_loop3A_221 = vector.broadcast %parallel_loop3A_220 : i32 to vector<16xi32>
          %parallel_loop3A_222 = arith.subi %parallel_loop3A_221, %parallel_loop3A_219 : vector<16xi32>
          %parallel_loop3A_223 = tpu.bitcast %parallel_loop3A_222 : vector<16xi32> -> vector<16xf32>
          %parallel_loop3A_224 = arith.constant 5.000000e-01 : f32
          %parallel_loop3A_225 = vector.broadcast %parallel_loop3A_224 : f32 to vector<16xf32>
          %parallel_loop3A_226 = arith.mulf %parallel_loop3A_225, %parallel_loop3A_215 : vector<16xf32>
          %parallel_loop3A_227 = arith.mulf %parallel_loop3A_226, %parallel_loop3A_223 : vector<16xf32>
          %parallel_loop3A_228 = arith.mulf %parallel_loop3A_227, %parallel_loop3A_223 : vector<16xf32>
          %parallel_loop3A_229 = arith.constant 1.500000e+00 : f32
          %parallel_loop3A_230 = vector.broadcast %parallel_loop3A_229 : f32 to vector<16xf32>
          %parallel_loop3A_231 = arith.subf %parallel_loop3A_230, %parallel_loop3A_228 : vector<16xf32>
          %parallel_loop3A_232 = arith.mulf %parallel_loop3A_223, %parallel_loop3A_231 : vector<16xf32>
          %parallel_loop3A_233 = arith.constant 1.000000e+00 : f32
          %parallel_loop3A_234 = vector.broadcast %parallel_loop3A_233 : f32 to vector<16xf32>
          %parallel_loop3A_235 = arith.divf %parallel_loop3A_234, %parallel_loop3A_183 : vector<16xf32>
          %parallel_loop3A_236 = arith.subf %parallel_loop3A_232, %parallel_loop3A_235 : vector<16xf32>
          %parallel_loop3A_237 = arith.mulf %parallel_loop3A_212, %parallel_loop3A_236 : vector<16xf32>
          %parallel_loop3A_238 = arith.addf %parallel_loop3A_235, %parallel_loop3A_237 : vector<16xf32>
          %parallel_loop3A_239 = arith.mulf %parallel_loop3A_189, %parallel_loop3A_190 : vector<16xf32>
          %parallel_loop3A_240 = arith.mulf %parallel_loop3A_239, %parallel_loop3A_238 : vector<16xf32>
          %parallel_loop3A_241 = arith.cmpi slt, %parallel_loop3A_177, %parallel_loop3A_180 : vector<16xi32>
          tpu.vector_store_idx %arg13[%iota3A, %parallel_loop3A_188], %parallel_loop3A_240 masked %parallel_loop3A_241 {add = true} : memref<16x1024xf32, #tpu.memory_space<vmem>>[vector<16xi32>, vector<16xi32>], vector<16xf32>, vector<16xi1>
          %parallel_loop3A_242 = arith.index_cast %parallel_loop3A_107 : i32 to index
          %parallel_loop3A_243 = arith.constant 32 : index
          %parallel_loop3A_244 = tpu.vector_load %arg10[%parallel_loop3A_242, %parallel_loop3A_243] {strides = array<i32>} : memref<16x128xi32, #tpu.memory_space<vmem>>, vector<16xi32>,
          %parallel_loop3A_245 = arith.index_cast %parallel_loop3A_107 : i32 to index
          %parallel_loop3A_246 = arith.constant 32 : index
          %parallel_loop3A_247 = tpu.vector_load %arg11[%parallel_loop3A_245, %parallel_loop3A_246] {strides = array<i32>} : memref<16x128xi32, #tpu.memory_space<vmem>>, vector<16xi32>,
          %parallel_loop3A_248 = arith.index_cast %parallel_loop3A_107 : i32 to index
          %parallel_loop3A_249 = arith.constant 32 : index
          %parallel_loop3A_250 = tpu.vector_load %arg12[%parallel_loop3A_248, %parallel_loop3A_249] {strides = array<i32>} : memref<16x128xf32, #tpu.memory_space<vmem>>, vector<16xf32>,
          %parallel_loop3A_251 = tpu.vector_load_idx %arg6[%parallel_loop3A_244] : memref<100000xi32, #tpu.memory_space<vmem>>[vector<16xi32>], vector<16xi32>,
          %parallel_loop3A_252 = tpu.vector_load_idx %arg6[%parallel_loop3A_247] : memref<100000xi32, #tpu.memory_space<vmem>>[vector<16xi32>], vector<16xi32>,
          %parallel_loop3A_253 = arith.constant 1023 : i32
          %parallel_loop3A_254 = vector.broadcast %parallel_loop3A_253 : i32 to vector<16xi32>
          %parallel_loop3A_255 = arith.andi %parallel_loop3A_251, %parallel_loop3A_254 : vector<16xi32>
          %parallel_loop3A_256 = tpu.bitcast %parallel_loop3A_251 : vector<16xi32> -> vector<16xf32>
          %parallel_loop3A_257 = tpu.bitcast %parallel_loop3A_252 : vector<16xi32> -> vector<16xf32>
          %parallel_loop3A_258 = arith.mulf %parallel_loop3A_250, %parallel_loop3A_250 : vector<16xf32>
          %parallel_loop3A_259 = arith.constant 1.920000e+02 : f32
          %parallel_loop3A_260 = vector.broadcast %parallel_loop3A_259 : f32 to vector<16xf32>
          %parallel_loop3A_261 = arith.mulf %parallel_loop3A_260, %parallel_loop3A_250 : vector<16xf32>
          %parallel_loop3A_262 = arith.constant 2.400000e+02 : f32
          %parallel_loop3A_263 = vector.broadcast %parallel_loop3A_262 : f32 to vector<16xf32>
          %parallel_loop3A_264 = arith.subf %parallel_loop3A_263, %parallel_loop3A_261 : vector<16xf32>
          %parallel_loop3A_265 = arith.mulf %parallel_loop3A_250, %parallel_loop3A_264 : vector<16xf32>
          %parallel_loop3A_266 = arith.constant -8.000000e+01 : f32
          %parallel_loop3A_267 = vector.broadcast %parallel_loop3A_266 : f32 to vector<16xf32>
          %parallel_loop3A_268 = arith.addf %parallel_loop3A_267, %parallel_loop3A_265 : vector<16xf32>
          %parallel_loop3A_269 = arith.mulf %parallel_loop3A_258, %parallel_loop3A_250 : vector<16xf32>
          %parallel_loop3A_270 = arith.mulf %parallel_loop3A_269, %parallel_loop3A_268 : vector<16xf32>
          %parallel_loop3A_271 = arith.constant 1.000000e+00 : f32
          %parallel_loop3A_272 = vector.broadcast %parallel_loop3A_271 : f32 to vector<16xf32>
          %parallel_loop3A_273 = arith.addf %parallel_loop3A_272, %parallel_loop3A_270 : vector<16xf32>
          %parallel_loop3A_274 = arith.constant 5.000000e-01 : f32
          %parallel_loop3A_275 = vector.broadcast %parallel_loop3A_274 : f32 to vector<16xf32>
          %parallel_loop3A_276 = arith.cmpf olt, %parallel_loop3A_250, %parallel_loop3A_275 : vector<16xf32>
          %parallel_loop3A_277 = arith.constant 0.000000e+00 : f32
          %parallel_loop3A_278 = vector.broadcast %parallel_loop3A_277 : f32 to vector<16xf32>
          %parallel_loop3A_279 = arith.select %parallel_loop3A_276, %parallel_loop3A_273, %parallel_loop3A_278 : vector<16xi1>, vector<16xf32>
          %parallel_loop3A_280 = arith.constant 1.000000e+00 : f32
          %parallel_loop3A_281 = vector.broadcast %parallel_loop3A_280 : f32 to vector<16xf32>
          %parallel_loop3A_282 = arith.addf %parallel_loop3A_258, %parallel_loop3A_281 : vector<16xf32>
          %parallel_loop3A_283 = tpu.bitcast %parallel_loop3A_282 : vector<16xf32> -> vector<16xi32>
          %parallel_loop3A_284 = arith.constant 1 : i32
          %parallel_loop3A_285 = vector.broadcast %parallel_loop3A_284 : i32 to vector<16xi32>
          %parallel_loop3A_286 = arith.shrsi %parallel_loop3A_283, %parallel_loop3A_285 : vector<16xi32>
          %parallel_loop3A_287 = arith.constant 1597463007 : i32
          %parallel_loop3A_288 = vector.broadcast %parallel_loop3A_287 : i32 to vector<16xi32>
          %parallel_loop3A_289 = arith.subi %parallel_loop3A_288, %parallel_loop3A_286 : vector<16xi32>
          %parallel_loop3A_290 = tpu.bitcast %parallel_loop3A_289 : vector<16xi32> -> vector<16xf32>
          %parallel_loop3A_291 = arith.constant 5.000000e-01 : f32
          %parallel_loop3A_292 = vector.broadcast %parallel_loop3A_291 : f32 to vector<16xf32>
          %parallel_loop3A_293 = arith.mulf %parallel_loop3A_292, %parallel_loop3A_282 : vector<16xf32>
          %parallel_loop3A_294 = arith.mulf %parallel_loop3A_293, %parallel_loop3A_290 : vector<16xf32>
          %parallel_loop3A_295 = arith.mulf %parallel_loop3A_294, %parallel_loop3A_290 : vector<16xf32>
          %parallel_loop3A_296 = arith.constant 1.500000e+00 : f32
          %parallel_loop3A_297 = vector.broadcast %parallel_loop3A_296 : f32 to vector<16xf32>
          %parallel_loop3A_298 = arith.subf %parallel_loop3A_297, %parallel_loop3A_295 : vector<16xf32>
          %parallel_loop3A_299 = arith.mulf %parallel_loop3A_290, %parallel_loop3A_298 : vector<16xf32>
          %parallel_loop3A_300 = arith.constant 1.000000e+00 : f32
          %parallel_loop3A_301 = vector.broadcast %parallel_loop3A_300 : f32 to vector<16xf32>
          %parallel_loop3A_302 = arith.divf %parallel_loop3A_301, %parallel_loop3A_250 : vector<16xf32>
          %parallel_loop3A_303 = arith.subf %parallel_loop3A_299, %parallel_loop3A_302 : vector<16xf32>
          %parallel_loop3A_304 = arith.mulf %parallel_loop3A_279, %parallel_loop3A_303 : vector<16xf32>
          %parallel_loop3A_305 = arith.addf %parallel_loop3A_302, %parallel_loop3A_304 : vector<16xf32>
          %parallel_loop3A_306 = arith.mulf %parallel_loop3A_256, %parallel_loop3A_257 : vector<16xf32>
          %parallel_loop3A_307 = arith.mulf %parallel_loop3A_306, %parallel_loop3A_305 : vector<16xf32>
          %parallel_loop3A_308 = arith.cmpi slt, %parallel_loop3A_244, %parallel_loop3A_247 : vector<16xi32>
          tpu.vector_store_idx %arg13[%iota3A, %parallel_loop3A_255], %parallel_loop3A_307 masked %parallel_loop3A_308 {add = true} : memref<16x1024xf32, #tpu.memory_space<vmem>>[vector<16xi32>, vector<16xi32>], vector<16xf32>, vector<16xi1>
          %parallel_loop3A_309 = arith.index_cast %parallel_loop3A_107 : i32 to index
          %parallel_loop3A_310 = arith.constant 48 : index
          %parallel_loop3A_311 = tpu.vector_load %arg10[%parallel_loop3A_309, %parallel_loop3A_310] {strides = array<i32>} : memref<16x128xi32, #tpu.memory_space<vmem>>, vector<16xi32>,
          %parallel_loop3A_312 = arith.index_cast %parallel_loop3A_107 : i32 to index
          %parallel_loop3A_313 = arith.constant 48 : index
          %parallel_loop3A_314 = tpu.vector_load %arg11[%parallel_loop3A_312, %parallel_loop3A_313] {strides = array<i32>} : memref<16x128xi32, #tpu.memory_space<vmem>>, vector<16xi32>,
          %parallel_loop3A_315 = arith.index_cast %parallel_loop3A_107 : i32 to index
          %parallel_loop3A_316 = arith.constant 48 : index
          %parallel_loop3A_317 = tpu.vector_load %arg12[%parallel_loop3A_315, %parallel_loop3A_316] {strides = array<i32>} : memref<16x128xf32, #tpu.memory_space<vmem>>, vector<16xf32>,
          %parallel_loop3A_318 = tpu.vector_load_idx %arg6[%parallel_loop3A_311] : memref<100000xi32, #tpu.memory_space<vmem>>[vector<16xi32>], vector<16xi32>,
          %parallel_loop3A_319 = tpu.vector_load_idx %arg6[%parallel_loop3A_314] : memref<100000xi32, #tpu.memory_space<vmem>>[vector<16xi32>], vector<16xi32>,
          %parallel_loop3A_320 = arith.constant 1023 : i32
          %parallel_loop3A_321 = vector.broadcast %parallel_loop3A_320 : i32 to vector<16xi32>
          %parallel_loop3A_322 = arith.andi %parallel_loop3A_318, %parallel_loop3A_321 : vector<16xi32>
          %parallel_loop3A_323 = tpu.bitcast %parallel_loop3A_318 : vector<16xi32> -> vector<16xf32>
          %parallel_loop3A_324 = tpu.bitcast %parallel_loop3A_319 : vector<16xi32> -> vector<16xf32>
          %parallel_loop3A_325 = arith.mulf %parallel_loop3A_317, %parallel_loop3A_317 : vector<16xf32>
          %parallel_loop3A_326 = arith.constant 1.920000e+02 : f32
          %parallel_loop3A_327 = vector.broadcast %parallel_loop3A_326 : f32 to vector<16xf32>
          %parallel_loop3A_328 = arith.mulf %parallel_loop3A_327, %parallel_loop3A_317 : vector<16xf32>
          %parallel_loop3A_329 = arith.constant 2.400000e+02 : f32
          %parallel_loop3A_330 = vector.broadcast %parallel_loop3A_329 : f32 to vector<16xf32>
          %parallel_loop3A_331 = arith.subf %parallel_loop3A_330, %parallel_loop3A_328 : vector<16xf32>
          %parallel_loop3A_332 = arith.mulf %parallel_loop3A_317, %parallel_loop3A_331 : vector<16xf32>
          %parallel_loop3A_333 = arith.constant -8.000000e+01 : f32
          %parallel_loop3A_334 = vector.broadcast %parallel_loop3A_333 : f32 to vector<16xf32>
          %parallel_loop3A_335 = arith.addf %parallel_loop3A_334, %parallel_loop3A_332 : vector<16xf32>
          %parallel_loop3A_336 = arith.mulf %parallel_loop3A_325, %parallel_loop3A_317 : vector<16xf32>
          %parallel_loop3A_337 = arith.mulf %parallel_loop3A_336, %parallel_loop3A_335 : vector<16xf32>
          %parallel_loop3A_338 = arith.constant 1.000000e+00 : f32
          %parallel_loop3A_339 = vector.broadcast %parallel_loop3A_338 : f32 to vector<16xf32>
          %parallel_loop3A_340 = arith.addf %parallel_loop3A_339, %parallel_loop3A_337 : vector<16xf32>
          %parallel_loop3A_341 = arith.constant 5.000000e-01 : f32
          %parallel_loop3A_342 = vector.broadcast %parallel_loop3A_341 : f32 to vector<16xf32>
          %parallel_loop3A_343 = arith.cmpf olt, %parallel_loop3A_317, %parallel_loop3A_342 : vector<16xf32>
          %parallel_loop3A_344 = arith.constant 0.000000e+00 : f32
          %parallel_loop3A_345 = vector.broadcast %parallel_loop3A_344 : f32 to vector<16xf32>
          %parallel_loop3A_346 = arith.select %parallel_loop3A_343, %parallel_loop3A_340, %parallel_loop3A_345 : vector<16xi1>, vector<16xf32>
          %parallel_loop3A_347 = arith.constant 1.000000e+00 : f32
          %parallel_loop3A_348 = vector.broadcast %parallel_loop3A_347 : f32 to vector<16xf32>
          %parallel_loop3A_349 = arith.addf %parallel_loop3A_325, %parallel_loop3A_348 : vector<16xf32>
          %parallel_loop3A_350 = tpu.bitcast %parallel_loop3A_349 : vector<16xf32> -> vector<16xi32>
          %parallel_loop3A_351 = arith.constant 1 : i32
          %parallel_loop3A_352 = vector.broadcast %parallel_loop3A_351 : i32 to vector<16xi32>
          %parallel_loop3A_353 = arith.shrsi %parallel_loop3A_350, %parallel_loop3A_352 : vector<16xi32>
          %parallel_loop3A_354 = arith.constant 1597463007 : i32
          %parallel_loop3A_355 = vector.broadcast %parallel_loop3A_354 : i32 to vector<16xi32>
          %parallel_loop3A_356 = arith.subi %parallel_loop3A_355, %parallel_loop3A_353 : vector<16xi32>
          %parallel_loop3A_357 = tpu.bitcast %parallel_loop3A_356 : vector<16xi32> -> vector<16xf32>
          %parallel_loop3A_358 = arith.constant 5.000000e-01 : f32
          %parallel_loop3A_359 = vector.broadcast %parallel_loop3A_358 : f32 to vector<16xf32>
          %parallel_loop3A_360 = arith.mulf %parallel_loop3A_359, %parallel_loop3A_349 : vector<16xf32>
          %parallel_loop3A_361 = arith.mulf %parallel_loop3A_360, %parallel_loop3A_357 : vector<16xf32>
          %parallel_loop3A_362 = arith.mulf %parallel_loop3A_361, %parallel_loop3A_357 : vector<16xf32>
          %parallel_loop3A_363 = arith.constant 1.500000e+00 : f32
          %parallel_loop3A_364 = vector.broadcast %parallel_loop3A_363 : f32 to vector<16xf32>
          %parallel_loop3A_365 = arith.subf %parallel_loop3A_364, %parallel_loop3A_362 : vector<16xf32>
          %parallel_loop3A_366 = arith.mulf %parallel_loop3A_357, %parallel_loop3A_365 : vector<16xf32>
          %parallel_loop3A_367 = arith.constant 1.000000e+00 : f32
          %parallel_loop3A_368 = vector.broadcast %parallel_loop3A_367 : f32 to vector<16xf32>
          %parallel_loop3A_369 = arith.divf %parallel_loop3A_368, %parallel_loop3A_317 : vector<16xf32>
          %parallel_loop3A_370 = arith.subf %parallel_loop3A_366, %parallel_loop3A_369 : vector<16xf32>
          %parallel_loop3A_371 = arith.mulf %parallel_loop3A_346, %parallel_loop3A_370 : vector<16xf32>
          %parallel_loop3A_372 = arith.addf %parallel_loop3A_369, %parallel_loop3A_371 : vector<16xf32>
          %parallel_loop3A_373 = arith.mulf %parallel_loop3A_323, %parallel_loop3A_324 : vector<16xf32>
          %parallel_loop3A_374 = arith.mulf %parallel_loop3A_373, %parallel_loop3A_372 : vector<16xf32>
          %parallel_loop3A_375 = arith.cmpi slt, %parallel_loop3A_311, %parallel_loop3A_314 : vector<16xi32>
          tpu.vector_store_idx %arg13[%iota3A, %parallel_loop3A_322], %parallel_loop3A_374 masked %parallel_loop3A_375 {add = true} : memref<16x1024xf32, #tpu.memory_space<vmem>>[vector<16xi32>, vector<16xi32>], vector<16xf32>, vector<16xi1>
          %parallel_loop3A_376 = arith.index_cast %parallel_loop3A_107 : i32 to index
          %parallel_loop3A_377 = arith.constant 64 : index
          %parallel_loop3A_378 = tpu.vector_load %arg10[%parallel_loop3A_376, %parallel_loop3A_377] {strides = array<i32>} : memref<16x128xi32, #tpu.memory_space<vmem>>, vector<16xi32>,
          %parallel_loop3A_379 = arith.index_cast %parallel_loop3A_107 : i32 to index
          %parallel_loop3A_380 = arith.constant 64 : index
          %parallel_loop3A_381 = tpu.vector_load %arg11[%parallel_loop3A_379, %parallel_loop3A_380] {strides = array<i32>} : memref<16x128xi32, #tpu.memory_space<vmem>>, vector<16xi32>,
          %parallel_loop3A_382 = arith.index_cast %parallel_loop3A_107 : i32 to index
          %parallel_loop3A_383 = arith.constant 64 : index
          %parallel_loop3A_384 = tpu.vector_load %arg12[%parallel_loop3A_382, %parallel_loop3A_383] {strides = array<i32>} : memref<16x128xf32, #tpu.memory_space<vmem>>, vector<16xf32>,
          %parallel_loop3A_385 = tpu.vector_load_idx %arg6[%parallel_loop3A_378] : memref<100000xi32, #tpu.memory_space<vmem>>[vector<16xi32>], vector<16xi32>,
          %parallel_loop3A_386 = tpu.vector_load_idx %arg6[%parallel_loop3A_381] : memref<100000xi32, #tpu.memory_space<vmem>>[vector<16xi32>], vector<16xi32>,
          %parallel_loop3A_387 = arith.constant 1023 : i32
          %parallel_loop3A_388 = vector.broadcast %parallel_loop3A_387 : i32 to vector<16xi32>
          %parallel_loop3A_389 = arith.andi %parallel_loop3A_385, %parallel_loop3A_388 : vector<16xi32>
          %parallel_loop3A_390 = tpu.bitcast %parallel_loop3A_385 : vector<16xi32> -> vector<16xf32>
          %parallel_loop3A_391 = tpu.bitcast %parallel_loop3A_386 : vector<16xi32> -> vector<16xf32>
          %parallel_loop3A_392 = arith.mulf %parallel_loop3A_384, %parallel_loop3A_384 : vector<16xf32>
          %parallel_loop3A_393 = arith.constant 1.920000e+02 : f32
          %parallel_loop3A_394 = vector.broadcast %parallel_loop3A_393 : f32 to vector<16xf32>
          %parallel_loop3A_395 = arith.mulf %parallel_loop3A_394, %parallel_loop3A_384 : vector<16xf32>
          %parallel_loop3A_396 = arith.constant 2.400000e+02 : f32
          %parallel_loop3A_397 = vector.broadcast %parallel_loop3A_396 : f32 to vector<16xf32>
          %parallel_loop3A_398 = arith.subf %parallel_loop3A_397, %parallel_loop3A_395 : vector<16xf32>
          %parallel_loop3A_399 = arith.mulf %parallel_loop3A_384, %parallel_loop3A_398 : vector<16xf32>
          %parallel_loop3A_400 = arith.constant -8.000000e+01 : f32
          %parallel_loop3A_401 = vector.broadcast %parallel_loop3A_400 : f32 to vector<16xf32>
          %parallel_loop3A_402 = arith.addf %parallel_loop3A_401, %parallel_loop3A_399 : vector<16xf32>
          %parallel_loop3A_403 = arith.mulf %parallel_loop3A_392, %parallel_loop3A_384 : vector<16xf32>
          %parallel_loop3A_404 = arith.mulf %parallel_loop3A_403, %parallel_loop3A_402 : vector<16xf32>
          %parallel_loop3A_405 = arith.constant 1.000000e+00 : f32
          %parallel_loop3A_406 = vector.broadcast %parallel_loop3A_405 : f32 to vector<16xf32>
          %parallel_loop3A_407 = arith.addf %parallel_loop3A_406, %parallel_loop3A_404 : vector<16xf32>
          %parallel_loop3A_408 = arith.constant 5.000000e-01 : f32
          %parallel_loop3A_409 = vector.broadcast %parallel_loop3A_408 : f32 to vector<16xf32>
          %parallel_loop3A_410 = arith.cmpf olt, %parallel_loop3A_384, %parallel_loop3A_409 : vector<16xf32>
          %parallel_loop3A_411 = arith.constant 0.000000e+00 : f32
          %parallel_loop3A_412 = vector.broadcast %parallel_loop3A_411 : f32 to vector<16xf32>
          %parallel_loop3A_413 = arith.select %parallel_loop3A_410, %parallel_loop3A_407, %parallel_loop3A_412 : vector<16xi1>, vector<16xf32>
          %parallel_loop3A_414 = arith.constant 1.000000e+00 : f32
          %parallel_loop3A_415 = vector.broadcast %parallel_loop3A_414 : f32 to vector<16xf32>
          %parallel_loop3A_416 = arith.addf %parallel_loop3A_392, %parallel_loop3A_415 : vector<16xf32>
          %parallel_loop3A_417 = tpu.bitcast %parallel_loop3A_416 : vector<16xf32> -> vector<16xi32>
          %parallel_loop3A_418 = arith.constant 1 : i32
          %parallel_loop3A_419 = vector.broadcast %parallel_loop3A_418 : i32 to vector<16xi32>
          %parallel_loop3A_420 = arith.shrsi %parallel_loop3A_417, %parallel_loop3A_419 : vector<16xi32>
          %parallel_loop3A_421 = arith.constant 1597463007 : i32
          %parallel_loop3A_422 = vector.broadcast %parallel_loop3A_421 : i32 to vector<16xi32>
          %parallel_loop3A_423 = arith.subi %parallel_loop3A_422, %parallel_loop3A_420 : vector<16xi32>
          %parallel_loop3A_424 = tpu.bitcast %parallel_loop3A_423 : vector<16xi32> -> vector<16xf32>
          %parallel_loop3A_425 = arith.constant 5.000000e-01 : f32
          %parallel_loop3A_426 = vector.broadcast %parallel_loop3A_425 : f32 to vector<16xf32>
          %parallel_loop3A_427 = arith.mulf %parallel_loop3A_426, %parallel_loop3A_416 : vector<16xf32>
          %parallel_loop3A_428 = arith.mulf %parallel_loop3A_427, %parallel_loop3A_424 : vector<16xf32>
          %parallel_loop3A_429 = arith.mulf %parallel_loop3A_428, %parallel_loop3A_424 : vector<16xf32>
          %parallel_loop3A_430 = arith.constant 1.500000e+00 : f32
          %parallel_loop3A_431 = vector.broadcast %parallel_loop3A_430 : f32 to vector<16xf32>
          %parallel_loop3A_432 = arith.subf %parallel_loop3A_431, %parallel_loop3A_429 : vector<16xf32>
          %parallel_loop3A_433 = arith.mulf %parallel_loop3A_424, %parallel_loop3A_432 : vector<16xf32>
          %parallel_loop3A_434 = arith.constant 1.000000e+00 : f32
          %parallel_loop3A_435 = vector.broadcast %parallel_loop3A_434 : f32 to vector<16xf32>
          %parallel_loop3A_436 = arith.divf %parallel_loop3A_435, %parallel_loop3A_384 : vector<16xf32>
          %parallel_loop3A_437 = arith.subf %parallel_loop3A_433, %parallel_loop3A_436 : vector<16xf32>
          %parallel_loop3A_438 = arith.mulf %parallel_loop3A_413, %parallel_loop3A_437 : vector<16xf32>
          %parallel_loop3A_439 = arith.addf %parallel_loop3A_436, %parallel_loop3A_438 : vector<16xf32>
          %parallel_loop3A_440 = arith.mulf %parallel_loop3A_390, %parallel_loop3A_391 : vector<16xf32>
          %parallel_loop3A_441 = arith.mulf %parallel_loop3A_440, %parallel_loop3A_439 : vector<16xf32>
          %parallel_loop3A_442 = arith.cmpi slt, %parallel_loop3A_378, %parallel_loop3A_381 : vector<16xi32>
          tpu.vector_store_idx %arg13[%iota3A, %parallel_loop3A_389], %parallel_loop3A_441 masked %parallel_loop3A_442 {add = true} : memref<16x1024xf32, #tpu.memory_space<vmem>>[vector<16xi32>, vector<16xi32>], vector<16xf32>, vector<16xi1>
          %parallel_loop3A_443 = arith.index_cast %parallel_loop3A_107 : i32 to index
          %parallel_loop3A_444 = arith.constant 80 : index
          %parallel_loop3A_445 = tpu.vector_load %arg10[%parallel_loop3A_443, %parallel_loop3A_444] {strides = array<i32>} : memref<16x128xi32, #tpu.memory_space<vmem>>, vector<16xi32>,
          %parallel_loop3A_446 = arith.index_cast %parallel_loop3A_107 : i32 to index
          %parallel_loop3A_447 = arith.constant 80 : index
          %parallel_loop3A_448 = tpu.vector_load %arg11[%parallel_loop3A_446, %parallel_loop3A_447] {strides = array<i32>} : memref<16x128xi32, #tpu.memory_space<vmem>>, vector<16xi32>,
          %parallel_loop3A_449 = arith.index_cast %parallel_loop3A_107 : i32 to index
          %parallel_loop3A_450 = arith.constant 80 : index
          %parallel_loop3A_451 = tpu.vector_load %arg12[%parallel_loop3A_449, %parallel_loop3A_450] {strides = array<i32>} : memref<16x128xf32, #tpu.memory_space<vmem>>, vector<16xf32>,
          %parallel_loop3A_452 = tpu.vector_load_idx %arg6[%parallel_loop3A_445] : memref<100000xi32, #tpu.memory_space<vmem>>[vector<16xi32>], vector<16xi32>,
          %parallel_loop3A_453 = tpu.vector_load_idx %arg6[%parallel_loop3A_448] : memref<100000xi32, #tpu.memory_space<vmem>>[vector<16xi32>], vector<16xi32>,
          %parallel_loop3A_454 = arith.constant 1023 : i32
          %parallel_loop3A_455 = vector.broadcast %parallel_loop3A_454 : i32 to vector<16xi32>
          %parallel_loop3A_456 = arith.andi %parallel_loop3A_452, %parallel_loop3A_455 : vector<16xi32>
          %parallel_loop3A_457 = tpu.bitcast %parallel_loop3A_452 : vector<16xi32> -> vector<16xf32>
          %parallel_loop3A_458 = tpu.bitcast %parallel_loop3A_453 : vector<16xi32> -> vector<16xf32>
          %parallel_loop3A_459 = arith.mulf %parallel_loop3A_451, %parallel_loop3A_451 : vector<16xf32>
          %parallel_loop3A_460 = arith.constant 1.920000e+02 : f32
          %parallel_loop3A_461 = vector.broadcast %parallel_loop3A_460 : f32 to vector<16xf32>
          %parallel_loop3A_462 = arith.mulf %parallel_loop3A_461, %parallel_loop3A_451 : vector<16xf32>
          %parallel_loop3A_463 = arith.constant 2.400000e+02 : f32
          %parallel_loop3A_464 = vector.broadcast %parallel_loop3A_463 : f32 to vector<16xf32>
          %parallel_loop3A_465 = arith.subf %parallel_loop3A_464, %parallel_loop3A_462 : vector<16xf32>
          %parallel_loop3A_466 = arith.mulf %parallel_loop3A_451, %parallel_loop3A_465 : vector<16xf32>
          %parallel_loop3A_467 = arith.constant -8.000000e+01 : f32
          %parallel_loop3A_468 = vector.broadcast %parallel_loop3A_467 : f32 to vector<16xf32>
          %parallel_loop3A_469 = arith.addf %parallel_loop3A_468, %parallel_loop3A_466 : vector<16xf32>
          %parallel_loop3A_470 = arith.mulf %parallel_loop3A_459, %parallel_loop3A_451 : vector<16xf32>
          %parallel_loop3A_471 = arith.mulf %parallel_loop3A_470, %parallel_loop3A_469 : vector<16xf32>
          %parallel_loop3A_472 = arith.constant 1.000000e+00 : f32
          %parallel_loop3A_473 = vector.broadcast %parallel_loop3A_472 : f32 to vector<16xf32>
          %parallel_loop3A_474 = arith.addf %parallel_loop3A_473, %parallel_loop3A_471 : vector<16xf32>
          %parallel_loop3A_475 = arith.constant 5.000000e-01 : f32
          %parallel_loop3A_476 = vector.broadcast %parallel_loop3A_475 : f32 to vector<16xf32>
          %parallel_loop3A_477 = arith.cmpf olt, %parallel_loop3A_451, %parallel_loop3A_476 : vector<16xf32>
          %parallel_loop3A_478 = arith.constant 0.000000e+00 : f32
          %parallel_loop3A_479 = vector.broadcast %parallel_loop3A_478 : f32 to vector<16xf32>
          %parallel_loop3A_480 = arith.select %parallel_loop3A_477, %parallel_loop3A_474, %parallel_loop3A_479 : vector<16xi1>, vector<16xf32>
          %parallel_loop3A_481 = arith.constant 1.000000e+00 : f32
          %parallel_loop3A_482 = vector.broadcast %parallel_loop3A_481 : f32 to vector<16xf32>
          %parallel_loop3A_483 = arith.addf %parallel_loop3A_459, %parallel_loop3A_482 : vector<16xf32>
          %parallel_loop3A_484 = tpu.bitcast %parallel_loop3A_483 : vector<16xf32> -> vector<16xi32>
          %parallel_loop3A_485 = arith.constant 1 : i32
          %parallel_loop3A_486 = vector.broadcast %parallel_loop3A_485 : i32 to vector<16xi32>
          %parallel_loop3A_487 = arith.shrsi %parallel_loop3A_484, %parallel_loop3A_486 : vector<16xi32>
          %parallel_loop3A_488 = arith.constant 1597463007 : i32
          %parallel_loop3A_489 = vector.broadcast %parallel_loop3A_488 : i32 to vector<16xi32>
          %parallel_loop3A_490 = arith.subi %parallel_loop3A_489, %parallel_loop3A_487 : vector<16xi32>
          %parallel_loop3A_491 = tpu.bitcast %parallel_loop3A_490 : vector<16xi32> -> vector<16xf32>
          %parallel_loop3A_492 = arith.constant 5.000000e-01 : f32
          %parallel_loop3A_493 = vector.broadcast %parallel_loop3A_492 : f32 to vector<16xf32>
          %parallel_loop3A_494 = arith.mulf %parallel_loop3A_493, %parallel_loop3A_483 : vector<16xf32>
          %parallel_loop3A_495 = arith.mulf %parallel_loop3A_494, %parallel_loop3A_491 : vector<16xf32>
          %parallel_loop3A_496 = arith.mulf %parallel_loop3A_495, %parallel_loop3A_491 : vector<16xf32>
          %parallel_loop3A_497 = arith.constant 1.500000e+00 : f32
          %parallel_loop3A_498 = vector.broadcast %parallel_loop3A_497 : f32 to vector<16xf32>
          %parallel_loop3A_499 = arith.subf %parallel_loop3A_498, %parallel_loop3A_496 : vector<16xf32>
          %parallel_loop3A_500 = arith.mulf %parallel_loop3A_491, %parallel_loop3A_499 : vector<16xf32>
          %parallel_loop3A_501 = arith.constant 1.000000e+00 : f32
          %parallel_loop3A_502 = vector.broadcast %parallel_loop3A_501 : f32 to vector<16xf32>
          %parallel_loop3A_503 = arith.divf %parallel_loop3A_502, %parallel_loop3A_451 : vector<16xf32>
          %parallel_loop3A_504 = arith.subf %parallel_loop3A_500, %parallel_loop3A_503 : vector<16xf32>
          %parallel_loop3A_505 = arith.mulf %parallel_loop3A_480, %parallel_loop3A_504 : vector<16xf32>
          %parallel_loop3A_506 = arith.addf %parallel_loop3A_503, %parallel_loop3A_505 : vector<16xf32>
          %parallel_loop3A_507 = arith.mulf %parallel_loop3A_457, %parallel_loop3A_458 : vector<16xf32>
          %parallel_loop3A_508 = arith.mulf %parallel_loop3A_507, %parallel_loop3A_506 : vector<16xf32>
          %parallel_loop3A_509 = arith.cmpi slt, %parallel_loop3A_445, %parallel_loop3A_448 : vector<16xi32>
          tpu.vector_store_idx %arg13[%iota3A, %parallel_loop3A_456], %parallel_loop3A_508 masked %parallel_loop3A_509 {add = true} : memref<16x1024xf32, #tpu.memory_space<vmem>>[vector<16xi32>, vector<16xi32>], vector<16xf32>, vector<16xi1>
          %parallel_loop3A_510 = arith.index_cast %parallel_loop3A_107 : i32 to index
          %parallel_loop3A_511 = arith.constant 96 : index
          %parallel_loop3A_512 = tpu.vector_load %arg10[%parallel_loop3A_510, %parallel_loop3A_511] {strides = array<i32>} : memref<16x128xi32, #tpu.memory_space<vmem>>, vector<16xi32>,
          %parallel_loop3A_513 = arith.index_cast %parallel_loop3A_107 : i32 to index
          %parallel_loop3A_514 = arith.constant 96 : index
          %parallel_loop3A_515 = tpu.vector_load %arg11[%parallel_loop3A_513, %parallel_loop3A_514] {strides = array<i32>} : memref<16x128xi32, #tpu.memory_space<vmem>>, vector<16xi32>,
          %parallel_loop3A_516 = arith.index_cast %parallel_loop3A_107 : i32 to index
          %parallel_loop3A_517 = arith.constant 96 : index
          %parallel_loop3A_518 = tpu.vector_load %arg12[%parallel_loop3A_516, %parallel_loop3A_517] {strides = array<i32>} : memref<16x128xf32, #tpu.memory_space<vmem>>, vector<16xf32>,
          %parallel_loop3A_519 = tpu.vector_load_idx %arg6[%parallel_loop3A_512] : memref<100000xi32, #tpu.memory_space<vmem>>[vector<16xi32>], vector<16xi32>,
          %parallel_loop3A_520 = tpu.vector_load_idx %arg6[%parallel_loop3A_515] : memref<100000xi32, #tpu.memory_space<vmem>>[vector<16xi32>], vector<16xi32>,
          %parallel_loop3A_521 = arith.constant 1023 : i32
          %parallel_loop3A_522 = vector.broadcast %parallel_loop3A_521 : i32 to vector<16xi32>
          %parallel_loop3A_523 = arith.andi %parallel_loop3A_519, %parallel_loop3A_522 : vector<16xi32>
          %parallel_loop3A_524 = tpu.bitcast %parallel_loop3A_519 : vector<16xi32> -> vector<16xf32>
          %parallel_loop3A_525 = tpu.bitcast %parallel_loop3A_520 : vector<16xi32> -> vector<16xf32>
          %parallel_loop3A_526 = arith.mulf %parallel_loop3A_518, %parallel_loop3A_518 : vector<16xf32>
          %parallel_loop3A_527 = arith.constant 1.920000e+02 : f32
          %parallel_loop3A_528 = vector.broadcast %parallel_loop3A_527 : f32 to vector<16xf32>
          %parallel_loop3A_529 = arith.mulf %parallel_loop3A_528, %parallel_loop3A_518 : vector<16xf32>
          %parallel_loop3A_530 = arith.constant 2.400000e+02 : f32
          %parallel_loop3A_531 = vector.broadcast %parallel_loop3A_530 : f32 to vector<16xf32>
          %parallel_loop3A_532 = arith.subf %parallel_loop3A_531, %parallel_loop3A_529 : vector<16xf32>
          %parallel_loop3A_533 = arith.mulf %parallel_loop3A_518, %parallel_loop3A_532 : vector<16xf32>
          %parallel_loop3A_534 = arith.constant -8.000000e+01 : f32
          %parallel_loop3A_535 = vector.broadcast %parallel_loop3A_534 : f32 to vector<16xf32>
          %parallel_loop3A_536 = arith.addf %parallel_loop3A_535, %parallel_loop3A_533 : vector<16xf32>
          %parallel_loop3A_537 = arith.mulf %parallel_loop3A_526, %parallel_loop3A_518 : vector<16xf32>
          %parallel_loop3A_538 = arith.mulf %parallel_loop3A_537, %parallel_loop3A_536 : vector<16xf32>
          %parallel_loop3A_539 = arith.constant 1.000000e+00 : f32
          %parallel_loop3A_540 = vector.broadcast %parallel_loop3A_539 : f32 to vector<16xf32>
          %parallel_loop3A_541 = arith.addf %parallel_loop3A_540, %parallel_loop3A_538 : vector<16xf32>
          %parallel_loop3A_542 = arith.constant 5.000000e-01 : f32
          %parallel_loop3A_543 = vector.broadcast %parallel_loop3A_542 : f32 to vector<16xf32>
          %parallel_loop3A_544 = arith.cmpf olt, %parallel_loop3A_518, %parallel_loop3A_543 : vector<16xf32>
          %parallel_loop3A_545 = arith.constant 0.000000e+00 : f32
          %parallel_loop3A_546 = vector.broadcast %parallel_loop3A_545 : f32 to vector<16xf32>
          %parallel_loop3A_547 = arith.select %parallel_loop3A_544, %parallel_loop3A_541, %parallel_loop3A_546 : vector<16xi1>, vector<16xf32>
          %parallel_loop3A_548 = arith.constant 1.000000e+00 : f32
          %parallel_loop3A_549 = vector.broadcast %parallel_loop3A_548 : f32 to vector<16xf32>
          %parallel_loop3A_550 = arith.addf %parallel_loop3A_526, %parallel_loop3A_549 : vector<16xf32>
          %parallel_loop3A_551 = tpu.bitcast %parallel_loop3A_550 : vector<16xf32> -> vector<16xi32>
          %parallel_loop3A_552 = arith.constant 1 : i32
          %parallel_loop3A_553 = vector.broadcast %parallel_loop3A_552 : i32 to vector<16xi32>
          %parallel_loop3A_554 = arith.shrsi %parallel_loop3A_551, %parallel_loop3A_553 : vector<16xi32>
          %parallel_loop3A_555 = arith.constant 1597463007 : i32
          %parallel_loop3A_556 = vector.broadcast %parallel_loop3A_555 : i32 to vector<16xi32>
          %parallel_loop3A_557 = arith.subi %parallel_loop3A_556, %parallel_loop3A_554 : vector<16xi32>
          %parallel_loop3A_558 = tpu.bitcast %parallel_loop3A_557 : vector<16xi32> -> vector<16xf32>
          %parallel_loop3A_559 = arith.constant 5.000000e-01 : f32
          %parallel_loop3A_560 = vector.broadcast %parallel_loop3A_559 : f32 to vector<16xf32>
          %parallel_loop3A_561 = arith.mulf %parallel_loop3A_560, %parallel_loop3A_550 : vector<16xf32>
          %parallel_loop3A_562 = arith.mulf %parallel_loop3A_561, %parallel_loop3A_558 : vector<16xf32>
          %parallel_loop3A_563 = arith.mulf %parallel_loop3A_562, %parallel_loop3A_558 : vector<16xf32>
          %parallel_loop3A_564 = arith.constant 1.500000e+00 : f32
          %parallel_loop3A_565 = vector.broadcast %parallel_loop3A_564 : f32 to vector<16xf32>
          %parallel_loop3A_566 = arith.subf %parallel_loop3A_565, %parallel_loop3A_563 : vector<16xf32>
          %parallel_loop3A_567 = arith.mulf %parallel_loop3A_558, %parallel_loop3A_566 : vector<16xf32>
          %parallel_loop3A_568 = arith.constant 1.000000e+00 : f32
          %parallel_loop3A_569 = vector.broadcast %parallel_loop3A_568 : f32 to vector<16xf32>
          %parallel_loop3A_570 = arith.divf %parallel_loop3A_569, %parallel_loop3A_518 : vector<16xf32>
          %parallel_loop3A_571 = arith.subf %parallel_loop3A_567, %parallel_loop3A_570 : vector<16xf32>
          %parallel_loop3A_572 = arith.mulf %parallel_loop3A_547, %parallel_loop3A_571 : vector<16xf32>
          %parallel_loop3A_573 = arith.addf %parallel_loop3A_570, %parallel_loop3A_572 : vector<16xf32>
          %parallel_loop3A_574 = arith.mulf %parallel_loop3A_524, %parallel_loop3A_525 : vector<16xf32>
          %parallel_loop3A_575 = arith.mulf %parallel_loop3A_574, %parallel_loop3A_573 : vector<16xf32>
          %parallel_loop3A_576 = arith.cmpi slt, %parallel_loop3A_512, %parallel_loop3A_515 : vector<16xi32>
          tpu.vector_store_idx %arg13[%iota3A, %parallel_loop3A_523], %parallel_loop3A_575 masked %parallel_loop3A_576 {add = true} : memref<16x1024xf32, #tpu.memory_space<vmem>>[vector<16xi32>, vector<16xi32>], vector<16xf32>, vector<16xi1>
          %parallel_loop3A_577 = arith.index_cast %parallel_loop3A_107 : i32 to index
          %parallel_loop3A_578 = arith.constant 112 : index
          %parallel_loop3A_579 = tpu.vector_load %arg10[%parallel_loop3A_577, %parallel_loop3A_578] {strides = array<i32>} : memref<16x128xi32, #tpu.memory_space<vmem>>, vector<16xi32>,
          %parallel_loop3A_580 = arith.index_cast %parallel_loop3A_107 : i32 to index
          %parallel_loop3A_581 = arith.constant 112 : index
          %parallel_loop3A_582 = tpu.vector_load %arg11[%parallel_loop3A_580, %parallel_loop3A_581] {strides = array<i32>} : memref<16x128xi32, #tpu.memory_space<vmem>>, vector<16xi32>,
          %parallel_loop3A_583 = arith.index_cast %parallel_loop3A_107 : i32 to index
          %parallel_loop3A_584 = arith.constant 112 : index
          %parallel_loop3A_585 = tpu.vector_load %arg12[%parallel_loop3A_583, %parallel_loop3A_584] {strides = array<i32>} : memref<16x128xf32, #tpu.memory_space<vmem>>, vector<16xf32>,
          %parallel_loop3A_586 = tpu.vector_load_idx %arg6[%parallel_loop3A_579] : memref<100000xi32, #tpu.memory_space<vmem>>[vector<16xi32>], vector<16xi32>,
          %parallel_loop3A_587 = tpu.vector_load_idx %arg6[%parallel_loop3A_582] : memref<100000xi32, #tpu.memory_space<vmem>>[vector<16xi32>], vector<16xi32>,
          %parallel_loop3A_588 = arith.constant 1023 : i32
          %parallel_loop3A_589 = vector.broadcast %parallel_loop3A_588 : i32 to vector<16xi32>
          %parallel_loop3A_590 = arith.andi %parallel_loop3A_586, %parallel_loop3A_589 : vector<16xi32>
          %parallel_loop3A_591 = tpu.bitcast %parallel_loop3A_586 : vector<16xi32> -> vector<16xf32>
          %parallel_loop3A_592 = tpu.bitcast %parallel_loop3A_587 : vector<16xi32> -> vector<16xf32>
          %parallel_loop3A_593 = arith.mulf %parallel_loop3A_585, %parallel_loop3A_585 : vector<16xf32>
          %parallel_loop3A_594 = arith.constant 1.920000e+02 : f32
          %parallel_loop3A_595 = vector.broadcast %parallel_loop3A_594 : f32 to vector<16xf32>
          %parallel_loop3A_596 = arith.mulf %parallel_loop3A_595, %parallel_loop3A_585 : vector<16xf32>
          %parallel_loop3A_597 = arith.constant 2.400000e+02 : f32
          %parallel_loop3A_598 = vector.broadcast %parallel_loop3A_597 : f32 to vector<16xf32>
          %parallel_loop3A_599 = arith.subf %parallel_loop3A_598, %parallel_loop3A_596 : vector<16xf32>
          %parallel_loop3A_600 = arith.mulf %parallel_loop3A_585, %parallel_loop3A_599 : vector<16xf32>
          %parallel_loop3A_601 = arith.constant -8.000000e+01 : f32
          %parallel_loop3A_602 = vector.broadcast %parallel_loop3A_601 : f32 to vector<16xf32>
          %parallel_loop3A_603 = arith.addf %parallel_loop3A_602, %parallel_loop3A_600 : vector<16xf32>
          %parallel_loop3A_604 = arith.mulf %parallel_loop3A_593, %parallel_loop3A_585 : vector<16xf32>
          %parallel_loop3A_605 = arith.mulf %parallel_loop3A_604, %parallel_loop3A_603 : vector<16xf32>
          %parallel_loop3A_606 = arith.constant 1.000000e+00 : f32
          %parallel_loop3A_607 = vector.broadcast %parallel_loop3A_606 : f32 to vector<16xf32>
          %parallel_loop3A_608 = arith.addf %parallel_loop3A_607, %parallel_loop3A_605 : vector<16xf32>
          %parallel_loop3A_609 = arith.constant 5.000000e-01 : f32
          %parallel_loop3A_610 = vector.broadcast %parallel_loop3A_609 : f32 to vector<16xf32>
          %parallel_loop3A_611 = arith.cmpf olt, %parallel_loop3A_585, %parallel_loop3A_610 : vector<16xf32>
          %parallel_loop3A_612 = arith.constant 0.000000e+00 : f32
          %parallel_loop3A_613 = vector.broadcast %parallel_loop3A_612 : f32 to vector<16xf32>
          %parallel_loop3A_614 = arith.select %parallel_loop3A_611, %parallel_loop3A_608, %parallel_loop3A_613 : vector<16xi1>, vector<16xf32>
          %parallel_loop3A_615 = arith.constant 1.000000e+00 : f32
          %parallel_loop3A_616 = vector.broadcast %parallel_loop3A_615 : f32 to vector<16xf32>
          %parallel_loop3A_617 = arith.addf %parallel_loop3A_593, %parallel_loop3A_616 : vector<16xf32>
          %parallel_loop3A_618 = tpu.bitcast %parallel_loop3A_617 : vector<16xf32> -> vector<16xi32>
          %parallel_loop3A_619 = arith.constant 1 : i32
          %parallel_loop3A_620 = vector.broadcast %parallel_loop3A_619 : i32 to vector<16xi32>
          %parallel_loop3A_621 = arith.shrsi %parallel_loop3A_618, %parallel_loop3A_620 : vector<16xi32>
          %parallel_loop3A_622 = arith.constant 1597463007 : i32
          %parallel_loop3A_623 = vector.broadcast %parallel_loop3A_622 : i32 to vector<16xi32>
          %parallel_loop3A_624 = arith.subi %parallel_loop3A_623, %parallel_loop3A_621 : vector<16xi32>
          %parallel_loop3A_625 = tpu.bitcast %parallel_loop3A_624 : vector<16xi32> -> vector<16xf32>
          %parallel_loop3A_626 = arith.constant 5.000000e-01 : f32
          %parallel_loop3A_627 = vector.broadcast %parallel_loop3A_626 : f32 to vector<16xf32>
          %parallel_loop3A_628 = arith.mulf %parallel_loop3A_627, %parallel_loop3A_617 : vector<16xf32>
          %parallel_loop3A_629 = arith.mulf %parallel_loop3A_628, %parallel_loop3A_625 : vector<16xf32>
          %parallel_loop3A_630 = arith.mulf %parallel_loop3A_629, %parallel_loop3A_625 : vector<16xf32>
          %parallel_loop3A_631 = arith.constant 1.500000e+00 : f32
          %parallel_loop3A_632 = vector.broadcast %parallel_loop3A_631 : f32 to vector<16xf32>
          %parallel_loop3A_633 = arith.subf %parallel_loop3A_632, %parallel_loop3A_630 : vector<16xf32>
          %parallel_loop3A_634 = arith.mulf %parallel_loop3A_625, %parallel_loop3A_633 : vector<16xf32>
          %parallel_loop3A_635 = arith.constant 1.000000e+00 : f32
          %parallel_loop3A_636 = vector.broadcast %parallel_loop3A_635 : f32 to vector<16xf32>
          %parallel_loop3A_637 = arith.divf %parallel_loop3A_636, %parallel_loop3A_585 : vector<16xf32>
          %parallel_loop3A_638 = arith.subf %parallel_loop3A_634, %parallel_loop3A_637 : vector<16xf32>
          %parallel_loop3A_639 = arith.mulf %parallel_loop3A_614, %parallel_loop3A_638 : vector<16xf32>
          %parallel_loop3A_640 = arith.addf %parallel_loop3A_637, %parallel_loop3A_639 : vector<16xf32>
          %parallel_loop3A_641 = arith.mulf %parallel_loop3A_591, %parallel_loop3A_592 : vector<16xf32>
          %parallel_loop3A_642 = arith.mulf %parallel_loop3A_641, %parallel_loop3A_640 : vector<16xf32>
          %parallel_loop3A_643 = arith.cmpi slt, %parallel_loop3A_579, %parallel_loop3A_582 : vector<16xi32>
          tpu.vector_store_idx %arg13[%iota3A, %parallel_loop3A_590], %parallel_loop3A_642 masked %parallel_loop3A_643 {add = true} : memref<16x1024xf32, #tpu.memory_space<vmem>>[vector<16xi32>, vector<16xi32>], vector<16xf32>, vector<16xi1>
        } {sc.loop_unroll_factor = 1 : i64, sc.parallel_access}
      } else {
      }
    }
    %scan3A_37 = arith.constant 49 : i32
    %scan3A_38 = arith.constant 0 : i32
    %scan3A_39 = arith.constant 0 : i32
    %scan3A_40 = arith.constant 64 : i32
    %scan3A_41 = arith.addi %scan3A_39, %scan3A_40 : i32
    %scan3A_42 = arith.constant 1 : i32
    scf.for %scan3A_44 = %scan3A_39 to %scan3A_41 step %scan3A_42  : i32 {
      %mul3A_45 = arith.constant 16 : i32
      %mul3A_46 = arith.muli %scan3A_44, %mul3A_45 : i32
      %get3A = arith.constant 0 : i32
      %get3A_47 = arith.index_cast %get3A : i32 to index
      %get3A_48 = arith.index_cast %mul3A_46 : i32 to index
      %get3A_49 = tpu.vector_load %arg13[%get3A_47, %get3A_48] {strides = array<i32>} : memref<16x1024xf32, #tpu.memory_space<vmem>>, vector<16xf32>,
      %mul3A_50 = arith.constant 16 : i32
      %mul3A_51 = arith.muli %scan3A_44, %mul3A_50 : i32
      %get3A_52 = arith.constant 1 : i32
      %get3A_53 = arith.index_cast %get3A_52 : i32 to index
      %get3A_54 = arith.index_cast %mul3A_51 : i32 to index
      %get3A_55 = tpu.vector_load %arg13[%get3A_53, %get3A_54] {strides = array<i32>} : memref<16x1024xf32, #tpu.memory_space<vmem>>, vector<16xf32>,
      %add3A_56 = arith.addf %get3A_49, %get3A_55 : vector<16xf32>
      %mul3A_57 = arith.constant 16 : i32
      %mul3A_58 = arith.muli %scan3A_44, %mul3A_57 : i32
      %get3A_59 = arith.constant 2 : i32
      %get3A_60 = arith.index_cast %get3A_59 : i32 to index
      %get3A_61 = arith.index_cast %mul3A_58 : i32 to index
      %get3A_62 = tpu.vector_load %arg13[%get3A_60, %get3A_61] {strides = array<i32>} : memref<16x1024xf32, #tpu.memory_space<vmem>>, vector<16xf32>,
      %add3A_63 = arith.addf %add3A_56, %get3A_62 : vector<16xf32>
      %mul3A_64 = arith.constant 16 : i32
      %mul3A_65 = arith.muli %scan3A_44, %mul3A_64 : i32
      %get3A_66 = arith.constant 3 : i32
      %get3A_67 = arith.index_cast %get3A_66 : i32 to index
      %get3A_68 = arith.index_cast %mul3A_65 : i32 to index
      %get3A_69 = tpu.vector_load %arg13[%get3A_67, %get3A_68] {strides = array<i32>} : memref<16x1024xf32, #tpu.memory_space<vmem>>, vector<16xf32>,
      %add3A_70 = arith.addf %add3A_63, %get3A_69 : vector<16xf32>
      %mul3A_71 = arith.constant 16 : i32
      %mul3A_72 = arith.muli %scan3A_44, %mul3A_71 : i32
      %get3A_73 = arith.constant 4 : i32
      %get3A_74 = arith.index_cast %get3A_73 : i32 to index
      %get3A_75 = arith.index_cast %mul3A_72 : i32 to index
      %get3A_76 = tpu.vector_load %arg13[%get3A_74, %get3A_75] {strides = array<i32>} : memref<16x1024xf32, #tpu.memory_space<vmem>>, vector<16xf32>,
      %add3A_77 = arith.addf %add3A_70, %get3A_76 : vector<16xf32>
      %mul3A_78 = arith.constant 16 : i32
      %mul3A_79 = arith.muli %scan3A_44, %mul3A_78 : i32
      %get3A_80 = arith.constant 5 : i32
      %get3A_81 = arith.index_cast %get3A_80 : i32 to index
      %get3A_82 = arith.index_cast %mul3A_79 : i32 to index
      %get3A_83 = tpu.vector_load %arg13[%get3A_81, %get3A_82] {strides = array<i32>} : memref<16x1024xf32, #tpu.memory_space<vmem>>, vector<16xf32>,
      %add3A_84 = arith.addf %add3A_77, %get3A_83 : vector<16xf32>
      %mul3A_85 = arith.constant 16 : i32
      %mul3A_86 = arith.muli %scan3A_44, %mul3A_85 : i32
      %get3A_87 = arith.constant 6 : i32
      %get3A_88 = arith.index_cast %get3A_87 : i32 to index
      %get3A_89 = arith.index_cast %mul3A_86 : i32 to index
      %get3A_90 = tpu.vector_load %arg13[%get3A_88, %get3A_89] {strides = array<i32>} : memref<16x1024xf32, #tpu.memory_space<vmem>>, vector<16xf32>,
      %add3A_91 = arith.addf %add3A_84, %get3A_90 : vector<16xf32>
      %mul3A_92 = arith.constant 16 : i32
      %mul3A_93 = arith.muli %scan3A_44, %mul3A_92 : i32
      %get3A_94 = arith.constant 7 : i32
      %get3A_95 = arith.index_cast %get3A_94 : i32 to index
      %get3A_96 = arith.index_cast %mul3A_93 : i32 to index
      %get3A_97 = tpu.vector_load %arg13[%get3A_95, %get3A_96] {strides = array<i32>} : memref<16x1024xf32, #tpu.memory_space<vmem>>, vector<16xf32>,
      %add3A_98 = arith.addf %add3A_91, %get3A_97 : vector<16xf32>
      %mul3A_99 = arith.constant 16 : i32
      %mul3A_100 = arith.muli %scan3A_44, %mul3A_99 : i32
      %get3A_101 = arith.constant 8 : i32
      %get3A_102 = arith.index_cast %get3A_101 : i32 to index
      %get3A_103 = arith.index_cast %mul3A_100 : i32 to index
      %get3A_104 = tpu.vector_load %arg13[%get3A_102, %get3A_103] {strides = array<i32>} : memref<16x1024xf32, #tpu.memory_space<vmem>>, vector<16xf32>,
      %add3A_105 = arith.addf %add3A_98, %get3A_104 : vector<16xf32>
      %mul3A_106 = arith.constant 16 : i32
      %mul3A_107 = arith.muli %scan3A_44, %mul3A_106 : i32
      %get3A_108 = arith.constant 9 : i32
      %get3A_109 = arith.index_cast %get3A_108 : i32 to index
      %get3A_110 = arith.index_cast %mul3A_107 : i32 to index
      %get3A_111 = tpu.vector_load %arg13[%get3A_109, %get3A_110] {strides = array<i32>} : memref<16x1024xf32, #tpu.memory_space<vmem>>, vector<16xf32>,
      %add3A_112 = arith.addf %add3A_105, %get3A_111 : vector<16xf32>
      %mul3A_113 = arith.constant 16 : i32
      %mul3A_114 = arith.muli %scan3A_44, %mul3A_113 : i32
      %get3A_115 = arith.constant 10 : i32
      %get3A_116 = arith.index_cast %get3A_115 : i32 to index
      %get3A_117 = arith.index_cast %mul3A_114 : i32 to index
      %get3A_118 = tpu.vector_load %arg13[%get3A_116, %get3A_117] {strides = array<i32>} : memref<16x1024xf32, #tpu.memory_space<vmem>>, vector<16xf32>,
      %add3A_119 = arith.addf %add3A_112, %get3A_118 : vector<16xf32>
      %mul3A_120 = arith.constant 16 : i32
      %mul3A_121 = arith.muli %scan3A_44, %mul3A_120 : i32
      %get3A_122 = arith.constant 11 : i32
      %get3A_123 = arith.index_cast %get3A_122 : i32 to index
      %get3A_124 = arith.index_cast %mul3A_121 : i32 to index
      %get3A_125 = tpu.vector_load %arg13[%get3A_123, %get3A_124] {strides = array<i32>} : memref<16x1024xf32, #tpu.memory_space<vmem>>, vector<16xf32>,
      %add3A_126 = arith.addf %add3A_119, %get3A_125 : vector<16xf32>
      %mul3A_127 = arith.constant 16 : i32
      %mul3A_128 = arith.muli %scan3A_44, %mul3A_127 : i32
      %get3A_129 = arith.constant 12 : i32
      %get3A_130 = arith.index_cast %get3A_129 : i32 to index
      %get3A_131 = arith.index_cast %mul3A_128 : i32 to index
      %get3A_132 = tpu.vector_load %arg13[%get3A_130, %get3A_131] {strides = array<i32>} : memref<16x1024xf32, #tpu.memory_space<vmem>>, vector<16xf32>,
      %add3A_133 = arith.addf %add3A_126, %get3A_132 : vector<16xf32>
      %mul3A_134 = arith.constant 16 : i32
      %mul3A_135 = arith.muli %scan3A_44, %mul3A_134 : i32
      %get3A_136 = arith.constant 13 : i32
      %get3A_137 = arith.index_cast %get3A_136 : i32 to index
      %get3A_138 = arith.index_cast %mul3A_135 : i32 to index
      %get3A_139 = tpu.vector_load %arg13[%get3A_137, %get3A_138] {strides = array<i32>} : memref<16x1024xf32, #tpu.memory_space<vmem>>, vector<16xf32>,
      %add3A_140 = arith.addf %add3A_133, %get3A_139 : vector<16xf32>
      %mul3A_141 = arith.constant 16 : i32
      %mul3A_142 = arith.muli %scan3A_44, %mul3A_141 : i32
      %get3A_143 = arith.constant 14 : i32
      %get3A_144 = arith.index_cast %get3A_143 : i32 to index
      %get3A_145 = arith.index_cast %mul3A_142 : i32 to index
      %get3A_146 = tpu.vector_load %arg13[%get3A_144, %get3A_145] {strides = array<i32>} : memref<16x1024xf32, #tpu.memory_space<vmem>>, vector<16xf32>,
      %add3A_147 = arith.addf %add3A_140, %get3A_146 : vector<16xf32>
      %mul3A_148 = arith.constant 16 : i32
      %mul3A_149 = arith.muli %scan3A_44, %mul3A_148 : i32
      %get3A_150 = arith.constant 15 : i32
      %get3A_151 = arith.index_cast %get3A_150 : i32 to index
      %get3A_152 = arith.index_cast %mul3A_149 : i32 to index
      %get3A_153 = tpu.vector_load %arg13[%get3A_151, %get3A_152] {strides = array<i32>} : memref<16x1024xf32, #tpu.memory_space<vmem>>, vector<16xf32>,
      %add3A_154 = arith.addf %add3A_147, %get3A_153 : vector<16xf32>
      %mul3A_155 = arith.constant 16 : i32
      %mul3A_156 = arith.muli %scan3A_44, %mul3A_155 : i32
      %swap3A = arith.constant 0 : i32
      %swap3A_157 = arith.index_cast %swap3A : i32 to index
      %swap3A_158 = arith.index_cast %mul3A_156 : i32 to index
      %swap3A_159 = tpu.vector_load %arg13[%swap3A_157, %swap3A_158] {strides = array<i32>} : memref<16x1024xf32, #tpu.memory_space<vmem>>, vector<16xf32>,
      tpu.vector_store %arg13[%swap3A_157, %swap3A_158], %add3A_154 {strides = array<i32>} : memref<16x1024xf32, #tpu.memory_space<vmem>>, vector<16xf32>,
    }
    %scan3A_43 = arith.constant 64 : i32
    %run_scoped3A = arith.constant 0 : i32
    "tpu.region"() ({
      %run_scoped3A_44 = tpu.sem_alloc : memref<!tpu.dma_semaphore, #tpu.memory_space<semaphore_mem>>
      %dma_start3A_45 = arith.constant 0 : i32
      %dma_start3A_46 = tpu.memref_slice %arg13[%run_scoped3A, %dma_start3A_45] : memref<16x1024xf32, #tpu.memory_space<vmem>> -> memref<1x1024xf32, #tpu.memory_space<vmem>>
      %dma_start3A_47 = tpu.memref_squeeze %dma_start3A_46 : memref<1x1024xf32, #tpu.memory_space<vmem>> -> memref<1024xf32, #tpu.memory_space<vmem>>
      %dma_start3A_48 = arith.constant 0 : i32
      %dma_start3A_49 = tpu.memref_slice %arg5[%add3A, %dma_start3A_48] : memref<32x1024xf32, #tpu.memory_space<hbm>> -> memref<1x1024xf32, #tpu.memory_space<hbm>>
      %dma_start3A_50 = tpu.memref_squeeze %dma_start3A_49 : memref<1x1024xf32, #tpu.memory_space<hbm>> -> memref<1024xf32, #tpu.memory_space<hbm>>
      %dma_start3A_51 = arith.constant 0 : i32
      %dma_start3A_52 = tpu.memref_slice %arg5[%add3A, %dma_start3A_51] : memref<32x1024xf32, #tpu.memory_space<hbm>> -> memref<1x1024xf32, #tpu.memory_space<hbm>>
      %dma_start3A_53 = tpu.memref_squeeze %dma_start3A_52 : memref<1x1024xf32, #tpu.memory_space<hbm>> -> memref<1024xf32, #tpu.memory_space<hbm>>
      %dma_start3A_54 = arith.constant 0 : i32
      %dma_start3A_55 = tpu.memref_slice %arg13[%run_scoped3A, %dma_start3A_54] : memref<16x1024xf32, #tpu.memory_space<vmem>> -> memref<1x1024xf32, #tpu.memory_space<vmem>>
      %dma_start3A_56 = tpu.memref_squeeze %dma_start3A_55 : memref<1x1024xf32, #tpu.memory_space<vmem>> -> memref<1024xf32, #tpu.memory_space<vmem>>
      tpu.enqueue_dma source(%dma_start3A_56 : memref<1024xf32, #tpu.memory_space<vmem>>) target(%dma_start3A_53 : memref<1024xf32, #tpu.memory_space<hbm>>) target_semaphore(%run_scoped3A_44 : memref<!tpu.dma_semaphore, #tpu.memory_space<semaphore_mem>>)
      %dma_wait3A = arith.constant 0 : i32
      %dma_wait3A_57 = tpu.memref_slice %arg13[%run_scoped3A, %dma_wait3A] : memref<16x1024xf32, #tpu.memory_space<vmem>> -> memref<1x1024xf32, #tpu.memory_space<vmem>>
      %dma_wait3A_58 = tpu.memref_squeeze %dma_wait3A_57 : memref<1x1024xf32, #tpu.memory_space<vmem>> -> memref<1024xf32, #tpu.memory_space<vmem>>
      %dma_wait3A_59 = arith.constant 0 : i32
      %dma_wait3A_60 = tpu.memref_slice %arg5[%add3A, %dma_wait3A_59] : memref<32x1024xf32, #tpu.memory_space<hbm>> -> memref<1x1024xf32, #tpu.memory_space<hbm>>
      %dma_wait3A_61 = tpu.memref_squeeze %dma_wait3A_60 : memref<1x1024xf32, #tpu.memory_space<hbm>> -> memref<1024xf32, #tpu.memory_space<hbm>>
      %dma_wait3A_62 = arith.constant 0 : i32
      %dma_wait3A_63 = tpu.memref_slice %arg5[%add3A, %dma_wait3A_62] : memref<32x1024xf32, #tpu.memory_space<hbm>> -> memref<1x1024xf32, #tpu.memory_space<hbm>>
      %dma_wait3A_64 = tpu.memref_squeeze %dma_wait3A_63 : memref<1x1024xf32, #tpu.memory_space<hbm>> -> memref<1024xf32, #tpu.memory_space<hbm>>
      %dma_wait3A_65 = arith.constant 0 : i32
      %dma_wait3A_66 = tpu.memref_slice %arg13[%run_scoped3A, %dma_wait3A_65] : memref<16x1024xf32, #tpu.memory_space<vmem>> -> memref<1x1024xf32, #tpu.memory_space<vmem>>
      %dma_wait3A_67 = tpu.memref_squeeze %dma_wait3A_66 : memref<1x1024xf32, #tpu.memory_space<vmem>> -> memref<1024xf32, #tpu.memory_space<vmem>>
      tpu.wait_dma2 semaphore(%run_scoped3A_44 : memref<!tpu.dma_semaphore, #tpu.memory_space<semaphore_mem>>) src(%dma_wait3A_67 : memref<1024xf32, #tpu.memory_space<vmem>>) dst(%dma_wait3A_64 : memref<1024xf32, #tpu.memory_space<hbm>>)
      tpu.yield
    }) : () -> ()
    return
  }
}

</mosaic_0001>

<sc_bundles>
// kernel: kernel.3.cloned.1.call-start
scs
__scs_entry_jumppad:
0x0: {  	(pc) =	sbr.rel $0x88, $3  }
0x1: {  	(tag) =	ssettag $0x0;
	lr =	simm.s32 $0x1  }
0x2: {  	[smem:$0x3F9D] =	sst lr;
	_ =	strace $0xD0000000  }
0x3: {  	_ = 	snop  }
0x4: {  	_ = 	snop  }
0x5: {  	_ = 	snop  }
0x6: {  	_ = 	snop  }
0x7: {  	_ = 	snop  }
__scs_overlays_trampoline_lowered:
0x8: {  	[smem:$0x3FAC] =	sst s0  }
0x9: {  	[smem:$0x3FAD] =	sst s1  }
0xa: {  	[smem:$0x3FAE] =	sst s2  }
0xb: {  	[smem:$0x3FAF] =	sst s3  }
0xc: {  	[smem:$0x3FB0] =	sst s4  }
0xd: {  	[smem:$0x3FB1] =	sst s5  }
0xe: {  	[smem:$0x3FB2] =	sst s6  }
0xf: {  	[smem:$0x3FB3] =	sst s7  }
0x10: {  	[smem:$0x3FB4] =	sst s8  }
0x11: {  	[smem:$0x3FB5] =	sst s9;
	s0 =	simm.s32 @!p0 $0x0  }
0x12: {  	s1 =	sld [smem:$0x3F9B];
	s0 =	simm.s32 @p0 $0x1  }
0x13: {  	[smem:$0x3FB6] =	sst s0;
	s0 =	simm.s32 @!p1 $0x0  }
0x14: {  	s2 =	sld [smem:$0x3F9A];
	s0 =	simm.s32 @p1 $0x1  }
0x15: {  	[smem:$0x3FB7] =	sst s0;
	s0 =	simm.s32 @!p2 $0x0  }
0x16: {  	s3 =	sld [smem:$0x3FDB];
	s0 =	simm.s32 @p2 $0x1  }
0x17: {  	s4 =	simm.s32 $0x1BF5;
	[smem:$0x3FB9] =	sst s0  }
0x18: {  	s0 =	sld [smem:$0x3F9C];
	_ =	swait.ge [sflag:s4], $0x0  }
0x19: {  	s7 =	sld [smem:$0x3F9D]  }
0x1a: {  	s8 =	sadd.s32 $0xFFFFE003, lr  }
0x1b: {  	s9 =	sadd.s32 $0xFFFFFEF7, lr;
	s5 =	simm.s32 $0xFFFFFFFF;
	p2 =	slt.u32 s8, $0xFFFFF086  }
0x1c: {  	p1 =	slt.u32 s9, $0xF7A;
	s5 =	simm.s32 @!p2 $0x0  }
0x1d: {  	s5 =	simm.s32 @p1 $0x1;
	p0 =	seq.s32 s7, s2  }
0x1e: {  	s7 =	smul.u32 @!p0 $0xF7A, s2;
	p2 =	seq.s32 @!p0 s5, $0x0  }
0x1f: {  	s9 =	smul.u32 $0xF7A, s1;
	s8 =	simm.s32 @!p0 $0x1BF5;
	p2 =	por !p2, p0  }
0x20: {  	[sflag:s8] =	ssyncset.s32 @!p0 $0xFFFFF086;
	s6 =	sadd.s32 @!p0 s3, s7;
	s7 =	simm.s32 @!p0 $0x108  }
0x21: {  	s3 =	sadd.s32 s3, s9;
	s6 =	sadd.s32 @!p0 $0x88, s6;
	s7 =	simm.s32 @p2 $0x1082  }
0x22: {  	[simem:s7], [sflag:s8] =	dma.local @!p0 [hbm:s6], $0xF7A  }
0x23: {  	s9 =	sor.u32 $0xD0000000, s2;
	s6 =	simm.s32 $0x108;
	_ =	swait.ge @!p0 [sflag:s8], $0x0  }
0x24: {  	s3 =	sadd.s32 $0x88, s3;
	s6 =	simm.s32 @!p1 $0x1082;
	[sflag:s4] =	ssyncset.s32 $0xFFFFF086  }
0x25: {  	[simem:s6], [sflag:s4] =	dma.local [hbm:s3], $0xF7A  }
0x26: {  	[smem:$0x3F9D] =	sst s1;
	(tag) =	ssettag s2;
	_ =	strace s9  }
0x27: {  	s1 =	sld [smem:$0x3FAD]  }
0x28: {  	s2 =	sld [smem:$0x3FAE]  }
0x29: {  	s4 =	sld [smem:$0x3FB0]  }
0x2a: {  	p0 =	seq.s32 s5, $0x0;
	s5 =	sld [smem:$0x3FB1]  }
0x2b: {  	s6 =	sld [smem:$0x3FB2]  }
0x2c: {  	s7 =	sld [smem:$0x3FB3]  }
0x2d: {  	s3 =	simm.s32 $0x108;
	s8 =	sld [smem:$0x3FB4]  }
0x2e: {  	s3 =	simm.s32 @!p0 $0x1082;
	s9 =	sld [smem:$0x3FB5]  }
0x2f: {  	lr =	sadd.s32 s0, s3;
	s0 =	sld [smem:$0x3FAC]  }
0x30: {  	s3 =	sld [smem:$0x3FAF]  }
0x31: {  	[smem:$0x3FB8] =	sst s10  }
0x32: {  	s10 =	sld [smem:$0x3FB6];
	_ =	sdelay $0x3  }
0x33: {  	p0 =	seq.s32 s10, $0x1;
	s10 =	sld [smem:$0x3FB8];
	_ =	sdelay $0x3  }
0x34: {  	[smem:$0x3FB8] =	sst s10  }
0x35: {  	s10 =	sld [smem:$0x3FB7];
	_ =	sdelay $0x3  }
0x36: {  	p1 =	seq.s32 s10, $0x1;
	s10 =	sld [smem:$0x3FB8];
	_ =	sdelay $0x3  }
0x37: {  	[smem:$0x3FB8] =	sst s10  }
0x38: {  	s10 =	sld [smem:$0x3FB9]  }
0x39: {  	_ = 	snop;
	(pc) =	sbr.ind lr, $3  }
0x3a: {  	_ = 	snop  }
0x3b: {  	_ = 	snop  }
0x3c: {  	p2 =	seq.s32 s10, $0x1;
	s10 =	sld [smem:$0x3FB8]  }
0x3d: {  	_ =	shalt  }
0x3e: {  	_ =	shalt  }
0x3f: {  	_ =	shalt  }
0x40: {  	_ =	shalt  }
0x41: {  	_ =	shalt  }
0x42: {  	_ =	shalt  }
0x43: {  	_ =	shalt  }
0x44: {  	_ =	shalt  }
0x45: {  	_ =	shalt  }
0x46: {  	_ =	shalt  }
0x47: {  	_ =	shalt  }
0x48: {  	_ =	shalt  }
0x49: {  	_ =	shalt  }
0x4a: {  	_ =	shalt  }
0x4b: {  	_ =	shalt  }
0x4c: {  	_ =	shalt  }
0x4d: {  	_ =	shalt  }
0x4e: {  	_ =	shalt  }
0x4f: {  	_ =	shalt  }
0x50: {  	_ =	shalt  }
0x51: {  	_ =	shalt  }
0x52: {  	_ =	shalt  }
0x53: {  	_ =	shalt  }
0x54: {  	_ =	shalt  }
0x55: {  	_ =	shalt  }
0x56: {  	_ =	shalt  }
0x57: {  	_ =	shalt  }
0x58: {  	_ =	shalt  }
0x59: {  	_ =	shalt  }
0x5a: {  	_ =	shalt  }
0x5b: {  	_ =	shalt  }
0x5c: {  	_ =	shalt  }
0x5d: {  	_ =	shalt  }
0x5e: {  	_ =	shalt  }
0x5f: {  	_ =	shalt  }
0x60: {  	_ =	shalt  }
0x61: {  	_ =	shalt  }
0x62: {  	_ =	shalt  }
0x63: {  	_ =	shalt  }
0x64: {  	_ =	shalt  }
0x65: {  	_ =	shalt  }
0x66: {  	_ =	shalt  }
0x67: {  	_ =	shalt  }
0x68: {  	_ =	shalt  }
0x69: {  	_ =	shalt  }
0x6a: {  	_ =	shalt  }
0x6b: {  	_ =	shalt  }
0x6c: {  	_ =	shalt  }
0x6d: {  	_ =	shalt  }
0x6e: {  	_ =	shalt  }
0x6f: {  	_ =	shalt  }
0x70: {  	_ =	shalt  }
0x71: {  	_ =	shalt  }
0x72: {  	_ =	shalt  }
0x73: {  	_ =	shalt  }
0x74: {  	_ =	shalt  }
0x75: {  	_ =	shalt  }
0x76: {  	_ =	shalt  }
0x77: {  	_ =	shalt  }
0x78: {  	_ =	shalt  }
0x79: {  	_ =	shalt  }
0x7a: {  	_ =	shalt  }
0x7b: {  	_ =	shalt  }
0x7c: {  	_ =	shalt  }
0x7d: {  	_ =	shalt  }
0x7e: {  	_ =	shalt  }
0x7f: {  	_ =	shalt  }
0x80: {  	_ =	shalt  }
0x81: {  	_ =	shalt  }
0x82: {  	_ =	shalt  }
0x83: {  	_ =	shalt  }
0x84: {  	_ =	shalt  }
0x85: {  	_ =	shalt  }
0x86: {  	_ =	shalt  }
0x87: {  	_ =	shalt  }
.Lfunc_end0:
.L_simem_size_0:
called_computation.1_lowered:
.L_overlay_start_0:
0x88: {  	s2 =	sld [smem:$0x3FD9]  }
0x89: {  	s3 =	sld [smem:$0x3FFE];
	_ =	sdelay $0x1  }
0x8a: {  	s1 =	srdreg.scid  }
0x8b: {  	s0 =	sand.u32 $0x1, s1  }
0x8c: {  	s17 =	sshll.u32 s0, $0xA;
	s2 =	sadd.s32 s3, s2  }
0x8d: {  	s2 =	sadd.s32 s2, s17  }
0x8e: {  	[smem:$0x3FC4] =	sst s2  }
0x8f: {  	_ = 	snop  }
0x90: {  	s2 =	sld [smem:$0x3FC6];
	(tm) =	ssettm $0x1  }
0x91: {  	s18 =	sld [smem:$0x3FFB];
	_ =	sdelay $0x3  }
0x92: {  	_ =	strace s18  }
0x93: {  	s3 =	sld [smem:$0x3FFC];
	_ =	sdelay $0x3  }
0x94: {  	_ =	strace s3  }
0x95: {  	s3 =	sld [smem:$0x3FFD];
	_ =	sdelay $0x3  }
0x96: {  	_ =	strace s3  }
0x97: {  	_ =	strace $0x8FFFFFFF  }
0x98: {  	s19 =	sld [smem:$0x3FDB];
	_ =	sdelay $0x1  }
0x99: {  	s4 =	simm.s32 $_scs_section_size  }
0x9a: {  	s5 =	simm.s32 $_size__tile_overlayer_lowered;
	s6 =	simm.s32 $_tile_overlayer_lowered  }
0x9b: {  	s22 =	simm.s32 $0x1BFF;
	s21 =	sshll.u32 s6, $0x1;
	s3 =	sadd.s32 s4, s19  }
0x9c: {  	s7 =	simm.s32 $0x0;
	s20 =	sshll.u32 s5, $0x1;
	s5 =	sadd.s32 s21, s3  }
0x9d: {  	[timem:s7], [sflag:s22] =	dma.local [hbm:s5], s20  }
0x9e: {  	_ =	swait.ge [sflag:s22], s20  }
0x9f: {  	s4 =	ssub.s32 $0x0, s20;
	[sflag:s22] =	ssyncset.done $0x0  }
0xa0: {  	[sflag:s22] =	ssyncadd.s32 s4;
	_ =	sdelay $0x1  }
0xa1: {  	s23 =	simm.s32 $0x1B8B  }
0xa2: {  	_ =	swait.ge [sflag:s23], $0x1  }
0xa3: {  	[sflag:s23] =	ssyncset.done $0x0  }
0xa4: {  	s25 =	simm.s32 $0x1B8E;
	s24 =	sld [smem:$0x3FFE];
	[sflag:s23] =	ssyncadd.s32 $0xFFFFFFFF  }
0xa5: {  	s26 =	simm.s32 $execute0_lowered;
	[smem:$0x3FD2] =	sst s25  }
0xa6: {  	s5 =	sshll.u32 s26, $0x1;
	_ =	strace $0x80000049;
	[dreg:$0x1] =	wrdreg $0xFFFFFFFF  }
0xa7: {  	s28 =	simm.s32 $_size_execute0_lowered;
	s3 =	sadd.s32 s3, s5;
	[dreg:$0x0] =	wrdreg $0x0  }
0xa8: {  	s5 =	sshll.u32 s28, $0x1;
	[dreg:$0x2] =	wrdreg s3  }
0xa9: {  	[dreg:$0x3] =	wrdreg s5  }
0xaa: {  	[dreg:$0x4] =	wrdreg $0xC0  }
0xab: {  	_ =	task [dreg:s7], $0x5FFFF  }
0xac: {  	[dreg:$0x1] =	wrdreg $0xFFFFFFFF  }
0xad: {  	[dreg:$0x0] =	wrdreg $0x60  }
0xae: {  	[dreg:$0x2] =	wrdreg s24  }
0xaf: {  	[dreg:$0x3] =	wrdreg s2  }
0xb0: {  	[dreg:$0x4] =	wrdreg $0x9  }
0xb1: {  	_ =	task.clear_ibuf [dreg:s7], $0x5FFFF;
	_ =	strace $0x90000049  }
0xb2: {  	s29 =	simm.s32 $0x9;
	_ =	strace $0x8000004B  }
0xb3: {  	_ =	swait.ge [sflag:s29], $0x1  }
0xb4: {  	[sflag:s29] =	ssyncadd.s32 $0xFFFFFFFF  }
0xb5: {  	_ =	strace $0x9000004B  }
0xb6: {  	_ =	sfence  }
0xb7: {  	s30 =	sld [smem:$0x0];
	_ =	sdelay $0x2  }
0xb8: {  	s31 =	sshll.u32 s1, $0xD;
	s1 =	sshrl.u32 s1, $0x2  }
0xb9: {  	s3 =	sand.u32 $0x4000, s31;
	s1 =	sadd.s32 s1, s30  }
0xba: {  	s0 =	sor.u32 s3, s0;
	s1 =	sshll.u32 s1, $0x11  }
0xbb: {  	s0 =	sor.u32 s1, s0  }
0xbc: {  	s0 =	sadd.s32 $0x8F2B, s0  }
0xbd: {  	[sflag:s0] =	ssyncadd.remote.s32 $0x1  }
0xbe: {  	_ =	sfence.sel $0xFFFF  }
0xbf: {  	[dreg:$0x0] =	wrdreg $0xFFFFFFFF;
	(pc) =	sbr.abs _section_cstart, $3  }
0xc0: {  	[dreg:$0x1] =	wrdreg $0xFFFFFFFF  }
0xc1: {  	_ =	task.clear_ibuf [dreg:s7], $0x2FFFF;
	_ =	strace $0x9FFFFFFF  }
0xc2: {  	(tm) =	ssettm $0x7FFFFFFF  }
0xc3: {  	_ =	shalt  }
tec
execute0_lowered:
.L_overlay_start_1:
0x0: {  	(tag) =	ssettag $0x1  }
0x1: {  	v0 =	vimm.s32 $0x2380;
	vm0 =	vcmask $0x300  }
0x2: {  	s0 =	rddreg [dreg:$0x0];
	vm14 =	vcmask $0x704;
	v0 =	vsel vm0, $0x0, v0  }
0x3: {  	s1 =	rddreg [dreg:$0x1];
	s2 =	simm.s32 $0x0;
	vm15 =	vcmask $0xB08;
	v0 =	vsel vm14, $0x80, v0  }
0x4: {  	s8 =	stileid.u32;
	s3 =	srdreg.scid;
	vm4 =	vcmask $0xF0C;
	s13 =	simm.s32 $0x3;
	v0 =	vsel vm15, $0x100, v0  }
0x5: {  	vm5 =	vcmask $0x1310;
	s14 =	simm.s32 $0x18700;
	s15 =	simm.s32 $0x18F00;
	s16 =	simm.s32 $0x19700;
	v0 =	vsel vm4, $0x180, v0  }
0x6: {  	vm6 =	vcmask $0x1714;
	s17 =	simm.s32 $0x1;
	s18 =	simm.s32 $0x1B700;
	s19 =	simm.s32 $0x2;
	v0 =	vsel vm5, $0x200, v0  }
0x7: {  	vm7 =	vcmask $0x1B18;
	s22 =	simm.s32 $0x1C300;
	s23 =	simm.s32 $0x1C700;
	s24 =	simm.s32 $0x1CB00;
	v0 =	vsel vm6, $0x280, v0  }
0x8: {  	vm8 =	vcmask $0x1F1C;
	s25 =	simm.s32 $0x1CF00;
	s26 =	simm.s32 $0x1D300;
	s28 =	simm.s32 $0x0;
	v0 =	vsel vm7, $0x300, v0  }
0x9: {  	vm9 =	vcmask $0x2320;
	[smem:$0x7FF] =	sst s2;
	s4 =	sadd.s32 $0x187200, s0;
	s5 =	sadd.s32 $0x800, s0;
	v0 =	vsel vm8, $0x380, v0  }
0xa: {  	vm10 =	vcmask $0x2724;
	s6 =	sshll.u32 s8, $0x8;
	s3 =	sand.u32 $0x1, s3;
	s8 =	sshll.u32 s8, $0x1;
	v0 =	vsel vm9, $0x2000, v0  }
0xb: {  	vm11 =	vcmask $0x2B28;
	_ =	strace $0x8000004A;
	s6 =	sand.u32 $0xC00, s6;
	s7 =	ssub.s32 $0x2, s3;
	v0 =	vsel vm10, $0x2080, v0  }
0xc: {  	vm12 =	vcmask $0x2F2C;
	s3 =	sor.u32 s3, s8;
	s10 =	sadd.s32 s6, s0;
	s30 =	sshrl.u32 s7, $0x1;
	v0 =	vsel vm11, $0x2100, v0  }
0xd: {  	vm13 =	vcmask $0x3330;
	s9 =	sshll.u32 s3, $0x8;
	s8 =	sshll.u32 s3, $0x4;
	s12 =	sor.u32 $0x20, s3;
	v0 =	vsel vm12, $0x2180, v0  }
0xe: {  	vm14 =	vcmask $0x3734;
	s11 =	ssub.s32 s7, s30;
	s7 =	sadd.s32 $0xC3D00, s0;
	s31 =	sand.u32 $0x70, s8;
	v0 =	vsel vm13, $0x2200, v0  }
0xf: {  	vm15 =	vcmask $0x3B38;
	s6 =	sadd.s32 s5, s9;
	s8 =	sadd.s32 s9, s7;
	s0 =	sadd.s32 s31, s10;
	v1 =	vsel vm14, $0x2280, v0  }
0x10: {  	s9 =	sadd.s32 s1, s9;
	s11 =	smax.u32 s11, $0x1;
	s10 =	sadd.s32 $0x18A400, s0;
	v0 =	vimm.f32 $0.0e+00;
	v1 =	vsel vm15, $0x2300, v1  }
.LBB2_1:
0x11: {  	s0 =	simm.s32 $0x0  }
.LBB2_2:
0x12: {  	s3 =	sshll.u32 s0, $0xA;
	s20 =	sshll.u32 s0, $0x7  }
0x13: {  	s3 =	sand.u32 $0x2000, s3;
	s20 =	sand.u32 $0x380, s20  }
0x14: {  	s20 =	sor.u32 s20, s3;
	s3 =	simm.s32 $0x0  }
0x15: {  	s20 =	sadd.s32 $0x1B700, s20;
	s21 =	sand.u32 $0x1C00, s3  }
0x16: {  	s29 =	sand.u32 $0x70, s3;
	s30 =	sadd.s32 s21, s20  }
0x17: {  	s21 =	simm.s32 $0x10;
	s29 =	sadd.s32 s29, s30  }
.LBB2_3:
0x18: {  	p0 =	sne.s32 s21, $0x3F0  }
0x19: {  	[tilespmem:s29+$0x0] =	vst v0;
	s3 =	sadd.s32 $0x80, s3;
	s29 =	smov.u32 s21;
	s21 =	sadd.s32 $0x10, s21  }
.Ltmp0:
0x1a: {  	(pc) =	sbr.rel @p0 .LBB2_3-.Ltmp0, $4  }
0x1b: {  	_ = 	snop  }
0x1c: {  	s30 =	sand.u32 $0x1C00, s3  }
0x1d: {  	s29 =	sand.u32 $0x70, s29;
	s30 =	sadd.s32 s30, s20  }
0x1e: {  	s29 =	sadd.s32 s29, s30  }
0x1f: {  	s0 =	sadd.s32 $0x1, s0  }
0x20: {  	p0 =	sne.s32 s0, $0x10  }
.Ltmp1:
0x21: {  	_ = 	snop;
	(pc) =	sbr.rel @p0 .LBB2_2-.Ltmp1, $2  }
0x22: {  	_ =	sdelay $0x2  }
0x23: {  	[tilespmem:s29+$0x0] =	vst v0  }
0x24: {  	s29 =	simm.s32 $0x0  }
0x25: {  	[tilespmem:s29], [sflag:$0x3] =	stream.linear.gather [hbm4b:s4+s29], $0x18700, $0x38;
	[tilespmem:$0x1F700] =	vst v63  }
0x26: {  	_ =	swait.ge [sflag:s13], $0x18700  }
0x27: {  	[sflag:s13] =	ssyncset.done $0x0  }
0x28: {  	[sflag:s13] =	ssyncadd.s32 $0xFFFE7900  }
0x29: {  	[tilespmem:s14], [sflag:$0x1] =	stream.linear.gather [hbm4b:s6+s29], $0x800, $0x38;
	[tilespmem:$0x1F700] =	vst v63  }
.Ltmp2:
0x2a: {  	_ = 	snop;
	(pc) =	sbr.rel .LBB2_6-.Ltmp2, $4  }
0x2b: {  	_ = 	snop  }
0x2c: {  	[tilespmem:s15], [sflag:$0x1] =	stream.linear.gather [hbm4b:s8+s29], $0x800, $0x38;
	[tilespmem:$0x1F700] =	vst v63  }
0x2d: {  	_ = 	snop  }
0x2e: {  	[tilespmem:s16], [sflag:$0x1] =	stream.linear.gather [hbm4b:s9+s29], $0x800, $0x38;
	[tilespmem:$0x1F700] =	vst v63  }
.LBB2_14:
0x2f: {  	s29 =	sadd.s32 $0x1, s29  }
0x30: {  	p0 =	sne.s32 s29, $0x31  }
.Ltmp3:
0x31: {  	_ = 	snop;
	(pc) =	sbr.rel @!p0 .LBB2_15-.Ltmp3, $1  }
0x32: {  	_ =	sdelay $0x3  }
.LBB2_6:
0x33: {  	s0 =	sshll.u32 s29, $0x6  }
0x34: {  	s30 =	sor.u32 s12, s0  }
0x35: {  	p0 =	sgt.u32 s30, $0xC34  }
0x36: {  	s0 =	sshll.u32 @!p0 s30, $0x8  }
0x37: {  	s20 =	simm.s32 @!p0 $0x0;
	s21 =	simm.s32 @!p0 $0x19F00;
	s3 =	sadd.s32 @!p0 s5, s0  }
0x38: {  	[tilespmem:s21], [sflag:$0x2] =	stream.linear.gather @!p0 [hbm4b:s3+s20], $0x800, $0x38;
	[tilespmem:$0x1F700] =	vst v63  }
0x39: {  	s3 =	sadd.s32 @!p0 s0, s7;
	s21 =	simm.s32 @!p0 $0x1A700  }
0x3a: {  	[tilespmem:s21], [sflag:$0x2] =	stream.linear.gather @!p0 [hbm4b:s3+s20], $0x800, $0x38;
	[tilespmem:$0x1F700] =	vst v63  }
0x3b: {  	s0 =	sadd.s32 @!p0 s1, s0;
	s3 =	simm.s32 @!p0 $0x1AF00  }
0x3c: {  	[tilespmem:s3], [sflag:$0x2] =	stream.linear.gather @!p0 [hbm4b:s0+s20], $0x800, $0x38;
	[tilespmem:$0x1F700] =	vst v63  }
0x3d: {  	_ =	swait.ge [sflag:s17], $0x800  }
0x3e: {  	[sflag:s17] =	ssyncset.done $0x0  }
0x3f: {  	[sflag:s17] =	ssyncadd.s32 $0xFFFFF800  }
0x40: {  	_ =	swait.ge [sflag:s17], $0x800  }
0x41: {  	[sflag:s17] =	ssyncset.done $0x0  }
0x42: {  	[sflag:s17] =	ssyncadd.s32 $0xFFFFF800  }
0x43: {  	_ =	swait.ge [sflag:s17], $0x800  }
0x44: {  	[sflag:s17] =	ssyncset.done $0x0  }
0x45: {  	s31 =	simm.s32 $0x0;
	[sflag:s17] =	ssyncadd.s32 $0xFFFFF800  }
0x46: {  	v2 =	vld [tilespmem:s31+$0x19700];
	_ =	sdelay $0x4  }
0x47: {  	v3 =	vmul.f32 v2, v2  }
0x48: {  	v4 =	vld [tilespmem:s31+$0x18700]  }
0x49: {  	v5 =	vadd.f32 $1.000000000e+00, v3  }
0x4a: {  	v6 =	vmul.f32 $1.920000000e+02, v2  }
0x4b: {  	(erf) = vrcp.f32 v2;
	v7 =	vshra.s32 v5, $0x1;
	v5 =	vmul.f32 $5.000000000e-01, v5  }
0x4c: {  	v8 =	vld [tilespmem:s31+$0x18F00];
	v6 =	vsub.f32 $2.400000000e+02, v6;
	v7 =	vsub.s32 $0x5F3759DF, v7  }
0x4d: {  	v5 =	vmul.f32 v7, v5  }
0x4e: {  	v6 =	vmul.f32 v6, v2  }
0x4f: {  	v5 =	vmul.f32 v7, v5  }
0x50: {  	v3 =	vmul.f32 v3, v2;
	v9 =	vld.idx.msk [tilespmem:v4+s2+$0x0], $0xffff;
	v6 =	vadd.f32 $-8.000000000e+01, v6  }
0x51: {  	v5 =	vsub.f32 $1.500000000e+00, v5  }
0x52: {  	v3 =	vmul.f32 v6, v3  }
0x53: {  	v5 =	vmul.f32 v7, v5  }
0x54: {  	v6 =	vpop (erf);
	v3 =	vadd.f32 $1.000000000e+00, v3;
	v7 =	vld.idx.msk [tilespmem:v8+s2+$0x0], $0xffff  }
0x55: {  	vm0 =	vlt.f32 v2, $5.000000000e-01;
	v2 =	vshll.u32 v9, $0x3;
	v5 =	vsub.f32 v5, v6  }
0x56: {  	v10 =	vand.u32 $0x7F, v9;
	v2 =	vand.u32 $0x1C00, v2;
	v3 =	vnsel vm0, $0x0, v3  }
0x57: {  	vm11 =	vlt.s32 v4, v8;
	v2 =	vor.u32 v2, v10;
	v3 =	vmul.f32 v5, v3  }
0x58: {  	v2 =	vor.u32 v1, v2  }
0x59: {  	v4 =	vmul.f32 v7, v9;
	v3 =	vadd.f32 v3, v6;
	_ =	sdelay $0x1  }
0x5a: {  	v3 =	vmul.f32 v3, v4;
	_ =	sdelay $0x1  }
0x5b: {  	[tilespmem:v2+s18+$0x0] =	vst.idx.add.f32.msk vm11, v3  }
0x5c: {  	v2 =	vld [tilespmem:s31+$0x19710];
	_ =	sdelay $0x4  }
0x5d: {  	v3 =	vmul.f32 v2, v2  }
0x5e: {  	v4 =	vld [tilespmem:s31+$0x18710]  }
0x5f: {  	v5 =	vadd.f32 $1.000000000e+00, v3  }
0x60: {  	v6 =	vmul.f32 $1.920000000e+02, v2  }
0x61: {  	(erf) = vrcp.f32 v2;
	v7 =	vshra.s32 v5, $0x1;
	v5 =	vmul.f32 $5.000000000e-01, v5  }
0x62: {  	v8 =	vld [tilespmem:s31+$0x18F10];
	v6 =	vsub.f32 $2.400000000e+02, v6;
	v7 =	vsub.s32 $0x5F3759DF, v7  }
0x63: {  	v5 =	vmul.f32 v7, v5  }
0x64: {  	v6 =	vmul.f32 v6, v2  }
0x65: {  	v5 =	vmul.f32 v7, v5  }
0x66: {  	v3 =	vmul.f32 v3, v2;
	v9 =	vld.idx.msk [tilespmem:v4+s2+$0x0], $0xffff;
	v6 =	vadd.f32 $-8.000000000e+01, v6  }
0x67: {  	v5 =	vsub.f32 $1.500000000e+00, v5  }
0x68: {  	v3 =	vmul.f32 v6, v3  }
0x69: {  	v5 =	vmul.f32 v7, v5  }
0x6a: {  	v6 =	vpop (erf);
	v3 =	vadd.f32 $1.000000000e+00, v3;
	v7 =	vld.idx.msk [tilespmem:v8+s2+$0x0], $0xffff  }
0x6b: {  	vm12 =	vlt.f32 v2, $5.000000000e-01;
	v2 =	vsub.f32 v5, v6;
	v5 =	vshll.u32 v9, $0x3  }
0x6c: {  	v10 =	vand.u32 $0x7F, v9;
	v3 =	vnsel vm12, $0x0, v3;
	v5 =	vand.u32 $0x1C00, v5  }
0x6d: {  	vm13 =	vlt.s32 v4, v8;
	v2 =	vmul.f32 v2, v3;
	v3 =	vor.u32 v5, v10  }
0x6e: {  	v3 =	vor.u32 v1, v3  }
0x6f: {  	v4 =	vmul.f32 v7, v9;
	v2 =	vadd.f32 v2, v6;
	_ =	sdelay $0x1  }
0x70: {  	s0 =	simm.s32 $0x80;
	v2 =	vmul.f32 v2, v4  }
0x71: {  	v4 =	vld [tilespmem:s0+$0x19700]  }
0x72: {  	[tilespmem:v3+s18+$0x0] =	vst.idx.add.f32.msk vm13, v2  }
0x73: {  	v2 =	vld [tilespmem:s31+$0x19720];
	_ =	sdelay $0x3  }
0x74: {  	v3 =	vmul.f32 v4, v4  }
0x75: {  	v5 =	vld [tilespmem:s0+$0x18700];
	v7 =	vmul.f32 $1.920000000e+02, v4;
	v6 =	vmul.f32 v2, v2  }
0x76: {  	v9 =	vld [tilespmem:s31+$0x18720];
	(erf) = vrcp.f32 v4;
	v8 =	vadd.f32 $1.000000000e+00, v3  }
0x77: {  	v7 =	vsub.f32 $2.400000000e+02, v7;
	v3 =	vmul.f32 v3, v4;
	v10 =	vadd.f32 $1.000000000e+00, v6  }
0x78: {  	v12 =	vmul.f32 $1.920000000e+02, v2;
	(erf) = vrcp.f32 v2;
	v11 =	vshra.s32 v8, $0x1  }
0x79: {  	v8 =	vmul.f32 $5.000000000e-01, v8;
	v13 =	vshra.s32 v10, $0x1;
	v10 =	vmul.f32 $5.000000000e-01, v10  }
0x7a: {  	v14 =	vld [tilespmem:s31+$0x18F20];
	v12 =	vsub.f32 $2.400000000e+02, v12;
	v11 =	vsub.s32 $0x5F3759DF, v11;
	v13 =	vsub.s32 $0x5F3759DF, v13  }
0x7b: {  	v8 =	vmul.f32 v11, v8;
	v10 =	vmul.f32 v13, v10  }
0x7c: {  	v16 =	vld [tilespmem:s0+$0x18F00];
	v7 =	vmul.f32 v7, v4;
	v12 =	vmul.f32 v12, v2  }
0x7d: {  	v15 =	vld.idx.msk [tilespmem:v5+s2+$0x0], $0xffff;
	v8 =	vmul.f32 v11, v8;
	v10 =	vmul.f32 v13, v10  }
0x7e: {  	v6 =	vmul.f32 v6, v2;
	v7 =	vadd.f32 $-8.000000000e+01, v7;
	v17 =	vld.idx.msk [tilespmem:v9+s2+$0x0], $0xffff;
	v12 =	vadd.f32 $-8.000000000e+01, v12  }
0x7f: {  	vm14 =	vlt.f32 v4, $5.000000000e-01;
	v4 =	vsub.f32 $1.500000000e+00, v10  }
0x80: {  	v3 =	vmul.f32 v7, v3;
	v7 =	vsub.f32 $1.500000000e+00, v8;
	v6 =	vmul.f32 v12, v6  }
0x81: {  	vm1 =	vlt.f32 v2, $5.000000000e-01;
	vm15 =	vlt.s32 v9, v14;
	v8 =	vpop (erf);
	v4 =	vmul.f32 v13, v4  }
0x82: {  	v3 =	vadd.f32 $1.000000000e+00, v3;
	v7 =	vmul.f32 v11, v7;
	v11 =	vld.idx.msk [tilespmem:v14+s2+$0x0], $0xffff;
	v6 =	vadd.f32 $1.000000000e+00, v6;
	v13 =	vpop (erf)  }
0x83: {  	v12 =	vshll.u32 v15, $0x3;
	v2 =	vsub.f32 v4, v13;
	v4 =	vshll.u32 v17, $0x3  }
0x84: {  	v18 =	vand.u32 $0x7F, v17;
	v6 =	vnsel vm1, $0x0, v6;
	v4 =	vand.u32 $0x1C00, v4  }
0x85: {  	v19 =	vld.idx.msk [tilespmem:v16+s2+$0x0], $0xffff;
	v3 =	vnsel vm14, $0x0, v3;
	v2 =	vmul.f32 v2, v6;
	v4 =	vor.u32 v4, v18  }
0x86: {  	v10 =	vand.u32 $0x7F, v15;
	v7 =	vsub.f32 v7, v8;
	v4 =	vor.u32 v1, v4  }
0x87: {  	v9 =	vmul.f32 v11, v17;
	v6 =	vand.u32 $0x1C00, v12;
	v2 =	vadd.f32 v2, v13  }
0x88: {  	vm4 =	vlt.s32 v5, v16;
	v3 =	vmul.f32 v7, v3;
	v5 =	vor.u32 v6, v10  }
0x89: {  	v5 =	vor.u32 v1, v5;
	v2 =	vmul.f32 v2, v9  }
0x8a: {  	v3 =	vadd.f32 v3, v8;
	v6 =	vmul.f32 v19, v15  }
0x8b: {  	[tilespmem:v4+s18+$0x0] =	vst.idx.add.f32.msk vm15, v2  }
0x8c: {  	v2 =	vmul.f32 v3, v6;
	v3 =	vld [tilespmem:s31+$0x19730];
	_ =	sdelay $0x1  }
0x8d: {  	[tilespmem:v5+s18+$0x0] =	vst.idx.add.f32.msk vm4, v2  }
0x8e: {  	v2 =	vld [tilespmem:s0+$0x19710];
	_ =	sdelay $0x1  }
0x8f: {  	v4 =	vmul.f32 v3, v3  }
0x90: {  	v5 =	vld [tilespmem:s31+$0x18730];
	v7 =	vmul.f32 $1.920000000e+02, v3  }
0x91: {  	v6 =	vadd.f32 $1.000000000e+00, v4  }
0x92: {  	(erf) = vrcp.f32 v2;
	v7 =	vsub.f32 $2.400000000e+02, v7  }
0x93: {  	(erf) = vrcp.f32 v3;
	v8 =	vshra.s32 v6, $0x1;
	v6 =	vmul.f32 $5.000000000e-01, v6  }
0x94: {  	v9 =	vld [tilespmem:s31+$0x18F30];
	v8 =	vsub.s32 $0x5F3759DF, v8  }
0x95: {  	v7 =	vmul.f32 v7, v3;
	v6 =	vmul.f32 v8, v6;
	_ =	sdelay $0x1  }
0x96: {  	v7 =	vadd.f32 $-8.000000000e+01, v7;
	v6 =	vmul.f32 v8, v6  }
0x97: {  	v4 =	vmul.f32 v4, v3;
	v10 =	vld.idx.msk [tilespmem:v5+s2+$0x0], $0xffff  }
0x98: {  	v6 =	vsub.f32 $1.500000000e+00, v6  }
0x99: {  	v4 =	vmul.f32 v7, v4  }
0x9a: {  	v7 =	vpop (erf);
	v6 =	vmul.f32 v8, v6  }
0x9b: {  	v4 =	vadd.f32 $1.000000000e+00, v4;
	v8 =	vld.idx.msk [tilespmem:v9+s2+$0x0], $0xffff;
	v11 =	vpop (erf)  }
0x9c: {  	vm5 =	vlt.f32 v3, $5.000000000e-01;
	v3 =	vsub.f32 v6, v11;
	v6 =	vshll.u32 v10, $0x3  }
0x9d: {  	v12 =	vand.u32 $0x7F, v10;
	v4 =	vnsel vm5, $0x0, v4;
	v6 =	vand.u32 $0x1C00, v6  }
0x9e: {  	vm6 =	vlt.s32 v5, v9;
	v3 =	vmul.f32 v3, v4;
	v4 =	vor.u32 v6, v12  }
0x9f: {  	v4 =	vor.u32 v1, v4  }
0xa0: {  	v5 =	vmul.f32 v2, v2;
	v6 =	vmul.f32 v8, v10;
	v3 =	vadd.f32 v3, v11;
	_ =	sdelay $0x1  }
0xa1: {  	v8 =	vadd.f32 $1.000000000e+00, v5;
	v10 =	vld [tilespmem:s0+$0x18710];
	v3 =	vmul.f32 v3, v6  }
0xa2: {  	v9 =	vld [tilespmem:s0+$0x18F10];
	v6 =	vmul.f32 $1.920000000e+02, v2  }
0xa3: {  	v11 =	vshra.s32 v8, $0x1;
	v8 =	vmul.f32 $5.000000000e-01, v8;
	[tilespmem:v4+s18+$0x0] =	vst.idx.add.f32.msk vm6, v3  }
0xa4: {  	s3 =	simm.s32 $0x100;
	v3 =	vsub.f32 $2.400000000e+02, v6;
	v4 =	vsub.s32 $0x5F3759DF, v11;
	v6 =	vld [tilespmem:s31+$0x19740]  }
0xa5: {  	v11 =	vld [tilespmem:s3+$0x19700];
	v8 =	vmul.f32 v4, v8  }
0xa6: {  	v3 =	vmul.f32 v3, v2  }
0xa7: {  	v8 =	vmul.f32 v4, v8  }
0xa8: {  	v5 =	vmul.f32 v5, v2;
	v3 =	vadd.f32 $-8.000000000e+01, v3  }
0xa9: {  	v14 =	vld.idx.msk [tilespmem:v10+s2+$0x0], $0xffff;
	v8 =	vsub.f32 $1.500000000e+00, v8;
	v12 =	vmul.f32 v6, v6  }
0xaa: {  	vm7 =	vlt.f32 v2, $5.000000000e-01;
	v13 =	vmul.f32 v11, v11;
	v3 =	vmul.f32 v3, v5;
	v5 =	vld [tilespmem:s31+$0x18740]  }
0xab: {  	(erf) = vrcp.f32 v11;
	v4 =	vmul.f32 v4, v8;
	v8 =	vadd.f32 $1.000000000e+00, v12  }
0xac: {  	vm8 =	vlt.s32 v10, v9;
	v2 =	vmul.f32 $1.920000000e+02, v6;
	(erf) = vrcp.f32 v6  }
0xad: {  	v15 =	vld.idx.msk [tilespmem:v9+s2+$0x0], $0xffff;
	v3 =	vadd.f32 $1.000000000e+00, v3;
	v52 =	vshra.s32 v8, $0x1;
	v8 =	vmul.f32 $5.000000000e-01, v8  }
0xae: {  	v53 =	vld [tilespmem:s31+$0x18F40];
	v2 =	vsub.f32 $2.400000000e+02, v2;
	v9 =	vshll.u32 v14, $0x3;
	v16 =	vsub.s32 $0x5F3759DF, v52  }
0xaf: {  	v55 =	vld [tilespmem:s3+$0x18F00];
	v10 =	vand.u32 $0x7F, v14;
	v4 =	vsub.f32 v4, v7;
	v8 =	vmul.f32 v16, v8  }
0xb0: {  	v12 =	vmul.f32 v12, v6;
	v3 =	vnsel vm7, $0x0, v3;
	v2 =	vmul.f32 v2, v6  }
0xb1: {  	v9 =	vand.u32 $0x1C00, v9;
	v3 =	vmul.f32 v4, v3;
	v4 =	vld [tilespmem:s3+$0x18700];
	v8 =	vmul.f32 v16, v8  }
0xb2: {  	v54 =	vmul.f32 $1.920000000e+02, v11;
	v9 =	vor.u32 v9, v10;
	v2 =	vadd.f32 $-8.000000000e+01, v2;
	v20 =	vld.idx.msk [tilespmem:v5+s2+$0x0], $0xffff  }
0xb3: {  	v3 =	vadd.f32 v3, v7;
	v7 =	vor.u32 v1, v9;
	v8 =	vsub.f32 $1.500000000e+00, v8  }
0xb4: {  	vm2 =	vlt.f32 v6, $5.000000000e-01;
	v14 =	vmul.f32 v15, v14;
	v2 =	vmul.f32 v2, v12  }
0xb5: {  	v10 =	vsub.f32 $2.400000000e+02, v54;
	v9 =	vadd.f32 $1.000000000e+00, v13;
	v12 =	vpop (erf);
	v8 =	vmul.f32 v16, v8  }
0xb6: {  	vm9 =	vlt.s32 v5, v53;
	v3 =	vmul.f32 v3, v14;
	v5 =	vpop (erf);
	v14 =	vld.idx.msk [tilespmem:v53+s2+$0x0], $0xffff;
	v2 =	vadd.f32 $1.000000000e+00, v2  }
0xb7: {  	v15 =	vld.idx.msk [tilespmem:v55+s2+$0x0], $0xffff;
	v58 =	vshra.s32 v9, $0x1;
	v6 =	vshll.u32 v20, $0x3;
	v8 =	vsub.f32 v8, v5  }
0xb8: {  	v2 =	vnsel vm2, $0x0, v2;
	[tilespmem:v7+s18+$0x0] =	vst.idx.add.f32.msk vm8, v3;
	v56 =	vand.u32 $0x7F, v20;
	v6 =	vand.u32 $0x1C00, v6  }
0xb9: {  	v3 =	vor.u32 v6, v56;
	v6 =	vmul.f32 $5.000000000e-01, v9;
	v2 =	vmul.f32 v8, v2;
	v8 =	vld [tilespmem:s0+$0x19720]  }
0xba: {  	v7 =	vsub.s32 $0x5F3759DF, v58;
	v57 =	vld.idx.msk [tilespmem:v4+s2+$0x0], $0xffff;
	v9 =	vmul.f32 v10, v11;
	v3 =	vor.u32 v1, v3  }
0xbb: {  	v6 =	vmul.f32 v7, v6;
	v2 =	vadd.f32 v2, v5;
	v5 =	vmul.f32 v14, v20  }
0xbc: {  	v10 =	vmul.f32 v13, v11;
	v9 =	vadd.f32 $-8.000000000e+01, v9  }
0xbd: {  	vm10 =	vlt.s32 v4, v55;
	v4 =	vmul.f32 v7, v6;
	v2 =	vmul.f32 v2, v5  }
0xbe: {  	vm11 =	vlt.f32 v11, $5.000000000e-01;
	v9 =	vmul.f32 v9, v10;
	v6 =	vmul.f32 v8, v8  }
0xbf: {  	v11 =	vand.u32 $0x7F, v57;
	v5 =	vmul.f32 v15, v57;
	[tilespmem:v3+s18+$0x0] =	vst.idx.add.f32.msk vm9, v2;
	v2 =	vsub.f32 $1.500000000e+00, v4  }
0xc0: {  	v9 =	vadd.f32 $1.000000000e+00, v9;
	v4 =	vmul.f32 $1.920000000e+02, v8;
	v10 =	vld [tilespmem:s31+$0x19750];
	v14 =	vadd.f32 $1.000000000e+00, v6  }
0xc1: {  	v13 =	vld [tilespmem:s0+$0x18720];
	(erf) = vrcp.f32 v8;
	v3 =	vshll.u32 v57, $0x3;
	v2 =	vmul.f32 v7, v2  }
0xc2: {  	v4 =	vsub.f32 $2.400000000e+02, v4;
	v7 =	vshra.s32 v14, $0x1;
	v14 =	vmul.f32 $5.000000000e-01, v14  }
0xc3: {  	v6 =	vmul.f32 v6, v8;
	v2 =	vsub.f32 v2, v12;
	v7 =	vsub.s32 $0x5F3759DF, v7  }
0xc4: {  	v15 =	vld [tilespmem:s0+$0x18F20];
	v9 =	vnsel vm11, $0x0, v9;
	v4 =	vmul.f32 v4, v8;
	v14 =	vmul.f32 v7, v14  }
0xc5: {  	v3 =	vand.u32 $0x1C00, v3;
	v59 =	vmul.f32 v10, v10;
	v2 =	vmul.f32 v2, v9  }
0xc6: {  	v3 =	vor.u32 v3, v11;
	v4 =	vadd.f32 $-8.000000000e+01, v4;
	v9 =	vmul.f32 v7, v14  }
0xc7: {  	v14 =	vld [tilespmem:s31+$0x18750];
	v11 =	vadd.f32 $1.000000000e+00, v59;
	v2 =	vadd.f32 v2, v12;
	v12 =	vmul.f32 $1.920000000e+02, v10  }
0xc8: {  	v4 =	vmul.f32 v4, v6;
	v6 =	vsub.f32 $1.500000000e+00, v9  }
0xc9: {  	v60 =	vld.idx.msk [tilespmem:v13+s2+$0x0], $0xffff;
	v9 =	vshra.s32 v11, $0x1;
	v11 =	vmul.f32 $5.000000000e-01, v11;
	v12 =	vsub.f32 $2.400000000e+02, v12  }
0xca: {  	(erf) = vrcp.f32 v10;
	v6 =	vmul.f32 v7, v6;
	v7 =	vsub.s32 $0x5F3759DF, v9  }
0xcb: {  	vm12 =	vlt.f32 v8, $5.000000000e-01;
	v61 =	vld [tilespmem:s31+$0x18F50];
	v8 =	vmul.f32 v7, v11;
	v11 =	vmul.f32 v12, v10  }
0xcc: {  	v3 =	vor.u32 v1, v3;
	vm13 =	vlt.s32 v13, v15;
	v9 =	vld.idx.msk [tilespmem:v15+s2+$0x0], $0xffff  }
0xcd: {  	v62 =	vpop (erf);
	v13 =	vmul.f32 v59, v10;
	v4 =	vadd.f32 $1.000000000e+00, v4;
	v11 =	vadd.f32 $-8.000000000e+01, v11  }
0xce: {  	v15 =	vand.u32 $0x7F, v60;
	v6 =	vsub.f32 v6, v62;
	v8 =	vmul.f32 v7, v8  }
0xcf: {  	v4 =	vnsel vm12, $0x0, v4;
	v12 =	vshll.u32 v60, $0x3;
	v63 =	vld.idx.msk [tilespmem:v14+s2+$0x0], $0xffff;
	v11 =	vmul.f32 v11, v13  }
0xd0: {  	v12 =	vand.u32 $0x1C00, v12;
	v4 =	vmul.f32 v6, v4;
	v6 =	vsub.f32 $1.500000000e+00, v8  }
0xd1: {  	v2 =	vmul.f32 v2, v5;
	v8 =	vor.u32 v12, v15;
	v9 =	vmul.f32 v9, v60  }
0xd2: {  	v8 =	vor.u32 v1, v8;
	v4 =	vadd.f32 v4, v62;
	v6 =	vmul.f32 v7, v6  }
0xd3: {  	vm14 =	vlt.f32 v10, $5.000000000e-01;
	v5 =	vld.idx.msk [tilespmem:v61+s2+$0x0], $0xffff;
	v7 =	vadd.f32 $1.000000000e+00, v11;
	v11 =	vpop (erf)  }
0xd4: {  	[tilespmem:v3+s18+$0x0] =	vst.idx.add.f32.msk vm10, v2;
	v4 =	vmul.f32 v4, v9;
	v3 =	vshll.u32 v63, $0x3;
	v6 =	vsub.f32 v6, v11  }
0xd5: {  	v7 =	vnsel vm14, $0x0, v7;
	v9 =	vand.u32 $0x7F, v63;
	v3 =	vand.u32 $0x1C00, v3  }
0xd6: {  	vm15 =	vlt.s32 v14, v61;
	v2 =	vld [tilespmem:s3+$0x19710];
	v3 =	vor.u32 v3, v9;
	v6 =	vmul.f32 v6, v7  }
0xd7: {  	[tilespmem:v8+s18+$0x0] =	vst.idx.add.f32.msk vm13, v4;
	v3 =	vor.u32 v1, v3  }
0xd8: {  	v5 =	vmul.f32 v5, v63;
	v4 =	vld [tilespmem:s0+$0x19730];
	v6 =	vadd.f32 v6, v11;
	_ =	sdelay $0x1  }
0xd9: {  	v5 =	vmul.f32 v6, v5  }
0xda: {  	v7 =	vld [tilespmem:s0+$0x18730];
	v6 =	vmul.f32 $1.920000000e+02, v2  }
0xdb: {  	v8 =	vmul.f32 v2, v2;
	[tilespmem:v3+s18+$0x0] =	vst.idx.add.f32.msk vm15, v5  }
0xdc: {  	v9 =	vmul.f32 v4, v4;
	v5 =	vsub.f32 $2.400000000e+02, v6;
	v6 =	vld [tilespmem:s31+$0x19760]  }
0xdd: {  	(erf) = vrcp.f32 v2;
	v10 =	vadd.f32 $1.000000000e+00, v8  }
0xde: {  	v13 =	vmul.f32 $1.920000000e+02, v4;
	(erf) = vrcp.f32 v4;
	v12 =	vadd.f32 $1.000000000e+00, v9  }
0xdf: {  	s20 =	simm.s32 $0x600;
	v11 =	vshra.s32 v10, $0x1;
	v3 =	vmul.f32 v8, v2;
	v8 =	vld [tilespmem:s0+$0x18F30];
	v5 =	vmul.f32 v5, v2  }
.LBB2_7:
0xe0: {  	p1 =	sne.s32 s20, $0x1E00;
	v13 =	vsub.f32 $2.400000000e+02, v13;
	v14 =	vshra.s32 v12, $0x1;
	v12 =	vmul.f32 $5.000000000e-01, v12  }
0xe1: {  	v10 =	vmul.f32 $5.000000000e-01, v10;
	v14 =	vsub.s32 $0x5F3759DF, v14;
	v15 =	vld [tilespmem:s31+$0x18760];
	v16 =	vmul.f32 v6, v6  }
0xe2: {  	v11 =	vsub.s32 $0x5F3759DF, v11;
	v13 =	vmul.f32 v13, v4;
	v12 =	vmul.f32 v14, v12  }
0xe3: {  	v9 =	vmul.f32 v9, v4;
	v10 =	vmul.f32 v11, v10;
	v17 =	vld.idx.msk [tilespmem:v7+s2+$0x0], $0xffff;
	v18 =	vadd.f32 $1.000000000e+00, v16  }
0xe4: {  	v19 =	vmul.f32 $1.920000000e+02, v6;
	v13 =	vadd.f32 $-8.000000000e+01, v13;
	v12 =	vmul.f32 v14, v12  }
0xe5: {  	v20 =	vld [tilespmem:s31+$0x18F60];
	v21 =	vshra.s32 v18, $0x1;
	v18 =	vmul.f32 $5.000000000e-01, v18;
	(erf) = vrcp.f32 v6  }
0xe6: {  	v19 =	vsub.f32 $2.400000000e+02, v19;
	v22 =	vpop (erf);
	v12 =	vsub.f32 $1.500000000e+00, v12;
	v21 =	vsub.s32 $0x5F3759DF, v21  }
0xe7: {  	vm0 =	vlt.s32 v7, v8;
	v9 =	vmul.f32 v13, v9;
	v23 =	vld.idx.msk [tilespmem:v8+s2+$0x0], $0xffff;
	v7 =	vmul.f32 v21, v18  }
0xe8: {  	vm1 =	vlt.f32 v4, $5.000000000e-01;
	v4 =	vmul.f32 v14, v12;
	v8 =	vpop (erf);
	v12 =	vmul.f32 v19, v6  }
0xe9: {  	v9 =	vadd.f32 $1.000000000e+00, v9;
	v13 =	vand.u32 $0x7F, v17;
	v14 =	vld.idx.msk [tilespmem:v15+s2+$0x0], $0xffff;
	v7 =	vmul.f32 v21, v7  }
0xea: {  	v16 =	vmul.f32 v16, v6;
	v4 =	vsub.f32 v4, v8;
	v12 =	vadd.f32 $-8.000000000e+01, v12  }
0xeb: {  	v19 =	vshll.u32 v17, $0x3;
	v9 =	vnsel vm1, $0x0, v9;
	v18 =	vld [tilespmem:s3+$0x18F10];
	v7 =	vsub.f32 $1.500000000e+00, v7  }
0xec: {  	v24 =	vld [tilespmem:s3+$0x18710];
	v4 =	vmul.f32 v4, v9;
	v9 =	vand.u32 $0x1C00, v19;
	v12 =	vmul.f32 v12, v16  }
0xed: {  	v16 =	vmul.f32 v23, v17;
	v9 =	vor.u32 v9, v13;
	v13 =	vld.idx.msk [tilespmem:v20+s2+$0x0], $0xffff;
	v7 =	vmul.f32 v21, v7  }
0xee: {  	s21 =	sshra.s32 s20, $0x2;
	v8 =	vadd.f32 v4, v8;
	v9 =	vor.u32 v1, v9;
	v12 =	vadd.f32 $1.000000000e+00, v12;
	v17 =	vpop (erf)  }
0xef: {  	vm1 =	vlt.f32 v6, $5.000000000e-01;
	v4 =	vld [tilespmem:s21+$0x19700];
	v6 =	vsub.f32 v7, v17;
	v7 =	vshll.u32 v14, $0x3  }
0xf0: {  	v19 =	vand.u32 $0x7F, v14;
	v12 =	vnsel vm1, $0x0, v12;
	v7 =	vand.u32 $0x1C00, v7  }
0xf1: {  	vm1 =	vlt.s32 v15, v20;
	v6 =	vmul.f32 v6, v12;
	v7 =	vor.u32 v7, v19  }
0xf2: {  	v10 =	vmul.f32 v11, v10;
	v12 =	vadd.f32 $-8.000000000e+01, v5;
	v7 =	vor.u32 v1, v7  }
0xf3: {  	v8 =	vmul.f32 v8, v16;
	v13 =	vmul.f32 v13, v14;
	v15 =	vld.idx.msk [tilespmem:v18+s2+$0x0], $0xffff;
	v6 =	vadd.f32 v6, v17  }
0xf4: {  	v10 =	vsub.f32 $1.500000000e+00, v10;
	v5 =	vmul.f32 v4, v4;
	v14 =	vld.idx.msk [tilespmem:v24+s2+$0x0], $0xffff  }
0xf5: {  	v3 =	vmul.f32 v12, v3;
	[tilespmem:v9+s18+$0x0] =	vst.idx.add.f32.msk vm0, v8;
	v6 =	vmul.f32 v6, v13  }
0xf6: {  	v8 =	vmul.f32 $1.920000000e+02, v4;
	v9 =	vmul.f32 v11, v10;
	v10 =	vld [tilespmem:s0+$0x19740]  }
0xf7: {  	v3 =	vadd.f32 $1.000000000e+00, v3;
	v11 =	vadd.f32 $1.000000000e+00, v5;
	(erf) = vrcp.f32 v4;
	[tilespmem:v7+s18+$0x0] =	vst.idx.add.f32.msk vm1, v6  }
0xf8: {  	vm0 =	vlt.f32 v2, $5.000000000e-01;
	v6 =	vsub.f32 $2.400000000e+02, v8;
	v7 =	vsub.f32 v9, v22;
	v8 =	vld [tilespmem:s31+$0x19770]  }
0xf9: {  	v3 =	vnsel vm0, $0x0, v3;
	v2 =	vshra.s32 v11, $0x1;
	v9 =	vmul.f32 $5.000000000e-01, v11  }
0xfa: {  	vm0 =	vlt.s32 v24, v18;
	v2 =	vsub.s32 $0x5F3759DF, v2;
	v3 =	vmul.f32 v7, v3;
	v7 =	vld [tilespmem:s0+$0x18740]  }
0xfb: {  	v11 =	vmul.f32 v15, v14;
	v12 =	vshll.u32 v14, $0x3;
	v13 =	vmul.f32 v10, v10  }
0xfc: {  	v14 =	vand.u32 $0x7F, v14;
	v12 =	vand.u32 $0x1C00, v12;
	v3 =	vadd.f32 v3, v22  }
0xfd: {  	v15 =	vmul.f32 $1.920000000e+02, v10;
	v16 =	vadd.f32 $1.000000000e+00, v13;
	v17 =	vld [tilespmem:s31+$0x18770];
	v18 =	vmul.f32 v8, v8  }
0xfe: {  	v12 =	vor.u32 v12, v14;
	v11 =	vmul.f32 v3, v11;
	(erf) = vrcp.f32 v10  }
0xff: {  	v15 =	vsub.f32 $2.400000000e+02, v15;
	v14 =	vld [tilespmem:s0+$0x18F40];
	v19 =	vshra.s32 v16, $0x1;
	v20 =	vadd.f32 $1.000000000e+00, v18  }
0x100: {  	v21 =	vmul.f32 $1.920000000e+02, v8;
	v16 =	vmul.f32 $5.000000000e-01, v16;
	v3 =	vpop (erf);
	v19 =	vsub.s32 $0x5F3759DF, v19  }
0x101: {  	v22 =	vld [tilespmem:s31+$0x18F70];
	v23 =	vshra.s32 v20, $0x1;
	v20 =	vmul.f32 $5.000000000e-01, v20;
	(erf) = vrcp.f32 v8;
	s31 =	smov.u32 s0;
	s0 =	smov.u32 s3;
	s3 =	smov.u32 s21  }
0x102: {  	v21 =	vsub.f32 $2.400000000e+02, v21;
	v16 =	vmul.f32 v19, v16;
	v24 =	vld.idx.msk [tilespmem:v7+s2+$0x0], $0xffff;
	v23 =	vsub.s32 $0x5F3759DF, v23  }
0x103: {  	v12 =	vor.u32 v1, v12;
	v15 =	vmul.f32 v15, v10;
	v25 =	vld [tilespmem:s3+$0x18F00];
	v20 =	vmul.f32 v23, v20  }
0x104: {  	v16 =	vmul.f32 v19, v16;
	v26 =	vld [tilespmem:s3+$0x18700];
	vm1 =	vlt.s32 v7, v14;
	v7 =	vmul.f32 v21, v8  }
0x105: {  	v13 =	vmul.f32 v13, v10;
	v15 =	vadd.f32 $-8.000000000e+01, v15;
	v21 =	vld.idx.msk [tilespmem:v17+s2+$0x0], $0xffff;
	v20 =	vmul.f32 v23, v20  }
0x106: {  	v18 =	vmul.f32 v18, v8;
	v16 =	vsub.f32 $1.500000000e+00, v16;
	v7 =	vadd.f32 $-8.000000000e+01, v7  }
0x107: {  	vm2 =	vlt.f32 v10, $5.000000000e-01;
	v13 =	vmul.f32 v15, v13;
	v10 =	vpop (erf);
	v15 =	vsub.f32 $1.500000000e+00, v20  }
0x108: {  	v16 =	vmul.f32 v19, v16;
	v19 =	vand.u32 $0x7F, v24;
	v7 =	vmul.f32 v7, v18  }
0x109: {  	v13 =	vadd.f32 $1.000000000e+00, v13;
	v18 =	vshll.u32 v24, $0x3;
	v20 =	vld.idx.msk [tilespmem:v22+s2+$0x0], $0xffff;
	v15 =	vmul.f32 v23, v15  }
0x10a: {  	v16 =	vsub.f32 v16, v10;
	v18 =	vand.u32 $0x1C00, v18;
	v7 =	vadd.f32 $1.000000000e+00, v7;
	v23 =	vpop (erf)  }
0x10b: {  	vm3 =	vlt.f32 v8, $5.000000000e-01;
	v14 =	vld.idx.msk [tilespmem:v14+s2+$0x0], $0xffff;
	v8 =	vsub.f32 v15, v23;
	v15 =	vshll.u32 v21, $0x3  }
0x10c: {  	v28 =	vand.u32 $0x7F, v21;
	v27 =	vld.idx.msk [tilespmem:v25+s2+$0x0], $0xffff;
	v7 =	vnsel vm3, $0x0, v7;
	v15 =	vand.u32 $0x1C00, v15  }
0x10d: {  	vm3 =	vlt.s32 v17, v22;
	v29 =	vld.idx.msk [tilespmem:v26+s2+$0x0], $0xffff;
	v7 =	vmul.f32 v8, v7;
	v8 =	vor.u32 v15, v28  }
0x10e: {  	[tilespmem:v12+s18+$0x0] =	vst.idx.add.f32.msk vm0, v11;
	v11 =	vnsel vm2, $0x0, v13;
	v12 =	vor.u32 v18, v19;
	v8 =	vor.u32 v1, v8  }
0x10f: {  	v15 =	vmul.f32 v20, v21;
	v13 =	vld [tilespmem:s0+$0x19720];
	v11 =	vmul.f32 v16, v11;
	v7 =	vadd.f32 v7, v23  }
0x110: {  	v6 =	vmul.f32 v6, v4;
	v9 =	vmul.f32 v2, v9;
	v12 =	vor.u32 v1, v12  }
0x111: {  	v10 =	vadd.f32 v11, v10;
	v11 =	vmul.f32 v14, v24;
	v7 =	vmul.f32 v7, v15  }
0x112: {  	v5 =	vmul.f32 v5, v4;
	vm2 =	vlt.f32 v4, $5.000000000e-01;
	vm0 =	vlt.s32 v26, v25;
	v4 =	vld [tilespmem:s0+$0x18F20]  }
0x113: {  	v6 =	vadd.f32 $-8.000000000e+01, v6;
	v9 =	vmul.f32 v2, v9;
	v10 =	vmul.f32 v10, v11;
	[tilespmem:v8+s18+$0x0] =	vst.idx.add.f32.msk vm3, v7  }
0x114: {  	v7 =	vmul.f32 v27, v29;
	v8 =	vand.u32 $0x7F, v29;
	v11 =	vld [tilespmem:s0+$0x18720];
	v14 =	vmul.f32 v13, v13  }
0x115: {  	v5 =	vmul.f32 v6, v5;
	v6 =	vsub.f32 $1.500000000e+00, v9;
	v9 =	vshll.u32 v29, $0x3;
	[tilespmem:v12+s18+$0x0] =	vst.idx.add.f32.msk vm1, v10  }
0x116: {  	v9 =	vand.u32 $0x1C00, v9;
	v10 =	vmul.f32 $1.920000000e+02, v13;
	v12 =	vadd.f32 $1.000000000e+00, v14;
	v15 =	vld [tilespmem:s31+$0x19750]  }
0x117: {  	v5 =	vadd.f32 $1.000000000e+00, v5;
	v2 =	vmul.f32 v2, v6;
	(erf) = vrcp.f32 v13  }
0x118: {  	v6 =	vsub.f32 $2.400000000e+02, v10;
	v10 =	vshra.s32 v12, $0x1;
	v12 =	vmul.f32 $5.000000000e-01, v12  }
0x119: {  	v2 =	vsub.f32 v2, v3;
	v8 =	vor.u32 v9, v8;
	v9 =	vsub.s32 $0x5F3759DF, v10  }
0x11a: {  	v5 =	vnsel vm2, $0x0, v5;
	v6 =	vmul.f32 v6, v13;
	v10 =	vld.idx.msk [tilespmem:v4+s2+$0x0], $0xffff;
	v12 =	vmul.f32 v9, v12  }
0x11b: {  	v2 =	vmul.f32 v2, v5;
	v5 =	vor.u32 v1, v8;
	v8 =	vld [tilespmem:s31+$0x18750];
	v16 =	vmul.f32 v15, v15  }
0x11c: {  	v14 =	vmul.f32 v14, v13;
	v6 =	vadd.f32 $-8.000000000e+01, v6;
	v17 =	vld.idx.msk [tilespmem:v11+s2+$0x0], $0xffff;
	v12 =	vmul.f32 v9, v12  }
0x11d: {  	v2 =	vadd.f32 v2, v3;
	vm1 =	vlt.s32 v11, v4;
	v3 =	vadd.f32 $1.000000000e+00, v16  }
0x11e: {  	v11 =	vmul.f32 $1.920000000e+02, v15;
	v4 =	vmul.f32 v6, v14;
	v6 =	vsub.f32 $1.500000000e+00, v12  }
0x11f: {  	v12 =	vld [tilespmem:s31+$0x18F50];
	v14 =	vshra.s32 v3, $0x1;
	v3 =	vmul.f32 $5.000000000e-01, v3;
	(erf) = vrcp.f32 v15  }
0x120: {  	v11 =	vsub.f32 $2.400000000e+02, v11;
	v6 =	vmul.f32 v9, v6;
	v9 =	vpop (erf);
	v14 =	vsub.s32 $0x5F3759DF, v14  }
0x121: {  	vm2 =	vlt.f32 v13, $5.000000000e-01;
	v4 =	vadd.f32 $1.000000000e+00, v4;
	v3 =	vmul.f32 v14, v3  }
0x122: {  	v11 =	vmul.f32 v11, v15;
	v10 =	vmul.f32 v10, v17;
	v6 =	vsub.f32 v6, v9  }
0x123: {  	v4 =	vnsel vm2, $0x0, v4;
	v13 =	vshll.u32 v17, $0x3;
	v18 =	vld.idx.msk [tilespmem:v8+s2+$0x0], $0xffff;
	v3 =	vmul.f32 v14, v3  }
0x124: {  	v4 =	vmul.f32 v6, v4;
	v6 =	vadd.f32 $-8.000000000e+01, v11;
	v11 =	vmul.f32 v16, v15  }
0x125: {  	v13 =	vand.u32 $0x1C00, v13;
	v16 =	vand.u32 $0x7F, v17;
	v3 =	vsub.f32 $1.500000000e+00, v3  }
0x126: {  	v4 =	vadd.f32 v4, v9;
	v9 =	vor.u32 v13, v16;
	v6 =	vmul.f32 v6, v11  }
0x127: {  	v9 =	vor.u32 v1, v9;
	v11 =	vld.idx.msk [tilespmem:v12+s2+$0x0], $0xffff;
	v3 =	vmul.f32 v14, v3  }
0x128: {  	v2 =	vmul.f32 v2, v7;
	v4 =	vmul.f32 v4, v10;
	v6 =	vadd.f32 $1.000000000e+00, v6;
	v7 =	vpop (erf)  }
0x129: {  	vm2 =	vlt.f32 v15, $5.000000000e-01;
	v10 =	vshll.u32 v18, $0x3;
	v3 =	vsub.f32 v3, v7  }
0x12a: {  	v10 =	vand.u32 $0x1C00, v10;
	[tilespmem:v5+s18+$0x0] =	vst.idx.add.f32.msk vm0, v2;
	v5 =	vnsel vm2, $0x0, v6;
	v6 =	vand.u32 $0x7F, v18  }
0x12b: {  	vm0 =	vlt.s32 v8, v12;
	v2 =	vld [tilespmem:s3+$0x19710];
	v3 =	vmul.f32 v3, v5;
	v5 =	vor.u32 v10, v6  }
0x12c: {  	[tilespmem:v9+s18+$0x0] =	vst.idx.add.f32.msk vm1, v4;
	v5 =	vor.u32 v1, v5  }
0x12d: {  	v6 =	vmul.f32 v11, v18;
	v4 =	vld [tilespmem:s0+$0x19730];
	v3 =	vadd.f32 v3, v7;
	_ =	sdelay $0x1  }
0x12e: {  	v3 =	vmul.f32 v3, v6  }
0x12f: {  	v7 =	vld [tilespmem:s0+$0x18730]  }
.Ltmp4:
0x130: {  	v8 =	vmul.f32 v2, v2;
	v10 =	vmul.f32 $1.920000000e+02, v2;
	[tilespmem:v5+s18+$0x0] =	vst.idx.add.f32.msk vm0, v3;
	(pc) =	sbr.rel @p1 .LBB2_7-.Ltmp4, $4  }
0x131: {  	v9 =	vmul.f32 v4, v4;
	v6 =	vld [tilespmem:s31+$0x19760]  }
0x132: {  	v5 =	vsub.f32 $2.400000000e+02, v10;
	v10 =	vadd.f32 $1.000000000e+00, v8;
	(erf) = vrcp.f32 v2  }
0x133: {  	v3 =	vmul.f32 v8, v2;
	v13 =	vmul.f32 $1.920000000e+02, v4;
	v12 =	vadd.f32 $1.000000000e+00, v9  }
0x134: {  	s20 =	sadd.s32 $0x200, s20;
	v5 =	vmul.f32 v5, v2;
	v11 =	vshra.s32 v10, $0x1;
	v8 =	vld [tilespmem:s0+$0x18F30];
	(erf) = vrcp.f32 v4  }
0x135: {  	v13 =	vsub.f32 $2.400000000e+02, v13  }
0x136: {  	v14 =	vshra.s32 v12, $0x1;
	v47 =	vmul.f32 $5.000000000e-01, v12;
	v10 =	vmul.f32 $5.000000000e-01, v10  }
0x137: {  	v11 =	vsub.s32 $0x5F3759DF, v11;
	v9 =	vmul.f32 v9, v4;
	vm1 =	vlt.f32 v4, $5.000000000e-01  }
0x138: {  	v14 =	vsub.s32 $0x5F3759DF, v14;
	v15 =	vmul.f32 v6, v6;
	v19 =	vmul.f32 $1.920000000e+02, v6  }
0x139: {  	vm5 =	vlt.f32 v2, $5.000000000e-01;
	(erf) = vrcp.f32 v6;
	v12 =	vmul.f32 v14, v47  }
0x13a: {  	v16 =	vld [tilespmem:s31+$0x18760];
	vm15 =	vlt.f32 v6, $5.000000000e-01;
	v5 =	vadd.f32 $-8.000000000e+01, v5;
	v13 =	vmul.f32 v13, v4  }
0x13b: {  	v18 =	vld.idx.msk [tilespmem:v7+s2+$0x0], $0xffff;
	v10 =	vmul.f32 v11, v10;
	v17 =	vadd.f32 $1.000000000e+00, v15;
	v12 =	vmul.f32 v14, v12  }
0x13c: {  	v52 =	vld [tilespmem:s3+$0x18710];
	v19 =	vsub.f32 $2.400000000e+02, v19;
	v15 =	vmul.f32 v15, v6;
	v13 =	vadd.f32 $-8.000000000e+01, v13  }
0x13d: {  	v3 =	vmul.f32 v5, v3;
	v60 =	vmul.f32 v11, v10;
	v12 =	vsub.f32 $1.500000000e+00, v12  }
0x13e: {  	v53 =	vld [tilespmem:s31+$0x18F60];
	v20 =	vshra.s32 v17, $0x1;
	v17 =	vmul.f32 $5.000000000e-01, v17;
	v9 =	vmul.f32 v13, v9  }
0x13f: {  	v23 =	vld [tilespmem:s3+$0x18F10];
	vm0 =	vlt.s32 v7, v8;
	v51 =	vmul.f32 v19, v6;
	v49 =	vpop (erf);
	v50 =	vmul.f32 v14, v12  }
0x140: {  	v21 =	vld.idx.msk [tilespmem:v8+s2+$0x0], $0xffff;
	v55 =	vand.u32 $0x7F, v18;
	v24 =	vshll.u32 v18, $0x3;
	v54 =	vpop (erf);
	v9 =	vadd.f32 $1.000000000e+00, v9  }
0x141: {  	v3 =	vadd.f32 $1.000000000e+00, v3;
	v20 =	vsub.s32 $0x5F3759DF, v20;
	v7 =	vsub.f32 v50, v54  }
0x142: {  	v56 =	vand.u32 $0x1C00, v24;
	v6 =	vsub.f32 $1.500000000e+00, v60;
	v9 =	vnsel vm1, $0x0, v9  }
0x143: {  	v48 =	vmul.f32 v20, v17;
	v22 =	vld.idx.msk [tilespmem:v16+s2+$0x0], $0xffff;
	v7 =	vmul.f32 v7, v9;
	v9 =	vor.u32 v56, v55  }
0x144: {  	v8 =	vadd.f32 $-8.000000000e+01, v51;
	v63 =	vld.idx.msk [tilespmem:v52+s2+$0x0], $0xffff;
	v6 =	vmul.f32 v11, v6;
	v58 =	vor.u32 v1, v9  }
0x145: {  	v13 =	vmul.f32 v20, v48;
	v57 =	vmul.f32 v21, v18;
	v4 =	vadd.f32 v7, v54  }
0x146: {  	vm4 =	vlt.s32 v16, v53;
	v8 =	vmul.f32 v8, v15;
	v2 =	vsub.f32 v6, v49  }
0x147: {  	v3 =	vnsel vm5, $0x0, v3;
	v28 =	vld.idx.msk [tilespmem:v23+s2+$0x0], $0xffff;
	v13 =	vsub.f32 $1.500000000e+00, v13;
	v4 =	vmul.f32 v4, v57  }
0x148: {  	vm6 =	vlt.s32 v52, v23;
	v25 =	vld.idx.msk [tilespmem:v53+s2+$0x0], $0xffff;
	v8 =	vadd.f32 $1.000000000e+00, v8;
	v2 =	vmul.f32 v2, v3  }
0x149: {  	v13 =	vmul.f32 v20, v13;
	v62 =	vshll.u32 v22, $0x3;
	v29 =	vshll.u32 v63, $0x3;
	[tilespmem:v58+s18+$0x0] =	vst.idx.add.f32.msk vm0, v4  }
0x14a: {  	v59 =	vpop (erf);
	v8 =	vnsel vm15, $0x0, v8;
	v30 =	vand.u32 $0x7F, v63;
	v6 =	vand.u32 $0x1C00, v29;
	v4 =	vld [tilespmem:s0+$0x19740]  }
0x14b: {  	v24 =	vand.u32 $0x7F, v22;
	v61 =	vsub.f32 v13, v59;
	v3 =	vor.u32 v6, v30  }
0x14c: {  	v32 =	vmul.f32 v28, v63;
	v13 =	vand.u32 $0x1C00, v62;
	v3 =	vor.u32 v1, v3  }
0x14d: {  	v2 =	vadd.f32 v2, v49;
	v27 =	vor.u32 v13, v24;
	v26 =	vmul.f32 v61, v8  }
0x14e: {  	v31 =	vmul.f32 v25, v22;
	v8 =	vor.u32 v1, v27  }
0x14f: {  	v2 =	vmul.f32 v2, v32;
	v5 =	vadd.f32 v26, v59;
	v33 =	vmul.f32 v4, v4  }
0x150: {  	v34 =	vld [tilespmem:s0+$0x18740]  }
0x151: {  	v5 =	vmul.f32 v5, v31;
	[tilespmem:v3+s18+$0x0] =	vst.idx.add.f32.msk vm6, v2;
	v35 =	vadd.f32 $1.000000000e+00, v33  }
0x152: {  	v37 =	vld [tilespmem:s3+$0x19720];
	v36 =	vmul.f32 $1.920000000e+02, v4  }
0x153: {  	[tilespmem:v8+s18+$0x0] =	vst.idx.add.f32.msk vm4, v5;
	(erf) = vrcp.f32 v4;
	v3 =	vshra.s32 v35, $0x1;
	v5 =	vmul.f32 $5.000000000e-01, v35  }
0x154: {  	v2 =	vld [tilespmem:s31+$0x19770];
	v7 =	vsub.f32 $2.400000000e+02, v36;
	v3 =	vsub.s32 $0x5F3759DF, v3  }
0x155: {  	v5 =	vmul.f32 v3, v5  }
0x156: {  	v7 =	vmul.f32 v7, v4  }
0x157: {  	v38 =	vld [tilespmem:s0+$0x18F40];
	v40 =	vmul.f32 v37, v37;
	v5 =	vmul.f32 v3, v5  }
0x158: {  	v41 =	vld [tilespmem:s3+$0x18720];
	v6 =	vmul.f32 v33, v4;
	v43 =	vmul.f32 $1.920000000e+02, v37;
	v7 =	vadd.f32 $-8.000000000e+01, v7  }
0x159: {  	(erf) = vrcp.f32 v2;
	v42 =	vadd.f32 $1.000000000e+00, v40;
	v5 =	vsub.f32 $1.500000000e+00, v5  }
0x15a: {  	vm8 =	vlt.f32 v4, $5.000000000e-01;
	(erf) = vrcp.f32 v37;
	v6 =	vmul.f32 v7, v6  }
0x15b: {  	v39 =	vld.idx.msk [tilespmem:v34+s2+$0x0], $0xffff;
	v44 =	vshra.s32 v42, $0x1;
	v7 =	vmul.f32 $5.000000000e-01, v42;
	v3 =	vmul.f32 v3, v5  }
0x15c: {  	v46 =	vld [tilespmem:s3+$0x18F20];
	v4 =	vsub.f32 $2.400000000e+02, v43;
	v47 =	vpop (erf);
	v6 =	vadd.f32 $1.000000000e+00, v6;
	v5 =	vsub.s32 $0x5F3759DF, v44  }
0x15d: {  	v7 =	vmul.f32 v5, v7;
	v3 =	vsub.f32 v3, v47  }
0x15e: {  	v4 =	vmul.f32 v4, v37;
	v6 =	vnsel vm8, $0x0, v6  }
0x15f: {  	v10 =	vld.idx.msk [tilespmem:v38+s2+$0x0], $0xffff;
	v7 =	vmul.f32 v5, v7;
	v3 =	vmul.f32 v3, v6  }
0x160: {  	v12 =	vmul.f32 v40, v37;
	v49 =	vld.idx.msk [tilespmem:v41+s2+$0x0], $0xffff;
	v48 =	vshll.u32 v39, $0x3;
	v4 =	vadd.f32 $-8.000000000e+01, v4  }
0x161: {  	v45 =	vand.u32 $0x7F, v39;
	v16 =	vand.u32 $0x1C00, v48;
	v7 =	vsub.f32 $1.500000000e+00, v7  }
0x162: {  	vm7 =	vlt.s32 v34, v38;
	v9 =	vor.u32 v16, v45;
	v4 =	vmul.f32 v4, v12  }
0x163: {  	v9 =	vor.u32 v1, v9;
	v15 =	vadd.f32 v3, v47;
	v5 =	vmul.f32 v5, v7;
	v3 =	vpop (erf)  }
0x164: {  	vm9 =	vlt.f32 v37, $5.000000000e-01;
	v51 =	vld.idx.msk [tilespmem:v46+s2+$0x0], $0xffff;
	v10 =	vmul.f32 v10, v39;
	v4 =	vadd.f32 $1.000000000e+00, v4;
	v52 =	vpop (erf)  }
0x165: {  	v53 =	vshll.u32 v49, $0x3;
	v54 =	vand.u32 $0x7F, v49;
	v5 =	vsub.f32 v5, v52  }
0x166: {  	v8 =	vand.u32 $0x1C00, v53;
	v4 =	vnsel vm9, $0x0, v4;
	v50 =	vmul.f32 v15, v10  }
0x167: {  	vm10 =	vlt.s32 v41, v46;
	v55 =	vor.u32 v8, v54;
	v4 =	vmul.f32 v5, v4  }
0x168: {  	[tilespmem:v9+s18+$0x0] =	vst.idx.add.f32.msk vm7, v50;
	v5 =	vor.u32 v1, v55  }
0x169: {  	v6 =	vmul.f32 v51, v49;
	v9 =	vld [tilespmem:s0+$0x19750];
	v4 =	vadd.f32 v4, v52;
	_ =	sdelay $0x1  }
0x16a: {  	v4 =	vmul.f32 v4, v6;
	_ =	sdelay $0x1  }
0x16b: {  	[tilespmem:v5+s18+$0x0] =	vst.idx.add.f32.msk vm10, v4  }
0x16c: {  	v57 =	vmul.f32 v9, v9;
	v5 =	vld [tilespmem:s3+$0x19730]  }
0x16d: {  	v56 =	vld [tilespmem:s0+$0x18750]  }
0x16e: {  	v58 =	vadd.f32 $1.000000000e+00, v57  }
0x16f: {  	v59 =	vmul.f32 $1.920000000e+02, v9  }
0x170: {  	v60 =	vshra.s32 v58, $0x1;
	v4 =	vmul.f32 $5.000000000e-01, v58  }
0x171: {  	v8 =	vsub.f32 $2.400000000e+02, v59;
	v10 =	vsub.s32 $0x5F3759DF, v60;
	v62 =	vmul.f32 v5, v5  }
0x172: {  	(erf) = vrcp.f32 v9;
	v63 =	vld [tilespmem:s3+$0x18730];
	v4 =	vmul.f32 v10, v4  }
0x173: {  	v7 =	vmul.f32 v57, v9;
	v8 =	vmul.f32 v8, v9;
	v24 =	vadd.f32 $1.000000000e+00, v62  }
0x174: {  	v61 =	vld [tilespmem:s0+$0x18F50];
	v4 =	vmul.f32 v10, v4;
	v26 =	vmul.f32 $1.920000000e+02, v5  }
0x175: {  	v25 =	vld.idx.msk [tilespmem:v56+s2+$0x0], $0xffff;
	(erf) = vrcp.f32 v5;
	v27 =	vshra.s32 v24, $0x1;
	v14 =	vmul.f32 $5.000000000e-01, v24  }
0x176: {  	v28 =	vld [tilespmem:s3+$0x18F30];
	v8 =	vadd.f32 $-8.000000000e+01, v8;
	v16 =	vsub.f32 $2.400000000e+02, v26;
	v17 =	vsub.s32 $0x5F3759DF, v27  }
0x177: {  	v4 =	vsub.f32 $1.500000000e+00, v4;
	v29 =	vmul.f32 v17, v14  }
0x178: {  	vm11 =	vlt.f32 v9, $5.000000000e-01;
	v7 =	vmul.f32 v8, v7;
	v31 =	vmul.f32 v16, v5  }
0x179: {  	vm12 =	vlt.s32 v56, v61;
	v4 =	vmul.f32 v10, v4;
	v10 =	vmul.f32 v17, v29  }
0x17a: {  	v33 =	vshll.u32 v25, $0x3;
	v12 =	vmul.f32 v62, v5;
	v34 =	vld.idx.msk [tilespmem:v63+s2+$0x0], $0xffff;
	v9 =	vadd.f32 $-8.000000000e+01, v31  }
0x17b: {  	v35 =	vand.u32 $0x7F, v25;
	vm13 =	vlt.f32 v5, $5.000000000e-01;
	v10 =	vsub.f32 $1.500000000e+00, v10  }
0x17c: {  	vm14 =	vlt.s32 v63, v28;
	v30 =	vpop (erf);
	v7 =	vadd.f32 $1.000000000e+00, v7;
	v9 =	vmul.f32 v9, v12  }
0x17d: {  	v32 =	vld.idx.msk [tilespmem:v61+s2+$0x0], $0xffff;
	v18 =	vand.u32 $0x1C00, v33;
	v4 =	vsub.f32 v4, v30;
	v38 =	vmul.f32 v17, v10  }
0x17e: {  	v36 =	vor.u32 v18, v35;
	v40 =	vld.idx.msk [tilespmem:v28+s2+$0x0], $0xffff;
	v7 =	vnsel vm11, $0x0, v7;
	v41 =	vpop (erf);
	v9 =	vadd.f32 $1.000000000e+00, v9  }
0x17f: {  	v4 =	vmul.f32 v4, v7;
	v43 =	vshll.u32 v34, $0x3;
	v42 =	vsub.f32 v38, v41  }
0x180: {  	v44 =	vand.u32 $0x7F, v34;
	v7 =	vand.u32 $0x1C00, v43;
	v9 =	vnsel vm13, $0x0, v9  }
0x181: {  	v37 =	vor.u32 v1, v36;
	v7 =	vor.u32 v7, v44;
	v5 =	vmul.f32 v42, v9  }
0x182: {  	v39 =	vmul.f32 v32, v25;
	v4 =	vadd.f32 v4, v30;
	v7 =	vor.u32 v1, v7  }
0x183: {  	v45 =	vmul.f32 v40, v34;
	v5 =	vadd.f32 v5, v41  }
0x184: {  	v4 =	vmul.f32 v4, v39  }
0x185: {  	v5 =	vmul.f32 v5, v45  }
0x186: {  	[tilespmem:v37+s18+$0x0] =	vst.idx.add.f32.msk vm12, v4  }
0x187: {  	[tilespmem:v7+s18+$0x0] =	vst.idx.add.f32.msk vm14, v5  }
0x188: {  	v5 =	vld [tilespmem:s3+$0x19740]  }
0x189: {  	v4 =	vld [tilespmem:s0+$0x19760];
	_ =	sdelay $0x1  }
0x18a: {  	v48 =	vld [tilespmem:s0+$0x18760];
	_ =	sdelay $0x1  }
0x18b: {  	v49 =	vmul.f32 v5, v5  }
0x18c: {  	v46 =	vmul.f32 v4, v4;
	v50 =	vmul.f32 $1.920000000e+02, v4;
	v52 =	vld [tilespmem:s3+$0x18740]  }
0x18d: {  	(erf) = vrcp.f32 v4;
	v53 =	vadd.f32 $1.000000000e+00, v49  }
0x18e: {  	v47 =	vadd.f32 $1.000000000e+00, v46;
	v10 =	vsub.f32 $2.400000000e+02, v50;
	v54 =	vmul.f32 $1.920000000e+02, v5  }
0x18f: {  	(erf) = vrcp.f32 v5;
	v55 =	vshra.s32 v53, $0x1;
	v13 =	vmul.f32 $5.000000000e-01, v53  }
0x190: {  	v6 =	vmul.f32 v46, v4;
	v56 =	vld [tilespmem:s3+$0x18F40];
	v14 =	vsub.f32 $2.400000000e+02, v54;
	v15 =	vsub.s32 $0x5F3759DF, v55  }
0x191: {  	v58 =	vld.idx.msk [tilespmem:v48+s2+$0x0], $0xffff;
	v51 =	vshra.s32 v47, $0x1;
	v7 =	vmul.f32 $5.000000000e-01, v47;
	v13 =	vmul.f32 v15, v13  }
0x192: {  	v10 =	vmul.f32 v10, v4;
	v11 =	vsub.s32 $0x5F3759DF, v51;
	v14 =	vmul.f32 v14, v5  }
0x193: {  	v57 =	vld [tilespmem:s0+$0x18F60];
	v7 =	vmul.f32 v11, v7;
	v13 =	vmul.f32 v15, v13  }
0x194: {  	v10 =	vadd.f32 $-8.000000000e+01, v10;
	v9 =	vmul.f32 v49, v5;
	v59 =	vld.idx.msk [tilespmem:v52+s2+$0x0], $0xffff;
	v14 =	vadd.f32 $-8.000000000e+01, v14  }
0x195: {  	vm15 =	vlt.f32 v4, $5.000000000e-01;
	v7 =	vmul.f32 v11, v7;
	v60 =	vsub.f32 $1.500000000e+00, v13  }
0x196: {  	v6 =	vmul.f32 v10, v6;
	v63 =	vshll.u32 v58, $0x3;
	v9 =	vmul.f32 v14, v9  }
0x197: {  	vm4 =	vlt.f32 v5, $5.000000000e-01;
	v61 =	vpop (erf);
	v7 =	vsub.f32 $1.500000000e+00, v7;
	v62 =	vmul.f32 v15, v60  }
0x198: {  	vm5 =	vlt.s32 v52, v56;
	v29 =	vand.u32 $0x7F, v58;
	v25 =	vld.idx.msk [tilespmem:v56+s2+$0x0], $0xffff;
	v24 =	vpop (erf);
	v9 =	vadd.f32 $1.000000000e+00, v9  }
0x199: {  	v7 =	vmul.f32 v11, v7;
	v26 =	vshll.u32 v59, $0x3;
	v4 =	vsub.f32 v62, v24  }
0x19a: {  	v27 =	vand.u32 $0x7F, v59;
	v5 =	vand.u32 $0x1C00, v26;
	v9 =	vnsel vm4, $0x0, v9  }
0x19b: {  	v28 =	vld.idx.msk [tilespmem:v57+s2+$0x0], $0xffff;
	v6 =	vadd.f32 $1.000000000e+00, v6;
	v5 =	vor.u32 v5, v27;
	v4 =	vmul.f32 v4, v9  }
0x19c: {  	v10 =	vand.u32 $0x1C00, v63;
	v7 =	vsub.f32 v7, v61;
	v5 =	vor.u32 v1, v5  }
0x19d: {  	v6 =	vnsel vm15, $0x0, v6;
	v30 =	vmul.f32 v25, v59;
	v4 =	vadd.f32 v4, v24  }
0x19e: {  	vm6 =	vlt.s32 v48, v57;
	v31 =	vor.u32 v10, v29;
	v6 =	vmul.f32 v7, v6  }
0x19f: {  	v7 =	vor.u32 v1, v31;
	v4 =	vmul.f32 v4, v30  }
0x1a0: {  	v32 =	vmul.f32 v28, v58;
	v6 =	vadd.f32 v6, v61  }
0x1a1: {  	[tilespmem:v5+s18+$0x0] =	vst.idx.add.f32.msk vm5, v4  }
0x1a2: {  	v33 =	vmul.f32 v6, v32;
	v34 =	vld [tilespmem:s3+$0x19750];
	_ =	sdelay $0x1  }
0x1a3: {  	[tilespmem:v7+s18+$0x0] =	vst.idx.add.f32.msk vm6, v33  }
0x1a4: {  	v5 =	vld [tilespmem:s0+$0x19770];
	_ =	sdelay $0x1  }
0x1a5: {  	v35 =	vmul.f32 v34, v34  }
0x1a6: {  	v36 =	vld [tilespmem:s3+$0x18750]  }
0x1a7: {  	v37 =	vadd.f32 $1.000000000e+00, v35  }
0x1a8: {  	(erf) = vrcp.f32 v5;
	v38 =	vmul.f32 $1.920000000e+02, v34  }
0x1a9: {  	(erf) = vrcp.f32 v34;
	v39 =	vshra.s32 v37, $0x1;
	v8 =	vmul.f32 $5.000000000e-01, v37  }
0x1aa: {  	v40 =	vld [tilespmem:s3+$0x18F50];
	v9 =	vsub.f32 $2.400000000e+02, v38;
	v10 =	vsub.s32 $0x5F3759DF, v39  }
0x1ab: {  	v8 =	vmul.f32 v10, v8  }
0x1ac: {  	v9 =	vmul.f32 v9, v34  }
0x1ad: {  	v4 =	vmul.f32 v35, v34;
	v8 =	vmul.f32 v10, v8  }
0x1ae: {  	v41 =	vld.idx.msk [tilespmem:v36+s2+$0x0], $0xffff;
	v9 =	vadd.f32 $-8.000000000e+01, v9  }
0x1af: {  	v8 =	vsub.f32 $1.500000000e+00, v8  }
0x1b0: {  	v9 =	vmul.f32 v9, v4  }
0x1b1: {  	v4 =	vpop (erf);
	v8 =	vmul.f32 v10, v8  }
0x1b2: {  	v42 =	vld.idx.msk [tilespmem:v40+s2+$0x0], $0xffff;
	v43 =	vpop (erf);
	v9 =	vadd.f32 $1.000000000e+00, v9  }
0x1b3: {  	vm7 =	vlt.f32 v34, $5.000000000e-01;
	v45 =	vshll.u32 v41, $0x3;
	v44 =	vsub.f32 v8, v43  }
0x1b4: {  	v46 =	vand.u32 $0x7F, v41;
	v9 =	vnsel vm7, $0x0, v9;
	v8 =	vand.u32 $0x1C00, v45  }
0x1b5: {  	vm8 =	vlt.s32 v36, v40;
	v47 =	vor.u32 v8, v46;
	v6 =	vmul.f32 v44, v9  }
0x1b6: {  	v7 =	vor.u32 v1, v47  }
0x1b7: {  	v48 =	vmul.f32 v42, v41;
	v6 =	vadd.f32 v6, v43;
	_ =	sdelay $0x1  }
0x1b8: {  	v6 =	vmul.f32 v6, v48;
	_ =	sdelay $0x1  }
0x1b9: {  	[tilespmem:v7+s18+$0x0] =	vst.idx.add.f32.msk vm8, v6  }
0x1ba: {  	v6 =	vld [tilespmem:s3+$0x19760];
	_ =	sdelay $0x4  }
0x1bb: {  	v49 =	vmul.f32 v6, v6  }
0x1bc: {  	v50 =	vld [tilespmem:s3+$0x18760]  }
0x1bd: {  	v51 =	vadd.f32 $1.000000000e+00, v49  }
0x1be: {  	v52 =	vmul.f32 $1.920000000e+02, v6  }
0x1bf: {  	(erf) = vrcp.f32 v6;
	v53 =	vshra.s32 v51, $0x1;
	v9 =	vmul.f32 $5.000000000e-01, v51  }
0x1c0: {  	v54 =	vld [tilespmem:s3+$0x18F60];
	v10 =	vsub.f32 $2.400000000e+02, v52;
	v11 =	vsub.s32 $0x5F3759DF, v53  }
0x1c1: {  	v9 =	vmul.f32 v11, v9  }
0x1c2: {  	v10 =	vmul.f32 v10, v6  }
0x1c3: {  	v9 =	vmul.f32 v11, v9  }
0x1c4: {  	v55 =	vmul.f32 v2, v2;
	v7 =	vmul.f32 v49, v6;
	v57 =	vld.idx.msk [tilespmem:v50+s2+$0x0], $0xffff;
	v10 =	vadd.f32 $-8.000000000e+01, v10  }
0x1c5: {  	v9 =	vsub.f32 $1.500000000e+00, v9  }
0x1c6: {  	v56 =	vadd.f32 $1.000000000e+00, v55;
	v60 =	vld [tilespmem:s31+$0x18770];
	v7 =	vmul.f32 v10, v7  }
0x1c7: {  	v9 =	vmul.f32 v11, v9  }
0x1c8: {  	v59 =	vshra.s32 v56, $0x1;
	v14 =	vmul.f32 $5.000000000e-01, v56;
	v62 =	vld.idx.msk [tilespmem:v54+s2+$0x0], $0xffff;
	v63 =	vpop (erf);
	v7 =	vadd.f32 $1.000000000e+00, v7  }
0x1c9: {  	vm9 =	vlt.f32 v6, $5.000000000e-01;
	v22 =	vshll.u32 v57, $0x3;
	v21 =	vsub.f32 v9, v63  }
0x1ca: {  	v23 =	vand.u32 $0x7F, v57;
	v7 =	vnsel vm9, $0x0, v7;
	v9 =	vand.u32 $0x1C00, v22  }
0x1cb: {  	vm10 =	vlt.s32 v50, v54;
	v24 =	vor.u32 v9, v23;
	v6 =	vmul.f32 v21, v7  }
0x1cc: {  	v58 =	vmul.f32 $1.920000000e+02, v2;
	v25 =	vld [tilespmem:s31+$0x18F70];
	v17 =	vsub.s32 $0x5F3759DF, v59;
	v7 =	vor.u32 v1, v24  }
0x1cd: {  	v14 =	vmul.f32 v17, v14;
	v32 =	vld [tilespmem:s0+$0x18770];
	v28 =	vmul.f32 v62, v57;
	v6 =	vadd.f32 v6, v63  }
0x1ce: {  	v29 =	vld.idx.msk [tilespmem:v60+s2+$0x0], $0xffff  }
0x1cf: {  	v61 =	vsub.f32 $2.400000000e+02, v58;
	v27 =	vmul.f32 v17, v14;
	v6 =	vmul.f32 v6, v28  }
0x1d0: {  	vm11 =	vlt.f32 v2, $5.000000000e-01;
	v30 =	vmul.f32 v5, v5  }
0x1d1: {  	v13 =	vmul.f32 v55, v2;
	v26 =	vmul.f32 v61, v2;
	v11 =	vsub.f32 $1.500000000e+00, v27;
	[tilespmem:v7+s18+$0x0] =	vst.idx.add.f32.msk vm10, v6  }
0x1d2: {  	vm12 =	vlt.s32 v60, v25;
	vm13 =	vlt.f32 v5, $5.000000000e-01;
	v33 =	vadd.f32 $1.000000000e+00, v30;
	v7 =	vld [tilespmem:s3+$0x19770]  }
0x1d3: {  	v35 =	vshll.u32 v29, $0x3;
	v11 =	vmul.f32 v17, v11;
	v9 =	vadd.f32 $-8.000000000e+01, v26  }
0x1d4: {  	v38 =	vshra.s32 v33, $0x1;
	v15 =	vand.u32 $0x1C00, v35;
	v37 =	vand.u32 $0x7F, v29  }
0x1d5: {  	v47 =	vld.idx.msk [tilespmem:v32+s2+$0x0], $0xffff;
	v2 =	vsub.f32 v11, v3;
	v11 =	vmul.f32 $5.000000000e-01, v33;
	v9 =	vmul.f32 v9, v13  }
0x1d6: {  	v36 =	vmul.f32 $1.920000000e+02, v5;
	v40 =	vsub.s32 $0x5F3759DF, v38;
	v42 =	vor.u32 v15, v37  }
0x1d7: {  	v11 =	vmul.f32 v40, v11;
	v31 =	vadd.f32 $1.000000000e+00, v9;
	v41 =	vmul.f32 v7, v7  }
0x1d8: {  	v12 =	vmul.f32 v30, v5;
	v39 =	vsub.f32 $2.400000000e+02, v36;
	v8 =	vor.u32 v1, v42;
	v43 =	vld [tilespmem:s3+$0x18770]  }
0x1d9: {  	v11 =	vmul.f32 v40, v11;
	v6 =	vnsel vm11, $0x0, v31;
	v44 =	vadd.f32 $1.000000000e+00, v41  }
0x1da: {  	v55 =	vshll.u32 v47, $0x3;
	v2 =	vmul.f32 v2, v6;
	v46 =	vmul.f32 $1.920000000e+02, v7  }
0x1db: {  	v45 =	vld [tilespmem:s0+$0x18F70];
	(erf) = vrcp.f32 v7;
	v48 =	vshra.s32 v44, $0x1;
	v14 =	vmul.f32 $5.000000000e-01, v44  }
0x1dc: {  	v6 =	vmul.f32 v39, v5;
	v49 =	vld [tilespmem:s3+$0x18F70];
	v17 =	vsub.f32 $2.400000000e+02, v46;
	v20 =	vsub.s32 $0x5F3759DF, v48  }
0x1dd: {  	v34 =	vld.idx.msk [tilespmem:v25+s2+$0x0], $0xffff;
	v56 =	vand.u32 $0x7F, v47;
	v11 =	vsub.f32 $1.500000000e+00, v11;
	v50 =	vmul.f32 v20, v14  }
0x1de: {  	v16 =	vand.u32 $0x1C00, v55;
	v6 =	vadd.f32 $-8.000000000e+01, v6;
	v51 =	vmul.f32 v17, v7  }
0x1df: {  	v2 =	vadd.f32 v2, v3;
	v3 =	vmul.f32 v40, v11;
	v52 =	vmul.f32 v20, v50  }
0x1e0: {  	v6 =	vmul.f32 v6, v12;
	v54 =	vmul.f32 v41, v7;
	v53 =	vld.idx.msk [tilespmem:v43+s2+$0x0], $0xffff;
	v11 =	vadd.f32 $-8.000000000e+01, v51  }
0x1e1: {  	vm14 =	vlt.s32 v32, v45;
	v58 =	vor.u32 v16, v56;
	v5 =	vsub.f32 $1.500000000e+00, v52  }
0x1e2: {  	v13 =	vmul.f32 v34, v29;
	v6 =	vadd.f32 $1.000000000e+00, v6;
	v11 =	vmul.f32 v11, v54  }
0x1e3: {  	v57 =	vld.idx.msk [tilespmem:v45+s2+$0x0], $0xffff;
	v3 =	vsub.f32 v3, v4;
	vm2 =	vlt.f32 v7, $5.000000000e-01;
	v5 =	vmul.f32 v20, v5  }
0x1e4: {  	vm15 =	vlt.s32 v43, v49;
	v6 =	vnsel vm13, $0x0, v6;
	v59 =	vld.idx.msk [tilespmem:v49+s2+$0x0], $0xffff;
	v60 =	vpop (erf);
	v11 =	vadd.f32 $1.000000000e+00, v11  }
0x1e5: {  	v3 =	vmul.f32 v3, v6;
	v61 =	vshll.u32 v53, $0x3;
	v5 =	vsub.f32 v5, v60  }
0x1e6: {  	v62 =	vand.u32 $0x7F, v53;
	v7 =	vand.u32 $0x1C00, v61;
	v11 =	vnsel vm2, $0x0, v11  }
0x1e7: {  	v6 =	vor.u32 v1, v58;
	v7 =	vor.u32 v7, v62;
	v5 =	vmul.f32 v5, v11  }
0x1e8: {  	p1 =	sgt.u32 s30, $0xC14;
	v63 =	vmul.f32 v57, v47;
	v3 =	vadd.f32 v3, v4;
	v7 =	vor.u32 v1, v7  }
.Ltmp5:
0x1e9: {  	v2 =	vmul.f32 v2, v13;
	v9 =	vmul.f32 v59, v53;
	v5 =	vadd.f32 v5, v60;
	(pc) =	sbr.rel @p1 .LBB2_10-.Ltmp5, $4  }
0x1ea: {  	v3 =	vmul.f32 v3, v63  }
0x1eb: {  	[tilespmem:v8+s18+$0x0] =	vst.idx.add.f32.msk vm12, v2;
	v2 =	vmul.f32 v5, v9  }
0x1ec: {  	[tilespmem:v6+s18+$0x0] =	vst.idx.add.f32.msk vm14, v3  }
0x1ed: {  	[tilespmem:v7+s18+$0x0] =	vst.idx.add.f32.msk vm15, v2  }
0x1ee: {  	s0 =	sshll.u32 s30, $0x8  }
0x1ef: {  	s0 =	sand.u32 $0x1FFFFF00, s0  }
0x1f0: {  	s3 =	sadd.s32 $0x2000, s0  }
0x1f1: {  	s20 =	sadd.s32 s5, s3  }
0x1f2: {  	[tilespmem:s14], [sflag:$0x1] =	stream.linear.gather [hbm4b:s20+s2], $0x800, $0x38;
	[tilespmem:$0x1F700] =	vst v63  }
.Ltmp6:
0x1f3: {  	s0 =	sadd.s32 s5, s0;
	(pc) =	sbr.rel .LBB2_11-.Ltmp6, $4  }
0x1f4: {  	s0 =	sadd.s32 $0xC5500, s0  }
0x1f5: {  	[tilespmem:s15], [sflag:$0x1] =	stream.linear.gather [hbm4b:s0+s2], $0x800, $0x38;
	[tilespmem:$0x1F700] =	vst v63  }
0x1f6: {  	s31 =	sadd.s32 s1, s3  }
0x1f7: {  	[tilespmem:s16], [sflag:$0x1] =	stream.linear.gather [hbm4b:s31+s2], $0x800, $0x38;
	[tilespmem:$0x1F700] =	vst v63  }
.LBB2_10:
.Ltmp7:
0x1f8: {  	(pc) =	sbr.rel @p0 .LBB2_14-.Ltmp7, $1  }
0x1f9: {  	_ =	sdelay $0x3  }
.LBB2_11:
0x1fa: {  	_ =	swait.ge [sflag:s19], $0x800  }
0x1fb: {  	[sflag:s19] =	ssyncset.done $0x0  }
0x1fc: {  	[sflag:s19] =	ssyncadd.s32 $0xFFFFF800  }
0x1fd: {  	_ =	swait.ge [sflag:s19], $0x800  }
0x1fe: {  	[sflag:s19] =	ssyncset.done $0x0  }
0x1ff: {  	[sflag:s19] =	ssyncadd.s32 $0xFFFFF800  }
0x200: {  	_ =	swait.ge [sflag:s19], $0x800  }
0x201: {  	[sflag:s19] =	ssyncset.done $0x0  }
0x202: {  	s30 =	simm.s32 $0x0;
	[sflag:s19] =	ssyncadd.s32 $0xFFFFF800  }
0x203: {  	v2 =	vld [tilespmem:s30+$0x1AF00];
	_ =	sdelay $0x4  }
0x204: {  	v3 =	vmul.f32 v2, v2  }
0x205: {  	v4 =	vld [tilespmem:s30+$0x19F00]  }
0x206: {  	v5 =	vadd.f32 $1.000000000e+00, v3  }
0x207: {  	v6 =	vmul.f32 $1.920000000e+02, v2  }
0x208: {  	(erf) = vrcp.f32 v2;
	v7 =	vshra.s32 v5, $0x1;
	v5 =	vmul.f32 $5.000000000e-01, v5  }
0x209: {  	v8 =	vld [tilespmem:s30+$0x1A700];
	v6 =	vsub.f32 $2.400000000e+02, v6;
	v7 =	vsub.s32 $0x5F3759DF, v7  }
0x20a: {  	v5 =	vmul.f32 v7, v5  }
0x20b: {  	v6 =	vmul.f32 v6, v2  }
0x20c: {  	v5 =	vmul.f32 v7, v5  }
0x20d: {  	v3 =	vmul.f32 v3, v2;
	v9 =	vld.idx.msk [tilespmem:v4+s2+$0x0], $0xffff;
	v6 =	vadd.f32 $-8.000000000e+01, v6  }
0x20e: {  	v5 =	vsub.f32 $1.500000000e+00, v5  }
0x20f: {  	v3 =	vmul.f32 v6, v3  }
0x210: {  	v5 =	vmul.f32 v7, v5  }
0x211: {  	v6 =	vpop (erf);
	v3 =	vadd.f32 $1.000000000e+00, v3;
	v7 =	vld.idx.msk [tilespmem:v8+s2+$0x0], $0xffff  }
0x212: {  	vm0 =	vlt.f32 v2, $5.000000000e-01;
	v2 =	vshll.u32 v9, $0x3;
	v5 =	vsub.f32 v5, v6  }
0x213: {  	v10 =	vand.u32 $0x7F, v9;
	v2 =	vand.u32 $0x1C00, v2;
	v3 =	vnsel vm0, $0x0, v3  }
0x214: {  	vm11 =	vlt.s32 v4, v8;
	v2 =	vor.u32 v2, v10;
	v3 =	vmul.f32 v5, v3  }
0x215: {  	v2 =	vor.u32 v1, v2  }
0x216: {  	v4 =	vmul.f32 v7, v9;
	v3 =	vadd.f32 v3, v6;
	_ =	sdelay $0x1  }
0x217: {  	v3 =	vmul.f32 v3, v4;
	_ =	sdelay $0x1  }
0x218: {  	[tilespmem:v2+s18+$0x0] =	vst.idx.add.f32.msk vm11, v3  }
0x219: {  	v2 =	vld [tilespmem:s30+$0x1AF10];
	_ =	sdelay $0x4  }
0x21a: {  	v3 =	vmul.f32 v2, v2  }
0x21b: {  	v4 =	vld [tilespmem:s30+$0x19F10]  }
0x21c: {  	v5 =	vadd.f32 $1.000000000e+00, v3  }
0x21d: {  	v6 =	vmul.f32 $1.920000000e+02, v2  }
0x21e: {  	(erf) = vrcp.f32 v2;
	v7 =	vshra.s32 v5, $0x1;
	v5 =	vmul.f32 $5.000000000e-01, v5  }
0x21f: {  	v8 =	vld [tilespmem:s30+$0x1A710];
	v6 =	vsub.f32 $2.400000000e+02, v6;
	v7 =	vsub.s32 $0x5F3759DF, v7  }
0x220: {  	v5 =	vmul.f32 v7, v5  }
0x221: {  	v6 =	vmul.f32 v6, v2  }
0x222: {  	v5 =	vmul.f32 v7, v5  }
0x223: {  	v3 =	vmul.f32 v3, v2;
	v9 =	vld.idx.msk [tilespmem:v4+s2+$0x0], $0xffff;
	v6 =	vadd.f32 $-8.000000000e+01, v6  }
0x224: {  	v5 =	vsub.f32 $1.500000000e+00, v5  }
0x225: {  	v3 =	vmul.f32 v6, v3  }
0x226: {  	v5 =	vmul.f32 v7, v5  }
0x227: {  	v6 =	vpop (erf);
	v3 =	vadd.f32 $1.000000000e+00, v3;
	v7 =	vld.idx.msk [tilespmem:v8+s2+$0x0], $0xffff  }
0x228: {  	vm12 =	vlt.f32 v2, $5.000000000e-01;
	v2 =	vsub.f32 v5, v6;
	v5 =	vshll.u32 v9, $0x3  }
0x229: {  	v10 =	vand.u32 $0x7F, v9;
	v3 =	vnsel vm12, $0x0, v3;
	v5 =	vand.u32 $0x1C00, v5  }
0x22a: {  	vm13 =	vlt.s32 v4, v8;
	v2 =	vmul.f32 v2, v3;
	v3 =	vor.u32 v5, v10  }
0x22b: {  	v3 =	vor.u32 v1, v3  }
0x22c: {  	v4 =	vmul.f32 v7, v9;
	v2 =	vadd.f32 v2, v6;
	_ =	sdelay $0x1  }
0x22d: {  	s0 =	simm.s32 $0x80;
	v2 =	vmul.f32 v2, v4  }
0x22e: {  	v4 =	vld [tilespmem:s0+$0x1AF00]  }
0x22f: {  	[tilespmem:v3+s18+$0x0] =	vst.idx.add.f32.msk vm13, v2  }
0x230: {  	v2 =	vld [tilespmem:s30+$0x1AF20];
	_ =	sdelay $0x3  }
0x231: {  	v3 =	vmul.f32 v4, v4  }
0x232: {  	v5 =	vld [tilespmem:s0+$0x19F00];
	v7 =	vmul.f32 $1.920000000e+02, v4;
	v6 =	vmul.f32 v2, v2  }
0x233: {  	v9 =	vld [tilespmem:s30+$0x19F20];
	(erf) = vrcp.f32 v4;
	v8 =	vadd.f32 $1.000000000e+00, v3  }
0x234: {  	v7 =	vsub.f32 $2.400000000e+02, v7;
	v3 =	vmul.f32 v3, v4;
	v10 =	vadd.f32 $1.000000000e+00, v6  }
0x235: {  	v12 =	vmul.f32 $1.920000000e+02, v2;
	(erf) = vrcp.f32 v2;
	v11 =	vshra.s32 v8, $0x1  }
0x236: {  	v8 =	vmul.f32 $5.000000000e-01, v8;
	v13 =	vshra.s32 v10, $0x1;
	v10 =	vmul.f32 $5.000000000e-01, v10  }
0x237: {  	v14 =	vld [tilespmem:s30+$0x1A720];
	v12 =	vsub.f32 $2.400000000e+02, v12;
	v11 =	vsub.s32 $0x5F3759DF, v11;
	v13 =	vsub.s32 $0x5F3759DF, v13  }
0x238: {  	v8 =	vmul.f32 v11, v8;
	v10 =	vmul.f32 v13, v10  }
0x239: {  	v16 =	vld [tilespmem:s0+$0x1A700];
	v7 =	vmul.f32 v7, v4;
	v12 =	vmul.f32 v12, v2  }
0x23a: {  	v15 =	vld.idx.msk [tilespmem:v5+s2+$0x0], $0xffff;
	v8 =	vmul.f32 v11, v8;
	v10 =	vmul.f32 v13, v10  }
0x23b: {  	v6 =	vmul.f32 v6, v2;
	v7 =	vadd.f32 $-8.000000000e+01, v7;
	v17 =	vld.idx.msk [tilespmem:v9+s2+$0x0], $0xffff;
	v12 =	vadd.f32 $-8.000000000e+01, v12  }
0x23c: {  	vm14 =	vlt.f32 v4, $5.000000000e-01;
	v4 =	vsub.f32 $1.500000000e+00, v10  }
0x23d: {  	v3 =	vmul.f32 v7, v3;
	v7 =	vsub.f32 $1.500000000e+00, v8;
	v6 =	vmul.f32 v12, v6  }
0x23e: {  	vm1 =	vlt.f32 v2, $5.000000000e-01;
	vm15 =	vlt.s32 v9, v14;
	v8 =	vpop (erf);
	v4 =	vmul.f32 v13, v4  }
0x23f: {  	v3 =	vadd.f32 $1.000000000e+00, v3;
	v7 =	vmul.f32 v11, v7;
	v11 =	vld.idx.msk [tilespmem:v14+s2+$0x0], $0xffff;
	v6 =	vadd.f32 $1.000000000e+00, v6;
	v13 =	vpop (erf)  }
0x240: {  	v12 =	vshll.u32 v15, $0x3;
	v2 =	vsub.f32 v4, v13;
	v4 =	vshll.u32 v17, $0x3  }
0x241: {  	v18 =	vand.u32 $0x7F, v17;
	v6 =	vnsel vm1, $0x0, v6;
	v4 =	vand.u32 $0x1C00, v4  }
0x242: {  	v19 =	vld.idx.msk [tilespmem:v16+s2+$0x0], $0xffff;
	v3 =	vnsel vm14, $0x0, v3;
	v2 =	vmul.f32 v2, v6;
	v4 =	vor.u32 v4, v18  }
0x243: {  	v10 =	vand.u32 $0x7F, v15;
	v7 =	vsub.f32 v7, v8;
	v4 =	vor.u32 v1, v4  }
0x244: {  	v9 =	vmul.f32 v11, v17;
	v6 =	vand.u32 $0x1C00, v12;
	v2 =	vadd.f32 v2, v13  }
0x245: {  	vm4 =	vlt.s32 v5, v16;
	v3 =	vmul.f32 v7, v3;
	v5 =	vor.u32 v6, v10  }
0x246: {  	v5 =	vor.u32 v1, v5;
	v2 =	vmul.f32 v2, v9  }
0x247: {  	v3 =	vadd.f32 v3, v8;
	v6 =	vmul.f32 v19, v15  }
0x248: {  	[tilespmem:v4+s18+$0x0] =	vst.idx.add.f32.msk vm15, v2  }
0x249: {  	v2 =	vmul.f32 v3, v6;
	v3 =	vld [tilespmem:s30+$0x1AF30];
	_ =	sdelay $0x1  }
0x24a: {  	[tilespmem:v5+s18+$0x0] =	vst.idx.add.f32.msk vm4, v2  }
0x24b: {  	v2 =	vld [tilespmem:s0+$0x1AF10];
	_ =	sdelay $0x1  }
0x24c: {  	v4 =	vmul.f32 v3, v3  }
0x24d: {  	v5 =	vld [tilespmem:s30+$0x19F30];
	v7 =	vmul.f32 $1.920000000e+02, v3  }
0x24e: {  	v6 =	vadd.f32 $1.000000000e+00, v4  }
0x24f: {  	(erf) = vrcp.f32 v2;
	v7 =	vsub.f32 $2.400000000e+02, v7  }
0x250: {  	(erf) = vrcp.f32 v3;
	v8 =	vshra.s32 v6, $0x1;
	v6 =	vmul.f32 $5.000000000e-01, v6  }
0x251: {  	v9 =	vld [tilespmem:s30+$0x1A730];
	v8 =	vsub.s32 $0x5F3759DF, v8  }
0x252: {  	v7 =	vmul.f32 v7, v3;
	v6 =	vmul.f32 v8, v6;
	_ =	sdelay $0x1  }
0x253: {  	v7 =	vadd.f32 $-8.000000000e+01, v7;
	v6 =	vmul.f32 v8, v6  }
0x254: {  	v4 =	vmul.f32 v4, v3;
	v10 =	vld.idx.msk [tilespmem:v5+s2+$0x0], $0xffff  }
0x255: {  	v6 =	vsub.f32 $1.500000000e+00, v6  }
0x256: {  	v4 =	vmul.f32 v7, v4  }
0x257: {  	v7 =	vpop (erf);
	v6 =	vmul.f32 v8, v6  }
0x258: {  	v4 =	vadd.f32 $1.000000000e+00, v4;
	v8 =	vld.idx.msk [tilespmem:v9+s2+$0x0], $0xffff;
	v11 =	vpop (erf)  }
0x259: {  	vm5 =	vlt.f32 v3, $5.000000000e-01;
	v3 =	vsub.f32 v6, v11;
	v6 =	vshll.u32 v10, $0x3  }
0x25a: {  	v12 =	vand.u32 $0x7F, v10;
	v4 =	vnsel vm5, $0x0, v4;
	v6 =	vand.u32 $0x1C00, v6  }
0x25b: {  	vm6 =	vlt.s32 v5, v9;
	v3 =	vmul.f32 v3, v4;
	v4 =	vor.u32 v6, v12  }
0x25c: {  	v4 =	vor.u32 v1, v4  }
0x25d: {  	v5 =	vmul.f32 v2, v2;
	v6 =	vmul.f32 v8, v10;
	v3 =	vadd.f32 v3, v11;
	_ =	sdelay $0x1  }
0x25e: {  	v8 =	vadd.f32 $1.000000000e+00, v5;
	v10 =	vld [tilespmem:s0+$0x19F10];
	v3 =	vmul.f32 v3, v6  }
0x25f: {  	v9 =	vld [tilespmem:s0+$0x1A710];
	v6 =	vmul.f32 $1.920000000e+02, v2  }
0x260: {  	v11 =	vshra.s32 v8, $0x1;
	v8 =	vmul.f32 $5.000000000e-01, v8;
	[tilespmem:v4+s18+$0x0] =	vst.idx.add.f32.msk vm6, v3  }
0x261: {  	s3 =	simm.s32 $0x100;
	v3 =	vsub.f32 $2.400000000e+02, v6;
	v4 =	vsub.s32 $0x5F3759DF, v11;
	v6 =	vld [tilespmem:s30+$0x1AF40]  }
0x262: {  	v11 =	vld [tilespmem:s3+$0x1AF00];
	v8 =	vmul.f32 v4, v8  }
0x263: {  	v3 =	vmul.f32 v3, v2  }
0x264: {  	v8 =	vmul.f32 v4, v8  }
0x265: {  	v5 =	vmul.f32 v5, v2;
	v3 =	vadd.f32 $-8.000000000e+01, v3  }
0x266: {  	v14 =	vld.idx.msk [tilespmem:v10+s2+$0x0], $0xffff;
	v8 =	vsub.f32 $1.500000000e+00, v8;
	v12 =	vmul.f32 v6, v6  }
0x267: {  	vm7 =	vlt.f32 v2, $5.000000000e-01;
	v13 =	vmul.f32 v11, v11;
	v3 =	vmul.f32 v3, v5;
	v5 =	vld [tilespmem:s30+$0x19F40]  }
0x268: {  	(erf) = vrcp.f32 v11;
	v4 =	vmul.f32 v4, v8;
	v8 =	vadd.f32 $1.000000000e+00, v12  }
0x269: {  	vm8 =	vlt.s32 v10, v9;
	v2 =	vmul.f32 $1.920000000e+02, v6;
	(erf) = vrcp.f32 v6  }
0x26a: {  	v15 =	vld.idx.msk [tilespmem:v9+s2+$0x0], $0xffff;
	v3 =	vadd.f32 $1.000000000e+00, v3;
	v52 =	vshra.s32 v8, $0x1;
	v8 =	vmul.f32 $5.000000000e-01, v8  }
0x26b: {  	v53 =	vld [tilespmem:s30+$0x1A740];
	v2 =	vsub.f32 $2.400000000e+02, v2;
	v9 =	vshll.u32 v14, $0x3;
	v16 =	vsub.s32 $0x5F3759DF, v52  }
0x26c: {  	v55 =	vld [tilespmem:s3+$0x1A700];
	v10 =	vand.u32 $0x7F, v14;
	v4 =	vsub.f32 v4, v7;
	v8 =	vmul.f32 v16, v8  }
0x26d: {  	v12 =	vmul.f32 v12, v6;
	v3 =	vnsel vm7, $0x0, v3;
	v2 =	vmul.f32 v2, v6  }
0x26e: {  	v9 =	vand.u32 $0x1C00, v9;
	v3 =	vmul.f32 v4, v3;
	v4 =	vld [tilespmem:s3+$0x19F00];
	v8 =	vmul.f32 v16, v8  }
0x26f: {  	v54 =	vmul.f32 $1.920000000e+02, v11;
	v9 =	vor.u32 v9, v10;
	v2 =	vadd.f32 $-8.000000000e+01, v2;
	v20 =	vld.idx.msk [tilespmem:v5+s2+$0x0], $0xffff  }
0x270: {  	v3 =	vadd.f32 v3, v7;
	v7 =	vor.u32 v1, v9;
	v8 =	vsub.f32 $1.500000000e+00, v8  }
0x271: {  	vm2 =	vlt.f32 v6, $5.000000000e-01;
	v14 =	vmul.f32 v15, v14;
	v2 =	vmul.f32 v2, v12  }
0x272: {  	v10 =	vsub.f32 $2.400000000e+02, v54;
	v9 =	vadd.f32 $1.000000000e+00, v13;
	v12 =	vpop (erf);
	v8 =	vmul.f32 v16, v8  }
0x273: {  	vm9 =	vlt.s32 v5, v53;
	v3 =	vmul.f32 v3, v14;
	v5 =	vpop (erf);
	v14 =	vld.idx.msk [tilespmem:v53+s2+$0x0], $0xffff;
	v2 =	vadd.f32 $1.000000000e+00, v2  }
0x274: {  	v15 =	vld.idx.msk [tilespmem:v55+s2+$0x0], $0xffff;
	v58 =	vshra.s32 v9, $0x1;
	v6 =	vshll.u32 v20, $0x3;
	v8 =	vsub.f32 v8, v5  }
0x275: {  	v2 =	vnsel vm2, $0x0, v2;
	[tilespmem:v7+s18+$0x0] =	vst.idx.add.f32.msk vm8, v3;
	v56 =	vand.u32 $0x7F, v20;
	v6 =	vand.u32 $0x1C00, v6  }
0x276: {  	v3 =	vor.u32 v6, v56;
	v6 =	vmul.f32 $5.000000000e-01, v9;
	v2 =	vmul.f32 v8, v2;
	v8 =	vld [tilespmem:s0+$0x1AF20]  }
0x277: {  	v7 =	vsub.s32 $0x5F3759DF, v58;
	v57 =	vld.idx.msk [tilespmem:v4+s2+$0x0], $0xffff;
	v9 =	vmul.f32 v10, v11;
	v3 =	vor.u32 v1, v3  }
0x278: {  	v6 =	vmul.f32 v7, v6;
	v2 =	vadd.f32 v2, v5;
	v5 =	vmul.f32 v14, v20  }
0x279: {  	v10 =	vmul.f32 v13, v11;
	v9 =	vadd.f32 $-8.000000000e+01, v9  }
0x27a: {  	vm10 =	vlt.s32 v4, v55;
	v4 =	vmul.f32 v7, v6;
	v2 =	vmul.f32 v2, v5  }
0x27b: {  	vm11 =	vlt.f32 v11, $5.000000000e-01;
	v9 =	vmul.f32 v9, v10;
	v6 =	vmul.f32 v8, v8  }
0x27c: {  	v11 =	vand.u32 $0x7F, v57;
	v5 =	vmul.f32 v15, v57;
	[tilespmem:v3+s18+$0x0] =	vst.idx.add.f32.msk vm9, v2;
	v2 =	vsub.f32 $1.500000000e+00, v4  }
0x27d: {  	v9 =	vadd.f32 $1.000000000e+00, v9;
	v4 =	vmul.f32 $1.920000000e+02, v8;
	v10 =	vld [tilespmem:s30+$0x1AF50];
	v14 =	vadd.f32 $1.000000000e+00, v6  }
0x27e: {  	v13 =	vld [tilespmem:s0+$0x19F20];
	(erf) = vrcp.f32 v8;
	v3 =	vshll.u32 v57, $0x3;
	v2 =	vmul.f32 v7, v2  }
0x27f: {  	v4 =	vsub.f32 $2.400000000e+02, v4;
	v7 =	vshra.s32 v14, $0x1;
	v14 =	vmul.f32 $5.000000000e-01, v14  }
0x280: {  	v6 =	vmul.f32 v6, v8;
	v2 =	vsub.f32 v2, v12;
	v7 =	vsub.s32 $0x5F3759DF, v7  }
0x281: {  	v15 =	vld [tilespmem:s0+$0x1A720];
	v9 =	vnsel vm11, $0x0, v9;
	v4 =	vmul.f32 v4, v8;
	v14 =	vmul.f32 v7, v14  }
0x282: {  	v3 =	vand.u32 $0x1C00, v3;
	v59 =	vmul.f32 v10, v10;
	v2 =	vmul.f32 v2, v9  }
0x283: {  	v3 =	vor.u32 v3, v11;
	v4 =	vadd.f32 $-8.000000000e+01, v4;
	v9 =	vmul.f32 v7, v14  }
0x284: {  	v14 =	vld [tilespmem:s30+$0x19F50];
	v11 =	vadd.f32 $1.000000000e+00, v59;
	v2 =	vadd.f32 v2, v12;
	v12 =	vmul.f32 $1.920000000e+02, v10  }
0x285: {  	v4 =	vmul.f32 v4, v6;
	v6 =	vsub.f32 $1.500000000e+00, v9  }
0x286: {  	v60 =	vld.idx.msk [tilespmem:v13+s2+$0x0], $0xffff;
	v9 =	vshra.s32 v11, $0x1;
	v11 =	vmul.f32 $5.000000000e-01, v11;
	v12 =	vsub.f32 $2.400000000e+02, v12  }
0x287: {  	(erf) = vrcp.f32 v10;
	v6 =	vmul.f32 v7, v6;
	v7 =	vsub.s32 $0x5F3759DF, v9  }
0x288: {  	vm12 =	vlt.f32 v8, $5.000000000e-01;
	v61 =	vld [tilespmem:s30+$0x1A750];
	v8 =	vmul.f32 v7, v11;
	v11 =	vmul.f32 v12, v10  }
0x289: {  	v3 =	vor.u32 v1, v3;
	vm13 =	vlt.s32 v13, v15;
	v9 =	vld.idx.msk [tilespmem:v15+s2+$0x0], $0xffff  }
0x28a: {  	v62 =	vpop (erf);
	v13 =	vmul.f32 v59, v10;
	v4 =	vadd.f32 $1.000000000e+00, v4;
	v11 =	vadd.f32 $-8.000000000e+01, v11  }
0x28b: {  	v15 =	vand.u32 $0x7F, v60;
	v6 =	vsub.f32 v6, v62;
	v8 =	vmul.f32 v7, v8  }
0x28c: {  	v4 =	vnsel vm12, $0x0, v4;
	v12 =	vshll.u32 v60, $0x3;
	v63 =	vld.idx.msk [tilespmem:v14+s2+$0x0], $0xffff;
	v11 =	vmul.f32 v11, v13  }
0x28d: {  	v12 =	vand.u32 $0x1C00, v12;
	v4 =	vmul.f32 v6, v4;
	v6 =	vsub.f32 $1.500000000e+00, v8  }
0x28e: {  	v2 =	vmul.f32 v2, v5;
	v8 =	vor.u32 v12, v15;
	v9 =	vmul.f32 v9, v60  }
0x28f: {  	v8 =	vor.u32 v1, v8;
	v4 =	vadd.f32 v4, v62;
	v6 =	vmul.f32 v7, v6  }
0x290: {  	vm14 =	vlt.f32 v10, $5.000000000e-01;
	v5 =	vld.idx.msk [tilespmem:v61+s2+$0x0], $0xffff;
	v7 =	vadd.f32 $1.000000000e+00, v11;
	v11 =	vpop (erf)  }
0x291: {  	[tilespmem:v3+s18+$0x0] =	vst.idx.add.f32.msk vm10, v2;
	v4 =	vmul.f32 v4, v9;
	v3 =	vshll.u32 v63, $0x3;
	v6 =	vsub.f32 v6, v11  }
0x292: {  	v7 =	vnsel vm14, $0x0, v7;
	v9 =	vand.u32 $0x7F, v63;
	v3 =	vand.u32 $0x1C00, v3  }
0x293: {  	vm15 =	vlt.s32 v14, v61;
	v2 =	vld [tilespmem:s3+$0x1AF10];
	v3 =	vor.u32 v3, v9;
	v6 =	vmul.f32 v6, v7  }
0x294: {  	[tilespmem:v8+s18+$0x0] =	vst.idx.add.f32.msk vm13, v4;
	v3 =	vor.u32 v1, v3  }
0x295: {  	v5 =	vmul.f32 v5, v63;
	v4 =	vld [tilespmem:s0+$0x1AF30];
	v6 =	vadd.f32 v6, v11;
	_ =	sdelay $0x1  }
0x296: {  	v5 =	vmul.f32 v6, v5  }
0x297: {  	v7 =	vld [tilespmem:s0+$0x19F30];
	v6 =	vmul.f32 $1.920000000e+02, v2  }
0x298: {  	v8 =	vmul.f32 v2, v2;
	[tilespmem:v3+s18+$0x0] =	vst.idx.add.f32.msk vm15, v5  }
0x299: {  	v9 =	vmul.f32 v4, v4;
	v5 =	vsub.f32 $2.400000000e+02, v6;
	v6 =	vld [tilespmem:s30+$0x1AF60]  }
0x29a: {  	(erf) = vrcp.f32 v2;
	v10 =	vadd.f32 $1.000000000e+00, v8  }
0x29b: {  	v13 =	vmul.f32 $1.920000000e+02, v4;
	(erf) = vrcp.f32 v4;
	v12 =	vadd.f32 $1.000000000e+00, v9  }
0x29c: {  	s20 =	simm.s32 $0x600;
	v11 =	vshra.s32 v10, $0x1;
	v3 =	vmul.f32 v8, v2;
	v8 =	vld [tilespmem:s0+$0x1A730];
	v5 =	vmul.f32 v5, v2  }
.LBB2_12:
0x29d: {  	p0 =	sne.s32 s20, $0x1E00;
	v13 =	vsub.f32 $2.400000000e+02, v13;
	v14 =	vshra.s32 v12, $0x1;
	v12 =	vmul.f32 $5.000000000e-01, v12  }
0x29e: {  	v10 =	vmul.f32 $5.000000000e-01, v10;
	v14 =	vsub.s32 $0x5F3759DF, v14;
	v15 =	vld [tilespmem:s30+$0x19F60];
	v16 =	vmul.f32 v6, v6  }
0x29f: {  	v11 =	vsub.s32 $0x5F3759DF, v11;
	v13 =	vmul.f32 v13, v4;
	v12 =	vmul.f32 v14, v12  }
0x2a0: {  	v9 =	vmul.f32 v9, v4;
	v10 =	vmul.f32 v11, v10;
	v17 =	vld.idx.msk [tilespmem:v7+s2+$0x0], $0xffff;
	v18 =	vadd.f32 $1.000000000e+00, v16  }
0x2a1: {  	v19 =	vmul.f32 $1.920000000e+02, v6;
	v13 =	vadd.f32 $-8.000000000e+01, v13;
	v12 =	vmul.f32 v14, v12  }
0x2a2: {  	v20 =	vld [tilespmem:s30+$0x1A760];
	v21 =	vshra.s32 v18, $0x1;
	v18 =	vmul.f32 $5.000000000e-01, v18;
	(erf) = vrcp.f32 v6  }
0x2a3: {  	v19 =	vsub.f32 $2.400000000e+02, v19;
	v22 =	vpop (erf);
	v12 =	vsub.f32 $1.500000000e+00, v12;
	v21 =	vsub.s32 $0x5F3759DF, v21  }
0x2a4: {  	vm0 =	vlt.s32 v7, v8;
	v9 =	vmul.f32 v13, v9;
	v23 =	vld.idx.msk [tilespmem:v8+s2+$0x0], $0xffff;
	v7 =	vmul.f32 v21, v18  }
0x2a5: {  	vm1 =	vlt.f32 v4, $5.000000000e-01;
	v4 =	vmul.f32 v14, v12;
	v8 =	vpop (erf);
	v12 =	vmul.f32 v19, v6  }
0x2a6: {  	v9 =	vadd.f32 $1.000000000e+00, v9;
	v13 =	vand.u32 $0x7F, v17;
	v14 =	vld.idx.msk [tilespmem:v15+s2+$0x0], $0xffff;
	v7 =	vmul.f32 v21, v7  }
0x2a7: {  	v16 =	vmul.f32 v16, v6;
	v4 =	vsub.f32 v4, v8;
	v12 =	vadd.f32 $-8.000000000e+01, v12  }
0x2a8: {  	v19 =	vshll.u32 v17, $0x3;
	v9 =	vnsel vm1, $0x0, v9;
	v18 =	vld [tilespmem:s3+$0x1A710];
	v7 =	vsub.f32 $1.500000000e+00, v7  }
0x2a9: {  	v24 =	vld [tilespmem:s3+$0x19F10];
	v4 =	vmul.f32 v4, v9;
	v9 =	vand.u32 $0x1C00, v19;
	v12 =	vmul.f32 v12, v16  }
0x2aa: {  	v16 =	vmul.f32 v23, v17;
	v9 =	vor.u32 v9, v13;
	v13 =	vld.idx.msk [tilespmem:v20+s2+$0x0], $0xffff;
	v7 =	vmul.f32 v21, v7  }
0x2ab: {  	s21 =	sshra.s32 s20, $0x2;
	v8 =	vadd.f32 v4, v8;
	v9 =	vor.u32 v1, v9;
	v12 =	vadd.f32 $1.000000000e+00, v12;
	v17 =	vpop (erf)  }
0x2ac: {  	vm1 =	vlt.f32 v6, $5.000000000e-01;
	v4 =	vld [tilespmem:s21+$0x1AF00];
	v6 =	vsub.f32 v7, v17;
	v7 =	vshll.u32 v14, $0x3  }
0x2ad: {  	v19 =	vand.u32 $0x7F, v14;
	v12 =	vnsel vm1, $0x0, v12;
	v7 =	vand.u32 $0x1C00, v7  }
0x2ae: {  	vm1 =	vlt.s32 v15, v20;
	v6 =	vmul.f32 v6, v12;
	v7 =	vor.u32 v7, v19  }
0x2af: {  	v10 =	vmul.f32 v11, v10;
	v12 =	vadd.f32 $-8.000000000e+01, v5;
	v7 =	vor.u32 v1, v7  }
0x2b0: {  	v8 =	vmul.f32 v8, v16;
	v13 =	vmul.f32 v13, v14;
	v15 =	vld.idx.msk [tilespmem:v18+s2+$0x0], $0xffff;
	v6 =	vadd.f32 v6, v17  }
0x2b1: {  	v10 =	vsub.f32 $1.500000000e+00, v10;
	v5 =	vmul.f32 v4, v4;
	v14 =	vld.idx.msk [tilespmem:v24+s2+$0x0], $0xffff  }
0x2b2: {  	v3 =	vmul.f32 v12, v3;
	[tilespmem:v9+s18+$0x0] =	vst.idx.add.f32.msk vm0, v8;
	v6 =	vmul.f32 v6, v13  }
0x2b3: {  	v8 =	vmul.f32 $1.920000000e+02, v4;
	v9 =	vmul.f32 v11, v10;
	v10 =	vld [tilespmem:s0+$0x1AF40]  }
0x2b4: {  	v3 =	vadd.f32 $1.000000000e+00, v3;
	v11 =	vadd.f32 $1.000000000e+00, v5;
	(erf) = vrcp.f32 v4;
	[tilespmem:v7+s18+$0x0] =	vst.idx.add.f32.msk vm1, v6  }
0x2b5: {  	vm0 =	vlt.f32 v2, $5.000000000e-01;
	v6 =	vsub.f32 $2.400000000e+02, v8;
	v7 =	vsub.f32 v9, v22;
	v8 =	vld [tilespmem:s30+$0x1AF70]  }
0x2b6: {  	v3 =	vnsel vm0, $0x0, v3;
	v2 =	vshra.s32 v11, $0x1;
	v9 =	vmul.f32 $5.000000000e-01, v11  }
0x2b7: {  	vm0 =	vlt.s32 v24, v18;
	v2 =	vsub.s32 $0x5F3759DF, v2;
	v3 =	vmul.f32 v7, v3;
	v7 =	vld [tilespmem:s0+$0x19F40]  }
0x2b8: {  	v11 =	vmul.f32 v15, v14;
	v12 =	vshll.u32 v14, $0x3;
	v13 =	vmul.f32 v10, v10  }
0x2b9: {  	v14 =	vand.u32 $0x7F, v14;
	v12 =	vand.u32 $0x1C00, v12;
	v3 =	vadd.f32 v3, v22  }
0x2ba: {  	v15 =	vmul.f32 $1.920000000e+02, v10;
	v16 =	vadd.f32 $1.000000000e+00, v13;
	v17 =	vld [tilespmem:s30+$0x19F70];
	v18 =	vmul.f32 v8, v8  }
0x2bb: {  	v12 =	vor.u32 v12, v14;
	v11 =	vmul.f32 v3, v11;
	(erf) = vrcp.f32 v10  }
0x2bc: {  	v15 =	vsub.f32 $2.400000000e+02, v15;
	v14 =	vld [tilespmem:s0+$0x1A740];
	v19 =	vshra.s32 v16, $0x1;
	v20 =	vadd.f32 $1.000000000e+00, v18  }
0x2bd: {  	v21 =	vmul.f32 $1.920000000e+02, v8;
	v16 =	vmul.f32 $5.000000000e-01, v16;
	v3 =	vpop (erf);
	v19 =	vsub.s32 $0x5F3759DF, v19  }
0x2be: {  	v22 =	vld [tilespmem:s30+$0x1A770];
	v23 =	vshra.s32 v20, $0x1;
	v20 =	vmul.f32 $5.000000000e-01, v20;
	(erf) = vrcp.f32 v8;
	s30 =	smov.u32 s0;
	s0 =	smov.u32 s3;
	s3 =	smov.u32 s21  }
0x2bf: {  	v21 =	vsub.f32 $2.400000000e+02, v21;
	v16 =	vmul.f32 v19, v16;
	v24 =	vld.idx.msk [tilespmem:v7+s2+$0x0], $0xffff;
	v23 =	vsub.s32 $0x5F3759DF, v23  }
0x2c0: {  	v12 =	vor.u32 v1, v12;
	v15 =	vmul.f32 v15, v10;
	v25 =	vld [tilespmem:s3+$0x1A700];
	v20 =	vmul.f32 v23, v20  }
0x2c1: {  	v16 =	vmul.f32 v19, v16;
	v26 =	vld [tilespmem:s3+$0x19F00];
	vm1 =	vlt.s32 v7, v14;
	v7 =	vmul.f32 v21, v8  }
0x2c2: {  	v13 =	vmul.f32 v13, v10;
	v15 =	vadd.f32 $-8.000000000e+01, v15;
	v21 =	vld.idx.msk [tilespmem:v17+s2+$0x0], $0xffff;
	v20 =	vmul.f32 v23, v20  }
0x2c3: {  	v18 =	vmul.f32 v18, v8;
	v16 =	vsub.f32 $1.500000000e+00, v16;
	v7 =	vadd.f32 $-8.000000000e+01, v7  }
0x2c4: {  	vm2 =	vlt.f32 v10, $5.000000000e-01;
	v13 =	vmul.f32 v15, v13;
	v10 =	vpop (erf);
	v15 =	vsub.f32 $1.500000000e+00, v20  }
0x2c5: {  	v16 =	vmul.f32 v19, v16;
	v19 =	vand.u32 $0x7F, v24;
	v7 =	vmul.f32 v7, v18  }
0x2c6: {  	v13 =	vadd.f32 $1.000000000e+00, v13;
	v18 =	vshll.u32 v24, $0x3;
	v20 =	vld.idx.msk [tilespmem:v22+s2+$0x0], $0xffff;
	v15 =	vmul.f32 v23, v15  }
0x2c7: {  	v16 =	vsub.f32 v16, v10;
	v18 =	vand.u32 $0x1C00, v18;
	v7 =	vadd.f32 $1.000000000e+00, v7;
	v23 =	vpop (erf)  }
0x2c8: {  	vm3 =	vlt.f32 v8, $5.000000000e-01;
	v14 =	vld.idx.msk [tilespmem:v14+s2+$0x0], $0xffff;
	v8 =	vsub.f32 v15, v23;
	v15 =	vshll.u32 v21, $0x3  }
0x2c9: {  	v28 =	vand.u32 $0x7F, v21;
	v27 =	vld.idx.msk [tilespmem:v25+s2+$0x0], $0xffff;
	v7 =	vnsel vm3, $0x0, v7;
	v15 =	vand.u32 $0x1C00, v15  }
0x2ca: {  	vm3 =	vlt.s32 v17, v22;
	v29 =	vld.idx.msk [tilespmem:v26+s2+$0x0], $0xffff;
	v7 =	vmul.f32 v8, v7;
	v8 =	vor.u32 v15, v28  }
0x2cb: {  	[tilespmem:v12+s18+$0x0] =	vst.idx.add.f32.msk vm0, v11;
	v11 =	vnsel vm2, $0x0, v13;
	v12 =	vor.u32 v18, v19;
	v8 =	vor.u32 v1, v8  }
0x2cc: {  	v15 =	vmul.f32 v20, v21;
	v13 =	vld [tilespmem:s0+$0x1AF20];
	v11 =	vmul.f32 v16, v11;
	v7 =	vadd.f32 v7, v23  }
0x2cd: {  	v6 =	vmul.f32 v6, v4;
	v9 =	vmul.f32 v2, v9;
	v12 =	vor.u32 v1, v12  }
0x2ce: {  	v10 =	vadd.f32 v11, v10;
	v11 =	vmul.f32 v14, v24;
	v7 =	vmul.f32 v7, v15  }
0x2cf: {  	v5 =	vmul.f32 v5, v4;
	vm2 =	vlt.f32 v4, $5.000000000e-01;
	vm0 =	vlt.s32 v26, v25;
	v4 =	vld [tilespmem:s0+$0x1A720]  }
0x2d0: {  	v6 =	vadd.f32 $-8.000000000e+01, v6;
	v9 =	vmul.f32 v2, v9;
	v10 =	vmul.f32 v10, v11;
	[tilespmem:v8+s18+$0x0] =	vst.idx.add.f32.msk vm3, v7  }
0x2d1: {  	v7 =	vmul.f32 v27, v29;
	v8 =	vand.u32 $0x7F, v29;
	v11 =	vld [tilespmem:s0+$0x19F20];
	v14 =	vmul.f32 v13, v13  }
0x2d2: {  	v5 =	vmul.f32 v6, v5;
	v6 =	vsub.f32 $1.500000000e+00, v9;
	v9 =	vshll.u32 v29, $0x3;
	[tilespmem:v12+s18+$0x0] =	vst.idx.add.f32.msk vm1, v10  }
0x2d3: {  	v9 =	vand.u32 $0x1C00, v9;
	v10 =	vmul.f32 $1.920000000e+02, v13;
	v12 =	vadd.f32 $1.000000000e+00, v14;
	v15 =	vld [tilespmem:s30+$0x1AF50]  }
0x2d4: {  	v5 =	vadd.f32 $1.000000000e+00, v5;
	v2 =	vmul.f32 v2, v6;
	(erf) = vrcp.f32 v13  }
0x2d5: {  	v6 =	vsub.f32 $2.400000000e+02, v10;
	v10 =	vshra.s32 v12, $0x1;
	v12 =	vmul.f32 $5.000000000e-01, v12  }
0x2d6: {  	v2 =	vsub.f32 v2, v3;
	v8 =	vor.u32 v9, v8;
	v9 =	vsub.s32 $0x5F3759DF, v10  }
0x2d7: {  	v5 =	vnsel vm2, $0x0, v5;
	v6 =	vmul.f32 v6, v13;
	v10 =	vld.idx.msk [tilespmem:v4+s2+$0x0], $0xffff;
	v12 =	vmul.f32 v9, v12  }
0x2d8: {  	v2 =	vmul.f32 v2, v5;
	v5 =	vor.u32 v1, v8;
	v8 =	vld [tilespmem:s30+$0x19F50];
	v16 =	vmul.f32 v15, v15  }
0x2d9: {  	v14 =	vmul.f32 v14, v13;
	v6 =	vadd.f32 $-8.000000000e+01, v6;
	v17 =	vld.idx.msk [tilespmem:v11+s2+$0x0], $0xffff;
	v12 =	vmul.f32 v9, v12  }
0x2da: {  	v2 =	vadd.f32 v2, v3;
	vm1 =	vlt.s32 v11, v4;
	v3 =	vadd.f32 $1.000000000e+00, v16  }
0x2db: {  	v11 =	vmul.f32 $1.920000000e+02, v15;
	v4 =	vmul.f32 v6, v14;
	v6 =	vsub.f32 $1.500000000e+00, v12  }
0x2dc: {  	v12 =	vld [tilespmem:s30+$0x1A750];
	v14 =	vshra.s32 v3, $0x1;
	v3 =	vmul.f32 $5.000000000e-01, v3;
	(erf) = vrcp.f32 v15  }
0x2dd: {  	v11 =	vsub.f32 $2.400000000e+02, v11;
	v6 =	vmul.f32 v9, v6;
	v9 =	vpop (erf);
	v14 =	vsub.s32 $0x5F3759DF, v14  }
0x2de: {  	vm2 =	vlt.f32 v13, $5.000000000e-01;
	v4 =	vadd.f32 $1.000000000e+00, v4;
	v3 =	vmul.f32 v14, v3  }
0x2df: {  	v11 =	vmul.f32 v11, v15;
	v10 =	vmul.f32 v10, v17;
	v6 =	vsub.f32 v6, v9  }
0x2e0: {  	v4 =	vnsel vm2, $0x0, v4;
	v13 =	vshll.u32 v17, $0x3;
	v18 =	vld.idx.msk [tilespmem:v8+s2+$0x0], $0xffff;
	v3 =	vmul.f32 v14, v3  }
0x2e1: {  	v4 =	vmul.f32 v6, v4;
	v6 =	vadd.f32 $-8.000000000e+01, v11;
	v11 =	vmul.f32 v16, v15  }
0x2e2: {  	v13 =	vand.u32 $0x1C00, v13;
	v16 =	vand.u32 $0x7F, v17;
	v3 =	vsub.f32 $1.500000000e+00, v3  }
0x2e3: {  	v4 =	vadd.f32 v4, v9;
	v9 =	vor.u32 v13, v16;
	v6 =	vmul.f32 v6, v11  }
0x2e4: {  	v9 =	vor.u32 v1, v9;
	v11 =	vld.idx.msk [tilespmem:v12+s2+$0x0], $0xffff;
	v3 =	vmul.f32 v14, v3  }
0x2e5: {  	v2 =	vmul.f32 v2, v7;
	v4 =	vmul.f32 v4, v10;
	v6 =	vadd.f32 $1.000000000e+00, v6;
	v7 =	vpop (erf)  }
0x2e6: {  	vm2 =	vlt.f32 v15, $5.000000000e-01;
	v10 =	vshll.u32 v18, $0x3;
	v3 =	vsub.f32 v3, v7  }
0x2e7: {  	v10 =	vand.u32 $0x1C00, v10;
	[tilespmem:v5+s18+$0x0] =	vst.idx.add.f32.msk vm0, v2;
	v5 =	vnsel vm2, $0x0, v6;
	v6 =	vand.u32 $0x7F, v18  }
0x2e8: {  	vm0 =	vlt.s32 v8, v12;
	v2 =	vld [tilespmem:s3+$0x1AF10];
	v3 =	vmul.f32 v3, v5;
	v5 =	vor.u32 v10, v6  }
0x2e9: {  	[tilespmem:v9+s18+$0x0] =	vst.idx.add.f32.msk vm1, v4;
	v5 =	vor.u32 v1, v5  }
0x2ea: {  	v6 =	vmul.f32 v11, v18;
	v4 =	vld [tilespmem:s0+$0x1AF30];
	v3 =	vadd.f32 v3, v7;
	_ =	sdelay $0x1  }
0x2eb: {  	v3 =	vmul.f32 v3, v6  }
0x2ec: {  	v7 =	vld [tilespmem:s0+$0x19F30]  }
.Ltmp8:
0x2ed: {  	v8 =	vmul.f32 v2, v2;
	v10 =	vmul.f32 $1.920000000e+02, v2;
	[tilespmem:v5+s18+$0x0] =	vst.idx.add.f32.msk vm0, v3;
	(pc) =	sbr.rel @p0 .LBB2_12-.Ltmp8, $4  }
0x2ee: {  	v9 =	vmul.f32 v4, v4;
	v6 =	vld [tilespmem:s30+$0x1AF60]  }
0x2ef: {  	v5 =	vsub.f32 $2.400000000e+02, v10;
	v10 =	vadd.f32 $1.000000000e+00, v8;
	(erf) = vrcp.f32 v2  }
0x2f0: {  	v3 =	vmul.f32 v8, v2;
	v13 =	vmul.f32 $1.920000000e+02, v4;
	v12 =	vadd.f32 $1.000000000e+00, v9  }
0x2f1: {  	s20 =	sadd.s32 $0x200, s20;
	v5 =	vmul.f32 v5, v2;
	v11 =	vshra.s32 v10, $0x1;
	v8 =	vld [tilespmem:s0+$0x1A730];
	(erf) = vrcp.f32 v4  }
0x2f2: {  	v13 =	vsub.f32 $2.400000000e+02, v13  }
0x2f3: {  	v14 =	vshra.s32 v12, $0x1;
	v47 =	vmul.f32 $5.000000000e-01, v12;
	v10 =	vmul.f32 $5.000000000e-01, v10  }
0x2f4: {  	v11 =	vsub.s32 $0x5F3759DF, v11;
	v9 =	vmul.f32 v9, v4;
	vm1 =	vlt.f32 v4, $5.000000000e-01  }
0x2f5: {  	v14 =	vsub.s32 $0x5F3759DF, v14;
	v15 =	vmul.f32 v6, v6;
	v19 =	vmul.f32 $1.920000000e+02, v6  }
0x2f6: {  	vm5 =	vlt.f32 v2, $5.000000000e-01;
	(erf) = vrcp.f32 v6;
	v12 =	vmul.f32 v14, v47  }
0x2f7: {  	v16 =	vld [tilespmem:s30+$0x19F60];
	vm15 =	vlt.f32 v6, $5.000000000e-01;
	v5 =	vadd.f32 $-8.000000000e+01, v5;
	v13 =	vmul.f32 v13, v4  }
0x2f8: {  	v18 =	vld.idx.msk [tilespmem:v7+s2+$0x0], $0xffff;
	v10 =	vmul.f32 v11, v10;
	v17 =	vadd.f32 $1.000000000e+00, v15;
	v12 =	vmul.f32 v14, v12  }
0x2f9: {  	v52 =	vld [tilespmem:s3+$0x19F10];
	v19 =	vsub.f32 $2.400000000e+02, v19;
	v15 =	vmul.f32 v15, v6;
	v13 =	vadd.f32 $-8.000000000e+01, v13  }
0x2fa: {  	v3 =	vmul.f32 v5, v3;
	v60 =	vmul.f32 v11, v10;
	v12 =	vsub.f32 $1.500000000e+00, v12  }
0x2fb: {  	v53 =	vld [tilespmem:s30+$0x1A760];
	v20 =	vshra.s32 v17, $0x1;
	v17 =	vmul.f32 $5.000000000e-01, v17;
	v9 =	vmul.f32 v13, v9  }
0x2fc: {  	v23 =	vld [tilespmem:s3+$0x1A710];
	vm0 =	vlt.s32 v7, v8;
	v51 =	vmul.f32 v19, v6;
	v49 =	vpop (erf);
	v50 =	vmul.f32 v14, v12  }
0x2fd: {  	v21 =	vld.idx.msk [tilespmem:v8+s2+$0x0], $0xffff;
	v55 =	vand.u32 $0x7F, v18;
	v24 =	vshll.u32 v18, $0x3;
	v54 =	vpop (erf);
	v9 =	vadd.f32 $1.000000000e+00, v9  }
0x2fe: {  	v3 =	vadd.f32 $1.000000000e+00, v3;
	v20 =	vsub.s32 $0x5F3759DF, v20;
	v7 =	vsub.f32 v50, v54  }
0x2ff: {  	v56 =	vand.u32 $0x1C00, v24;
	v6 =	vsub.f32 $1.500000000e+00, v60;
	v9 =	vnsel vm1, $0x0, v9  }
0x300: {  	v48 =	vmul.f32 v20, v17;
	v22 =	vld.idx.msk [tilespmem:v16+s2+$0x0], $0xffff;
	v7 =	vmul.f32 v7, v9;
	v9 =	vor.u32 v56, v55  }
0x301: {  	v8 =	vadd.f32 $-8.000000000e+01, v51;
	v63 =	vld.idx.msk [tilespmem:v52+s2+$0x0], $0xffff;
	v6 =	vmul.f32 v11, v6;
	v58 =	vor.u32 v1, v9  }
0x302: {  	v13 =	vmul.f32 v20, v48;
	v57 =	vmul.f32 v21, v18;
	v4 =	vadd.f32 v7, v54  }
0x303: {  	vm4 =	vlt.s32 v16, v53;
	v8 =	vmul.f32 v8, v15;
	v2 =	vsub.f32 v6, v49  }
0x304: {  	v3 =	vnsel vm5, $0x0, v3;
	v28 =	vld.idx.msk [tilespmem:v23+s2+$0x0], $0xffff;
	v13 =	vsub.f32 $1.500000000e+00, v13;
	v4 =	vmul.f32 v4, v57  }
0x305: {  	vm6 =	vlt.s32 v52, v23;
	v25 =	vld.idx.msk [tilespmem:v53+s2+$0x0], $0xffff;
	v8 =	vadd.f32 $1.000000000e+00, v8;
	v2 =	vmul.f32 v2, v3  }
0x306: {  	v13 =	vmul.f32 v20, v13;
	v62 =	vshll.u32 v22, $0x3;
	v29 =	vshll.u32 v63, $0x3;
	[tilespmem:v58+s18+$0x0] =	vst.idx.add.f32.msk vm0, v4  }
0x307: {  	v59 =	vpop (erf);
	v8 =	vnsel vm15, $0x0, v8;
	v30 =	vand.u32 $0x7F, v63;
	v6 =	vand.u32 $0x1C00, v29;
	v4 =	vld [tilespmem:s0+$0x1AF40]  }
0x308: {  	v24 =	vand.u32 $0x7F, v22;
	v61 =	vsub.f32 v13, v59;
	v3 =	vor.u32 v6, v30  }
0x309: {  	v32 =	vmul.f32 v28, v63;
	v13 =	vand.u32 $0x1C00, v62;
	v3 =	vor.u32 v1, v3  }
0x30a: {  	v2 =	vadd.f32 v2, v49;
	v27 =	vor.u32 v13, v24;
	v26 =	vmul.f32 v61, v8  }
0x30b: {  	v31 =	vmul.f32 v25, v22;
	v8 =	vor.u32 v1, v27  }
0x30c: {  	v2 =	vmul.f32 v2, v32;
	v5 =	vadd.f32 v26, v59;
	v33 =	vmul.f32 v4, v4  }
0x30d: {  	v34 =	vld [tilespmem:s0+$0x19F40]  }
0x30e: {  	v5 =	vmul.f32 v5, v31;
	[tilespmem:v3+s18+$0x0] =	vst.idx.add.f32.msk vm6, v2;
	v35 =	vadd.f32 $1.000000000e+00, v33  }
0x30f: {  	v37 =	vld [tilespmem:s3+$0x1AF20];
	v36 =	vmul.f32 $1.920000000e+02, v4  }
0x310: {  	[tilespmem:v8+s18+$0x0] =	vst.idx.add.f32.msk vm4, v5;
	(erf) = vrcp.f32 v4;
	v3 =	vshra.s32 v35, $0x1;
	v5 =	vmul.f32 $5.000000000e-01, v35  }
0x311: {  	v2 =	vld [tilespmem:s30+$0x1AF70];
	v7 =	vsub.f32 $2.400000000e+02, v36;
	v3 =	vsub.s32 $0x5F3759DF, v3  }
0x312: {  	v5 =	vmul.f32 v3, v5  }
0x313: {  	v7 =	vmul.f32 v7, v4  }
0x314: {  	v38 =	vld [tilespmem:s0+$0x1A740];
	v40 =	vmul.f32 v37, v37;
	v5 =	vmul.f32 v3, v5  }
0x315: {  	v41 =	vld [tilespmem:s3+$0x19F20];
	v6 =	vmul.f32 v33, v4;
	v43 =	vmul.f32 $1.920000000e+02, v37;
	v7 =	vadd.f32 $-8.000000000e+01, v7  }
0x316: {  	(erf) = vrcp.f32 v2;
	v42 =	vadd.f32 $1.000000000e+00, v40;
	v5 =	vsub.f32 $1.500000000e+00, v5  }
0x317: {  	vm8 =	vlt.f32 v4, $5.000000000e-01;
	(erf) = vrcp.f32 v37;
	v6 =	vmul.f32 v7, v6  }
0x318: {  	v39 =	vld.idx.msk [tilespmem:v34+s2+$0x0], $0xffff;
	v44 =	vshra.s32 v42, $0x1;
	v7 =	vmul.f32 $5.000000000e-01, v42;
	v3 =	vmul.f32 v3, v5  }
0x319: {  	v46 =	vld [tilespmem:s3+$0x1A720];
	v4 =	vsub.f32 $2.400000000e+02, v43;
	v47 =	vpop (erf);
	v6 =	vadd.f32 $1.000000000e+00, v6;
	v5 =	vsub.s32 $0x5F3759DF, v44  }
0x31a: {  	v7 =	vmul.f32 v5, v7;
	v3 =	vsub.f32 v3, v47  }
0x31b: {  	v4 =	vmul.f32 v4, v37;
	v6 =	vnsel vm8, $0x0, v6  }
0x31c: {  	v10 =	vld.idx.msk [tilespmem:v38+s2+$0x0], $0xffff;
	v7 =	vmul.f32 v5, v7;
	v3 =	vmul.f32 v3, v6  }
0x31d: {  	v12 =	vmul.f32 v40, v37;
	v49 =	vld.idx.msk [tilespmem:v41+s2+$0x0], $0xffff;
	v48 =	vshll.u32 v39, $0x3;
	v4 =	vadd.f32 $-8.000000000e+01, v4  }
0x31e: {  	v45 =	vand.u32 $0x7F, v39;
	v16 =	vand.u32 $0x1C00, v48;
	v7 =	vsub.f32 $1.500000000e+00, v7  }
0x31f: {  	vm7 =	vlt.s32 v34, v38;
	v9 =	vor.u32 v16, v45;
	v4 =	vmul.f32 v4, v12  }
0x320: {  	v9 =	vor.u32 v1, v9;
	v15 =	vadd.f32 v3, v47;
	v5 =	vmul.f32 v5, v7;
	v3 =	vpop (erf)  }
0x321: {  	vm9 =	vlt.f32 v37, $5.000000000e-01;
	v51 =	vld.idx.msk [tilespmem:v46+s2+$0x0], $0xffff;
	v10 =	vmul.f32 v10, v39;
	v4 =	vadd.f32 $1.000000000e+00, v4;
	v52 =	vpop (erf)  }
0x322: {  	v53 =	vshll.u32 v49, $0x3;
	v54 =	vand.u32 $0x7F, v49;
	v5 =	vsub.f32 v5, v52  }
0x323: {  	v8 =	vand.u32 $0x1C00, v53;
	v4 =	vnsel vm9, $0x0, v4;
	v50 =	vmul.f32 v15, v10  }
0x324: {  	vm10 =	vlt.s32 v41, v46;
	v55 =	vor.u32 v8, v54;
	v4 =	vmul.f32 v5, v4  }
0x325: {  	[tilespmem:v9+s18+$0x0] =	vst.idx.add.f32.msk vm7, v50;
	v5 =	vor.u32 v1, v55  }
0x326: {  	v6 =	vmul.f32 v51, v49;
	v9 =	vld [tilespmem:s0+$0x1AF50];
	v4 =	vadd.f32 v4, v52;
	_ =	sdelay $0x1  }
0x327: {  	v4 =	vmul.f32 v4, v6;
	_ =	sdelay $0x1  }
0x328: {  	[tilespmem:v5+s18+$0x0] =	vst.idx.add.f32.msk vm10, v4  }
0x329: {  	v57 =	vmul.f32 v9, v9;
	v5 =	vld [tilespmem:s3+$0x1AF30]  }
0x32a: {  	v56 =	vld [tilespmem:s0+$0x19F50]  }
0x32b: {  	v58 =	vadd.f32 $1.000000000e+00, v57  }
0x32c: {  	v59 =	vmul.f32 $1.920000000e+02, v9  }
0x32d: {  	v60 =	vshra.s32 v58, $0x1;
	v4 =	vmul.f32 $5.000000000e-01, v58  }
0x32e: {  	v8 =	vsub.f32 $2.400000000e+02, v59;
	v10 =	vsub.s32 $0x5F3759DF, v60;
	v62 =	vmul.f32 v5, v5  }
0x32f: {  	(erf) = vrcp.f32 v9;
	v63 =	vld [tilespmem:s3+$0x19F30];
	v4 =	vmul.f32 v10, v4  }
0x330: {  	v7 =	vmul.f32 v57, v9;
	v8 =	vmul.f32 v8, v9;
	v24 =	vadd.f32 $1.000000000e+00, v62  }
0x331: {  	v61 =	vld [tilespmem:s0+$0x1A750];
	v4 =	vmul.f32 v10, v4;
	v26 =	vmul.f32 $1.920000000e+02, v5  }
0x332: {  	v25 =	vld.idx.msk [tilespmem:v56+s2+$0x0], $0xffff;
	(erf) = vrcp.f32 v5;
	v27 =	vshra.s32 v24, $0x1;
	v14 =	vmul.f32 $5.000000000e-01, v24  }
0x333: {  	v28 =	vld [tilespmem:s3+$0x1A730];
	v8 =	vadd.f32 $-8.000000000e+01, v8;
	v16 =	vsub.f32 $2.400000000e+02, v26;
	v17 =	vsub.s32 $0x5F3759DF, v27  }
0x334: {  	v4 =	vsub.f32 $1.500000000e+00, v4;
	v29 =	vmul.f32 v17, v14  }
0x335: {  	vm11 =	vlt.f32 v9, $5.000000000e-01;
	v7 =	vmul.f32 v8, v7;
	v31 =	vmul.f32 v16, v5  }
0x336: {  	vm12 =	vlt.s32 v56, v61;
	v4 =	vmul.f32 v10, v4;
	v10 =	vmul.f32 v17, v29  }
0x337: {  	v33 =	vshll.u32 v25, $0x3;
	v12 =	vmul.f32 v62, v5;
	v34 =	vld.idx.msk [tilespmem:v63+s2+$0x0], $0xffff;
	v9 =	vadd.f32 $-8.000000000e+01, v31  }
0x338: {  	v35 =	vand.u32 $0x7F, v25;
	vm13 =	vlt.f32 v5, $5.000000000e-01;
	v10 =	vsub.f32 $1.500000000e+00, v10  }
0x339: {  	vm14 =	vlt.s32 v63, v28;
	v30 =	vpop (erf);
	v7 =	vadd.f32 $1.000000000e+00, v7;
	v9 =	vmul.f32 v9, v12  }
0x33a: {  	v32 =	vld.idx.msk [tilespmem:v61+s2+$0x0], $0xffff;
	v18 =	vand.u32 $0x1C00, v33;
	v4 =	vsub.f32 v4, v30;
	v38 =	vmul.f32 v17, v10  }
0x33b: {  	v36 =	vor.u32 v18, v35;
	v40 =	vld.idx.msk [tilespmem:v28+s2+$0x0], $0xffff;
	v7 =	vnsel vm11, $0x0, v7;
	v41 =	vpop (erf);
	v9 =	vadd.f32 $1.000000000e+00, v9  }
0x33c: {  	v4 =	vmul.f32 v4, v7;
	v43 =	vshll.u32 v34, $0x3;
	v42 =	vsub.f32 v38, v41  }
0x33d: {  	v44 =	vand.u32 $0x7F, v34;
	v7 =	vand.u32 $0x1C00, v43;
	v9 =	vnsel vm13, $0x0, v9  }
0x33e: {  	v37 =	vor.u32 v1, v36;
	v7 =	vor.u32 v7, v44;
	v5 =	vmul.f32 v42, v9  }
0x33f: {  	v39 =	vmul.f32 v32, v25;
	v4 =	vadd.f32 v4, v30;
	v7 =	vor.u32 v1, v7  }
0x340: {  	v45 =	vmul.f32 v40, v34;
	v5 =	vadd.f32 v5, v41  }
0x341: {  	v4 =	vmul.f32 v4, v39  }
0x342: {  	v5 =	vmul.f32 v5, v45  }
0x343: {  	[tilespmem:v37+s18+$0x0] =	vst.idx.add.f32.msk vm12, v4  }
0x344: {  	[tilespmem:v7+s18+$0x0] =	vst.idx.add.f32.msk vm14, v5  }
0x345: {  	v5 =	vld [tilespmem:s3+$0x1AF40]  }
0x346: {  	v4 =	vld [tilespmem:s0+$0x1AF60];
	_ =	sdelay $0x1  }
0x347: {  	v48 =	vld [tilespmem:s0+$0x19F60];
	_ =	sdelay $0x1  }
0x348: {  	v49 =	vmul.f32 v5, v5  }
0x349: {  	v46 =	vmul.f32 v4, v4;
	v50 =	vmul.f32 $1.920000000e+02, v4;
	v52 =	vld [tilespmem:s3+$0x19F40]  }
0x34a: {  	(erf) = vrcp.f32 v4;
	v53 =	vadd.f32 $1.000000000e+00, v49  }
0x34b: {  	v47 =	vadd.f32 $1.000000000e+00, v46;
	v10 =	vsub.f32 $2.400000000e+02, v50;
	v54 =	vmul.f32 $1.920000000e+02, v5  }
0x34c: {  	(erf) = vrcp.f32 v5;
	v55 =	vshra.s32 v53, $0x1;
	v13 =	vmul.f32 $5.000000000e-01, v53  }
0x34d: {  	v6 =	vmul.f32 v46, v4;
	v56 =	vld [tilespmem:s3+$0x1A740];
	v14 =	vsub.f32 $2.400000000e+02, v54;
	v15 =	vsub.s32 $0x5F3759DF, v55  }
0x34e: {  	v58 =	vld.idx.msk [tilespmem:v48+s2+$0x0], $0xffff;
	v51 =	vshra.s32 v47, $0x1;
	v7 =	vmul.f32 $5.000000000e-01, v47;
	v13 =	vmul.f32 v15, v13  }
0x34f: {  	v10 =	vmul.f32 v10, v4;
	v11 =	vsub.s32 $0x5F3759DF, v51;
	v14 =	vmul.f32 v14, v5  }
0x350: {  	v57 =	vld [tilespmem:s0+$0x1A760];
	v7 =	vmul.f32 v11, v7;
	v13 =	vmul.f32 v15, v13  }
0x351: {  	v10 =	vadd.f32 $-8.000000000e+01, v10;
	v9 =	vmul.f32 v49, v5;
	v59 =	vld.idx.msk [tilespmem:v52+s2+$0x0], $0xffff;
	v14 =	vadd.f32 $-8.000000000e+01, v14  }
0x352: {  	vm15 =	vlt.f32 v4, $5.000000000e-01;
	v7 =	vmul.f32 v11, v7;
	v60 =	vsub.f32 $1.500000000e+00, v13  }
0x353: {  	v6 =	vmul.f32 v10, v6;
	v63 =	vshll.u32 v58, $0x3;
	v9 =	vmul.f32 v14, v9  }
0x354: {  	vm4 =	vlt.f32 v5, $5.000000000e-01;
	v61 =	vpop (erf);
	v7 =	vsub.f32 $1.500000000e+00, v7;
	v62 =	vmul.f32 v15, v60  }
0x355: {  	vm5 =	vlt.s32 v52, v56;
	v29 =	vand.u32 $0x7F, v58;
	v25 =	vld.idx.msk [tilespmem:v56+s2+$0x0], $0xffff;
	v24 =	vpop (erf);
	v9 =	vadd.f32 $1.000000000e+00, v9  }
0x356: {  	v7 =	vmul.f32 v11, v7;
	v26 =	vshll.u32 v59, $0x3;
	v4 =	vsub.f32 v62, v24  }
0x357: {  	v27 =	vand.u32 $0x7F, v59;
	v5 =	vand.u32 $0x1C00, v26;
	v9 =	vnsel vm4, $0x0, v9  }
0x358: {  	v28 =	vld.idx.msk [tilespmem:v57+s2+$0x0], $0xffff;
	v6 =	vadd.f32 $1.000000000e+00, v6;
	v5 =	vor.u32 v5, v27;
	v4 =	vmul.f32 v4, v9  }
0x359: {  	v10 =	vand.u32 $0x1C00, v63;
	v7 =	vsub.f32 v7, v61;
	v5 =	vor.u32 v1, v5  }
0x35a: {  	v6 =	vnsel vm15, $0x0, v6;
	v30 =	vmul.f32 v25, v59;
	v4 =	vadd.f32 v4, v24  }
0x35b: {  	vm6 =	vlt.s32 v48, v57;
	v31 =	vor.u32 v10, v29;
	v6 =	vmul.f32 v7, v6  }
0x35c: {  	v7 =	vor.u32 v1, v31;
	v4 =	vmul.f32 v4, v30  }
0x35d: {  	v32 =	vmul.f32 v28, v58;
	v6 =	vadd.f32 v6, v61  }
0x35e: {  	[tilespmem:v5+s18+$0x0] =	vst.idx.add.f32.msk vm5, v4  }
0x35f: {  	v33 =	vmul.f32 v6, v32;
	v34 =	vld [tilespmem:s3+$0x1AF50];
	_ =	sdelay $0x1  }
0x360: {  	[tilespmem:v7+s18+$0x0] =	vst.idx.add.f32.msk vm6, v33  }
0x361: {  	v5 =	vld [tilespmem:s0+$0x1AF70];
	_ =	sdelay $0x1  }
0x362: {  	v35 =	vmul.f32 v34, v34  }
0x363: {  	v36 =	vld [tilespmem:s3+$0x19F50]  }
0x364: {  	v37 =	vadd.f32 $1.000000000e+00, v35  }
0x365: {  	(erf) = vrcp.f32 v5;
	v38 =	vmul.f32 $1.920000000e+02, v34  }
0x366: {  	(erf) = vrcp.f32 v34;
	v39 =	vshra.s32 v37, $0x1;
	v8 =	vmul.f32 $5.000000000e-01, v37  }
0x367: {  	v40 =	vld [tilespmem:s3+$0x1A750];
	v9 =	vsub.f32 $2.400000000e+02, v38;
	v10 =	vsub.s32 $0x5F3759DF, v39  }
0x368: {  	v8 =	vmul.f32 v10, v8  }
0x369: {  	v9 =	vmul.f32 v9, v34  }
0x36a: {  	v4 =	vmul.f32 v35, v34;
	v8 =	vmul.f32 v10, v8  }
0x36b: {  	v41 =	vld.idx.msk [tilespmem:v36+s2+$0x0], $0xffff;
	v9 =	vadd.f32 $-8.000000000e+01, v9  }
0x36c: {  	v8 =	vsub.f32 $1.500000000e+00, v8  }
0x36d: {  	v9 =	vmul.f32 v9, v4  }
0x36e: {  	v4 =	vpop (erf);
	v8 =	vmul.f32 v10, v8  }
0x36f: {  	v42 =	vld.idx.msk [tilespmem:v40+s2+$0x0], $0xffff;
	v43 =	vpop (erf);
	v9 =	vadd.f32 $1.000000000e+00, v9  }
0x370: {  	vm7 =	vlt.f32 v34, $5.000000000e-01;
	v45 =	vshll.u32 v41, $0x3;
	v44 =	vsub.f32 v8, v43  }
0x371: {  	v46 =	vand.u32 $0x7F, v41;
	v9 =	vnsel vm7, $0x0, v9;
	v8 =	vand.u32 $0x1C00, v45  }
0x372: {  	vm8 =	vlt.s32 v36, v40;
	v47 =	vor.u32 v8, v46;
	v6 =	vmul.f32 v44, v9  }
0x373: {  	v7 =	vor.u32 v1, v47  }
0x374: {  	v48 =	vmul.f32 v42, v41;
	v6 =	vadd.f32 v6, v43;
	_ =	sdelay $0x1  }
0x375: {  	v6 =	vmul.f32 v6, v48;
	_ =	sdelay $0x1  }
0x376: {  	[tilespmem:v7+s18+$0x0] =	vst.idx.add.f32.msk vm8, v6  }
0x377: {  	v6 =	vld [tilespmem:s3+$0x1AF60];
	_ =	sdelay $0x4  }
0x378: {  	v49 =	vmul.f32 v6, v6  }
0x379: {  	v50 =	vld [tilespmem:s3+$0x19F60]  }
0x37a: {  	v51 =	vadd.f32 $1.000000000e+00, v49  }
0x37b: {  	v52 =	vmul.f32 $1.920000000e+02, v6  }
0x37c: {  	(erf) = vrcp.f32 v6;
	v53 =	vshra.s32 v51, $0x1;
	v9 =	vmul.f32 $5.000000000e-01, v51  }
0x37d: {  	v54 =	vld [tilespmem:s3+$0x1A760];
	v10 =	vsub.f32 $2.400000000e+02, v52;
	v11 =	vsub.s32 $0x5F3759DF, v53  }
0x37e: {  	v9 =	vmul.f32 v11, v9  }
0x37f: {  	v10 =	vmul.f32 v10, v6  }
0x380: {  	v9 =	vmul.f32 v11, v9  }
0x381: {  	v55 =	vmul.f32 v2, v2;
	v7 =	vmul.f32 v49, v6;
	v57 =	vld.idx.msk [tilespmem:v50+s2+$0x0], $0xffff;
	v10 =	vadd.f32 $-8.000000000e+01, v10  }
0x382: {  	v9 =	vsub.f32 $1.500000000e+00, v9  }
0x383: {  	v56 =	vadd.f32 $1.000000000e+00, v55;
	v60 =	vld [tilespmem:s30+$0x19F70];
	v7 =	vmul.f32 v10, v7  }
0x384: {  	v9 =	vmul.f32 v11, v9  }
0x385: {  	v59 =	vshra.s32 v56, $0x1;
	v14 =	vmul.f32 $5.000000000e-01, v56;
	v62 =	vld.idx.msk [tilespmem:v54+s2+$0x0], $0xffff;
	v63 =	vpop (erf);
	v7 =	vadd.f32 $1.000000000e+00, v7  }
0x386: {  	vm9 =	vlt.f32 v6, $5.000000000e-01;
	v22 =	vshll.u32 v57, $0x3;
	v21 =	vsub.f32 v9, v63  }
0x387: {  	v23 =	vand.u32 $0x7F, v57;
	v7 =	vnsel vm9, $0x0, v7;
	v9 =	vand.u32 $0x1C00, v22  }
0x388: {  	vm10 =	vlt.s32 v50, v54;
	v24 =	vor.u32 v9, v23;
	v6 =	vmul.f32 v21, v7  }
0x389: {  	v58 =	vmul.f32 $1.920000000e+02, v2;
	v25 =	vld [tilespmem:s30+$0x1A770];
	v17 =	vsub.s32 $0x5F3759DF, v59;
	v7 =	vor.u32 v1, v24  }
0x38a: {  	v14 =	vmul.f32 v17, v14;
	v32 =	vld [tilespmem:s0+$0x19F70];
	v28 =	vmul.f32 v62, v57;
	v6 =	vadd.f32 v6, v63  }
0x38b: {  	v29 =	vld.idx.msk [tilespmem:v60+s2+$0x0], $0xffff  }
0x38c: {  	v61 =	vsub.f32 $2.400000000e+02, v58;
	v27 =	vmul.f32 v17, v14;
	v6 =	vmul.f32 v6, v28  }
0x38d: {  	vm11 =	vlt.f32 v2, $5.000000000e-01;
	v30 =	vmul.f32 v5, v5  }
0x38e: {  	v13 =	vmul.f32 v55, v2;
	v26 =	vmul.f32 v61, v2;
	v11 =	vsub.f32 $1.500000000e+00, v27;
	[tilespmem:v7+s18+$0x0] =	vst.idx.add.f32.msk vm10, v6  }
0x38f: {  	vm12 =	vlt.s32 v60, v25;
	vm13 =	vlt.f32 v5, $5.000000000e-01;
	v33 =	vadd.f32 $1.000000000e+00, v30;
	v7 =	vld [tilespmem:s3+$0x1AF70]  }
0x390: {  	v35 =	vshll.u32 v29, $0x3;
	v11 =	vmul.f32 v17, v11;
	v9 =	vadd.f32 $-8.000000000e+01, v26  }
0x391: {  	v38 =	vshra.s32 v33, $0x1;
	v15 =	vand.u32 $0x1C00, v35;
	v37 =	vand.u32 $0x7F, v29  }
0x392: {  	v47 =	vld.idx.msk [tilespmem:v32+s2+$0x0], $0xffff;
	v2 =	vsub.f32 v11, v3;
	v11 =	vmul.f32 $5.000000000e-01, v33;
	v9 =	vmul.f32 v9, v13  }
0x393: {  	v36 =	vmul.f32 $1.920000000e+02, v5;
	v40 =	vsub.s32 $0x5F3759DF, v38;
	v42 =	vor.u32 v15, v37  }
0x394: {  	v11 =	vmul.f32 v40, v11;
	v31 =	vadd.f32 $1.000000000e+00, v9;
	v41 =	vmul.f32 v7, v7  }
0x395: {  	v12 =	vmul.f32 v30, v5;
	v39 =	vsub.f32 $2.400000000e+02, v36;
	v8 =	vor.u32 v1, v42;
	v43 =	vld [tilespmem:s3+$0x19F70]  }
0x396: {  	v11 =	vmul.f32 v40, v11;
	v6 =	vnsel vm11, $0x0, v31;
	v44 =	vadd.f32 $1.000000000e+00, v41  }
0x397: {  	v55 =	vshll.u32 v47, $0x3;
	v2 =	vmul.f32 v2, v6;
	v46 =	vmul.f32 $1.920000000e+02, v7  }
0x398: {  	v45 =	vld [tilespmem:s0+$0x1A770];
	(erf) = vrcp.f32 v7;
	v48 =	vshra.s32 v44, $0x1;
	v14 =	vmul.f32 $5.000000000e-01, v44  }
0x399: {  	v6 =	vmul.f32 v39, v5;
	v49 =	vld [tilespmem:s3+$0x1A770];
	v17 =	vsub.f32 $2.400000000e+02, v46;
	v20 =	vsub.s32 $0x5F3759DF, v48  }
0x39a: {  	v34 =	vld.idx.msk [tilespmem:v25+s2+$0x0], $0xffff;
	v56 =	vand.u32 $0x7F, v47;
	v11 =	vsub.f32 $1.500000000e+00, v11;
	v50 =	vmul.f32 v20, v14  }
0x39b: {  	v16 =	vand.u32 $0x1C00, v55;
	v6 =	vadd.f32 $-8.000000000e+01, v6;
	v51 =	vmul.f32 v17, v7  }
0x39c: {  	v2 =	vadd.f32 v2, v3;
	v3 =	vmul.f32 v40, v11;
	v52 =	vmul.f32 v20, v50  }
0x39d: {  	v6 =	vmul.f32 v6, v12;
	v54 =	vmul.f32 v41, v7;
	v53 =	vld.idx.msk [tilespmem:v43+s2+$0x0], $0xffff;
	v11 =	vadd.f32 $-8.000000000e+01, v51  }
0x39e: {  	vm14 =	vlt.s32 v32, v45;
	v58 =	vor.u32 v16, v56;
	v5 =	vsub.f32 $1.500000000e+00, v52  }
0x39f: {  	v13 =	vmul.f32 v34, v29;
	v6 =	vadd.f32 $1.000000000e+00, v6;
	v11 =	vmul.f32 v11, v54  }
0x3a0: {  	v57 =	vld.idx.msk [tilespmem:v45+s2+$0x0], $0xffff;
	v3 =	vsub.f32 v3, v4;
	vm2 =	vlt.f32 v7, $5.000000000e-01;
	v5 =	vmul.f32 v20, v5  }
0x3a1: {  	vm15 =	vlt.s32 v43, v49;
	v6 =	vnsel vm13, $0x0, v6;
	v59 =	vld.idx.msk [tilespmem:v49+s2+$0x0], $0xffff;
	v60 =	vpop (erf);
	v11 =	vadd.f32 $1.000000000e+00, v11  }
0x3a2: {  	v3 =	vmul.f32 v3, v6;
	v61 =	vshll.u32 v53, $0x3;
	v5 =	vsub.f32 v5, v60  }
0x3a3: {  	v62 =	vand.u32 $0x7F, v53;
	v7 =	vand.u32 $0x1C00, v61;
	v11 =	vnsel vm2, $0x0, v11  }
0x3a4: {  	v6 =	vor.u32 v1, v58;
	v7 =	vor.u32 v7, v62;
	v5 =	vmul.f32 v5, v11  }
0x3a5: {  	v63 =	vmul.f32 v57, v47;
	v3 =	vadd.f32 v3, v4;
	v7 =	vor.u32 v1, v7  }
.Ltmp9:
0x3a6: {  	v2 =	vmul.f32 v2, v13;
	v9 =	vmul.f32 v59, v53;
	v5 =	vadd.f32 v5, v60;
	(pc) =	sbr.rel .LBB2_14-.Ltmp9, $4  }
0x3a7: {  	v3 =	vmul.f32 v3, v63  }
0x3a8: {  	[tilespmem:v8+s18+$0x0] =	vst.idx.add.f32.msk vm12, v2;
	v2 =	vmul.f32 v5, v9  }
0x3a9: {  	[tilespmem:v6+s18+$0x0] =	vst.idx.add.f32.msk vm14, v3  }
0x3aa: {  	[tilespmem:v7+s18+$0x0] =	vst.idx.add.f32.msk vm15, v2  }
.LBB2_15:
0x3ab: {  	s3 =	simm.s32 $0x0  }
0x3ac: {  	s0 =	sand.u32 $0x70, s3;
	s20 =	sand.u32 $0x1C00, s3  }
0x3ad: {  	s0 =	sor.u32 s0, s20  }
0x3ae: {  	s20 =	sadd.s32 $0x1B700, s0;
	v3 =	vld [tilespmem:s0+$0x1B700]  }
0x3af: {  	v2 =	vld [tilespmem:s20+$0x80];
	_ =	sdelay $0x1  }
0x3b0: {  	v4 =	vld [tilespmem:s20+$0x100];
	_ =	sdelay $0x1  }
0x3b1: {  	v5 =	vld [tilespmem:s20+$0x180]  }
0x3b2: {  	v2 =	vadd.f32 v2, v3  }
0x3b3: {  	v3 =	vld [tilespmem:s20+$0x200]  }
0x3b4: {  	v2 =	vadd.f32 v4, v2  }
0x3b5: {  	v56 =	vld [tilespmem:s20+$0x280]  }
0x3b6: {  	v2 =	vadd.f32 v5, v2  }
0x3b7: {  	s3 =	sor.u32 s3, s3;
	v57 =	vld [tilespmem:s20+$0x300]  }
0x3b8: {  	s3 =	sor.u32 $0x380, s3;
	v2 =	vadd.f32 v3, v2  }
0x3b9: {  	v3 =	vld [tilespmem:s3+$0x1B700]  }
0x3ba: {  	v2 =	vadd.f32 v56, v2  }
0x3bb: {  	v58 =	vld [tilespmem:s0+$0x1D700]  }
0x3bc: {  	v2 =	vadd.f32 v57, v2  }
0x3bd: {  	v59 =	vld [tilespmem:s0+$0x1D780]  }
0x3be: {  	v2 =	vadd.f32 v3, v2  }
0x3bf: {  	v3 =	vld [tilespmem:s0+$0x1D800]  }
0x3c0: {  	v2 =	vadd.f32 v58, v2  }
0x3c1: {  	v60 =	vld [tilespmem:s0+$0x1D880]  }
0x3c2: {  	v2 =	vadd.f32 v59, v2  }
0x3c3: {  	v61 =	vld [tilespmem:s0+$0x1D900]  }
0x3c4: {  	v2 =	vadd.f32 v3, v2  }
0x3c5: {  	v3 =	vld [tilespmem:s0+$0x1D980]  }
0x3c6: {  	v2 =	vadd.f32 v60, v2  }
0x3c7: {  	v62 =	vld [tilespmem:s0+$0x1DA00]  }
0x3c8: {  	v2 =	vadd.f32 v61, v2  }
0x3c9: {  	v63 =	vld [tilespmem:s0+$0x1DA80]  }
0x3ca: {  	v2 =	vadd.f32 v3, v2;
	_ =	sdelay $0x1  }
0x3cb: {  	s20 =	simm.s32 $0x80;
	s3 =	simm.s32 $0x10;
	v2 =	vadd.f32 v62, v2  }
0x3cc: {  	s29 =	sand.u32 $0x1C00, s20;
	s21 =	sand.u32 $0x70, s3  }
0x3cd: {  	s29 =	sor.u32 s21, s29;
	s21 =	simm.s32 $0x20;
	v2 =	vadd.f32 v63, v2  }
.LBB2_16:
0x3ce: {  	p0 =	sne.s32 s21, $0x3F0;
	s30 =	sadd.s32 $0x1B700, s29  }
0x3cf: {  	v3 =	vld [tilespmem:s30+$0x80];
	[tilespmem:s0+$0x1B700] =	vst v2;
	s0 =	smov.u32 s29  }
0x3d0: {  	v2 =	vld [tilespmem:s0+$0x1B700];
	_ =	sdelay $0x1  }
0x3d1: {  	v4 =	vld [tilespmem:s30+$0x100];
	_ =	sdelay $0x1  }
0x3d2: {  	v5 =	vld [tilespmem:s30+$0x180]  }
0x3d3: {  	v2 =	vadd.f32 v3, v2  }
0x3d4: {  	v3 =	vld [tilespmem:s30+$0x200]  }
0x3d5: {  	v2 =	vadd.f32 v4, v2  }
0x3d6: {  	v4 =	vld [tilespmem:s30+$0x280]  }
0x3d7: {  	v2 =	vadd.f32 v5, v2  }
0x3d8: {  	s29 =	sor.u32 s20, s3;
	s3 =	smov.u32 s21;
	v5 =	vld [tilespmem:s30+$0x300]  }
0x3d9: {  	s29 =	sor.u32 $0x380, s29;
	v2 =	vadd.f32 v3, v2  }
0x3da: {  	v3 =	vld [tilespmem:s29+$0x1B700]  }
0x3db: {  	v2 =	vadd.f32 v4, v2  }
0x3dc: {  	v4 =	vld [tilespmem:s0+$0x1D700]  }
0x3dd: {  	v2 =	vadd.f32 v5, v2  }
0x3de: {  	v5 =	vld [tilespmem:s0+$0x1D780]  }
0x3df: {  	v2 =	vadd.f32 v3, v2  }
0x3e0: {  	v3 =	vld [tilespmem:s0+$0x1D800]  }
0x3e1: {  	v2 =	vadd.f32 v4, v2  }
0x3e2: {  	v4 =	vld [tilespmem:s0+$0x1D880]  }
0x3e3: {  	v2 =	vadd.f32 v5, v2  }
0x3e4: {  	v5 =	vld [tilespmem:s0+$0x1D900]  }
0x3e5: {  	v2 =	vadd.f32 v3, v2  }
0x3e6: {  	v3 =	vld [tilespmem:s0+$0x1D980]  }
0x3e7: {  	v2 =	vadd.f32 v4, v2  }
0x3e8: {  	v4 =	vld [tilespmem:s0+$0x1DA00]  }
0x3e9: {  	v2 =	vadd.f32 v5, v2  }
0x3ea: {  	v5 =	vld [tilespmem:s0+$0x1DA80]  }
.Ltmp10:
0x3eb: {  	v2 =	vadd.f32 v3, v2;
	(pc) =	sbr.rel @p0 .LBB2_16-.Ltmp10, $4  }
0x3ec: {  	_ = 	snop  }
0x3ed: {  	s20 =	sadd.s32 $0x80, s20;
	v2 =	vadd.f32 v4, v2  }
0x3ee: {  	s30 =	sand.u32 $0x1C00, s20;
	s29 =	sand.u32 $0x70, s21  }
0x3ef: {  	s21 =	sadd.s32 $0x10, s21;
	s29 =	sor.u32 s29, s30;
	v2 =	vadd.f32 v5, v2  }
0x3f0: {  	s21 =	sadd.s32 $0x1B700, s29  }
0x3f1: {  	v3 =	vld [tilespmem:s21+$0x80];
	[tilespmem:s0+$0x1B700] =	vst v2  }
0x3f2: {  	v2 =	vld [tilespmem:s29+$0x1B700];
	_ =	sdelay $0x1  }
0x3f3: {  	v4 =	vld [tilespmem:s21+$0x100];
	_ =	sdelay $0x1  }
0x3f4: {  	v5 =	vld [tilespmem:s21+$0x180]  }
0x3f5: {  	v2 =	vadd.f32 v3, v2  }
0x3f6: {  	v3 =	vld [tilespmem:s21+$0x200]  }
0x3f7: {  	v2 =	vadd.f32 v4, v2  }
0x3f8: {  	v56 =	vld [tilespmem:s21+$0x280]  }
0x3f9: {  	v2 =	vadd.f32 v5, v2  }
0x3fa: {  	s20 =	sor.u32 s20, s3;
	v57 =	vld [tilespmem:s21+$0x300]  }
0x3fb: {  	s0 =	sor.u32 $0x380, s20;
	v2 =	vadd.f32 v3, v2  }
0x3fc: {  	v3 =	vld [tilespmem:s0+$0x1B700]  }
0x3fd: {  	v2 =	vadd.f32 v56, v2  }
0x3fe: {  	v58 =	vld [tilespmem:s29+$0x1D700]  }
0x3ff: {  	v2 =	vadd.f32 v57, v2  }
0x400: {  	v59 =	vld [tilespmem:s29+$0x1D780]  }
0x401: {  	v2 =	vadd.f32 v3, v2  }
0x402: {  	v3 =	vld [tilespmem:s29+$0x1D800]  }
0x403: {  	v2 =	vadd.f32 v58, v2  }
0x404: {  	v60 =	vld [tilespmem:s29+$0x1D880]  }
0x405: {  	v2 =	vadd.f32 v59, v2  }
0x406: {  	v61 =	vld [tilespmem:s29+$0x1D900]  }
0x407: {  	v2 =	vadd.f32 v3, v2  }
0x408: {  	v3 =	vld [tilespmem:s29+$0x1D980]  }
0x409: {  	v2 =	vadd.f32 v60, v2  }
0x40a: {  	v62 =	vld [tilespmem:s29+$0x1DA00]  }
0x40b: {  	v2 =	vadd.f32 v61, v2  }
0x40c: {  	v63 =	vld [tilespmem:s29+$0x1DA80]  }
0x40d: {  	v2 =	vadd.f32 v3, v2;
	_ =	sdelay $0x1  }
0x40e: {  	v2 =	vadd.f32 v62, v2;
	_ =	sdelay $0x1  }
0x40f: {  	v2 =	vadd.f32 v63, v2;
	_ =	sdelay $0x1  }
0x410: {  	[tilespmem:s29+$0x1B700] =	vst v2  }
0x411: {  	[hbm4b:s10+s2] =	stream.linear.scatter [tilespmem:s18], [sflag:$0x3], $0x80, $0x38;
	[tilespmem:$0x1F700] =	vst v63  }
0x412: {  	s21 =	sadd.s32 $0x80, s10;
	s29 =	simm.s32 $0x1BB00  }
0x413: {  	[hbm4b:s21+s2] =	stream.linear.scatter [tilespmem:s29], [sflag:$0x3], $0x80, $0x38;
	[tilespmem:$0x1F700] =	vst v63  }
0x414: {  	s30 =	sadd.s32 $0x100, s10;
	s31 =	simm.s32 $0x1BF00  }
0x415: {  	[hbm4b:s30+s2] =	stream.linear.scatter [tilespmem:s31], [sflag:$0x3], $0x80, $0x38;
	[tilespmem:$0x1F700] =	vst v63  }
0x416: {  	s20 =	sadd.s32 $0x180, s10  }
0x417: {  	[hbm4b:s20+s2] =	stream.linear.scatter [tilespmem:s22], [sflag:$0x3], $0x80, $0x38;
	[tilespmem:$0x1F700] =	vst v63  }
0x418: {  	s21 =	sadd.s32 $0x200, s10  }
0x419: {  	[hbm4b:s21+s2] =	stream.linear.scatter [tilespmem:s23], [sflag:$0x3], $0x80, $0x38;
	[tilespmem:$0x1F700] =	vst v63  }
0x41a: {  	s28 =	sadd.s32 $0x1, s28;
	s29 =	sadd.s32 $0x280, s10  }
0x41b: {  	[hbm4b:s29+s2] =	stream.linear.scatter [tilespmem:s24], [sflag:$0x3], $0x80, $0x38;
	[tilespmem:$0x1F700] =	vst v63  }
0x41c: {  	p0 =	sne.s32 s28, s11;
	s30 =	sadd.s32 $0x300, s10  }
0x41d: {  	[hbm4b:s30+s2] =	stream.linear.scatter [tilespmem:s25], [sflag:$0x3], $0x80, $0x38;
	[tilespmem:$0x1F700] =	vst v63  }
.Ltmp11:
0x41e: {  	s31 =	sadd.s32 $0x380, s10;
	(pc) =	sbr.rel @p0 .LBB2_1-.Ltmp11, $4  }
0x41f: {  	[hbm4b:s31+s2] =	stream.linear.scatter [tilespmem:s26], [sflag:$0x3], $0x80, $0x38;
	[tilespmem:$0x1F700] =	vst v63  }
0x420: {  	_ =	swait.ge [sflag:s13], $0x400  }
0x421: {  	[sflag:s13] =	ssyncset.done $0x0  }
0x422: {  	[sflag:s13] =	ssyncadd.s32 $0xFFFFFC00  }
0x423: {  	_ =	sfence.sel $0x180000  }
0x424: {  	[bflag:$0x0] =	sbarrier.arrive $0xFFFF  }
0x425: {  	_ =	strace $0x9000004A  }
0x426: {  	s0 =	stileid.u32;
	[bflag:$0x2] =	sbarrier.arrive $0xFFFF  }
0x427: {  	p0 =	sne.s32 s0, $0x0;
	s0 =	rddreg [dreg:$0x2]  }
0x428: {  	s0 =	sadd.s32 @!p0 $0x100000, s0  }
0x429: {  	[sflag:s0] =	ssyncadd.tile.s32 @!p0 $0x1;
	_ =	shalt  }
.Lfunc_end2:
_tile_overlayer_lowered:
.L_overlay_start_2:
0x42a: {  	(tag) =	ssettag $0x2  }
0x42b: {  	s0 =	rddreg [dreg:$0x0];
	s2 =	stileid.u32  }
0x42c: {  	s1 =	rddreg [dreg:$0x1];
	p0 =	sne.s32 s2, $0x0  }
0x42d: {  	s3 =	rddreg [dreg:$0x2];
	[bflag:$0x3] =	sbarrier.arrive $0xFFFF;
	s2 =	simm.s32 @!p0 $0x1C03  }
0x42e: {  	[timem:s3], [sflag:s2] =	dma.local @!p0 [hbm:s0], s1  }
0x42f: {  	s0 =	simm.s32 @!p0 $0x3  }
0x430: {  	_ =	swait.ge @!p0 [sflag:s0], s1  }
0x431: {  	s1 =	ssub.s32 @!p0 $0x0, s1;
	[sflag:s0] =	ssyncset.done @!p0 $0x0  }
0x432: {  	[sflag:s0] =	ssyncadd.s32 @!p0 s1  }
0x433: {  	[bflag:$0x3] =	sbarrier.arrive $0xFFFF  }
0x434: {  	_ =	shalt  }

// kernel: sparse-core-data-format-call.cloned.1.call-start
scs
called_computation_lowered:
.L_overlay_start_0:
0x0: {  	s2 =	sld [smem:$0x3FD9]  }
0x1: {  	s3 =	sld [smem:$0x3FFE];
	_ =	sdelay $0x1  }
0x2: {  	s1 =	srdreg.scid  }
0x3: {  	s0 =	sand.u32 $0x1, s1  }
0x4: {  	s18 =	sshll.u32 s0, $0xA;
	s2 =	sadd.s32 s3, s2  }
0x5: {  	s2 =	sadd.s32 s2, s18  }
0x6: {  	[smem:$0x3FC4] =	sst s2  }
0x7: {  	_ = 	snop  }
0x8: {  	s2 =	sld [smem:$0x3FC7];
	(tm) =	ssettm $0x1  }
0x9: {  	s19 =	sld [smem:$0x3FFB];
	_ =	sdelay $0x3  }
0xa: {  	_ =	strace s19  }
0xb: {  	s3 =	sld [smem:$0x3FFC];
	_ =	sdelay $0x3  }
0xc: {  	_ =	strace s3  }
0xd: {  	s3 =	sld [smem:$0x3FFD];
	_ =	sdelay $0x3  }
0xe: {  	_ =	strace s3  }
0xf: {  	_ =	strace $0x8FFFFFFF  }
0x10: {  	s20 =	sld [smem:$0x3FDB];
	_ =	sdelay $0x1  }
0x11: {  	s4 =	simm.s32 $_scs_section_size  }
0x12: {  	s5 =	simm.s32 $_size__tile_overlayer_lowered;
	s6 =	simm.s32 $_tile_overlayer_lowered  }
0x13: {  	s23 =	simm.s32 $0x1BFF;
	s22 =	sshll.u32 s6, $0x1;
	s3 =	sadd.s32 s4, s20  }
0x14: {  	s7 =	simm.s32 $0x0;
	s21 =	sshll.u32 s5, $0x1;
	s5 =	sadd.s32 s22, s3  }
0x15: {  	[timem:s7], [sflag:s23] =	dma.local [hbm:s5], s21  }
0x16: {  	_ =	swait.ge [sflag:s23], s21  }
0x17: {  	s4 =	ssub.s32 $0x0, s21;
	[sflag:s23] =	ssyncset.done $0x0  }
0x18: {  	[sflag:s23] =	ssyncadd.s32 s4;
	_ =	sdelay $0x1  }
0x19: {  	s24 =	simm.s32 $0x1B8B  }
0x1a: {  	_ =	swait.ge [sflag:s24], $0x1  }
0x1b: {  	[sflag:s24] =	ssyncset.done $0x0  }
0x1c: {  	s26 =	simm.s32 $0x1B8E;
	s25 =	sld [smem:$0x3FFE];
	[sflag:s24] =	ssyncadd.s32 $0xFFFFFFFF  }
0x1d: {  	s27 =	simm.s32 $execute0_lowered;
	[smem:$0x3FD2] =	sst s26  }
0x1e: {  	s5 =	sshll.u32 s27, $0x1;
	_ =	strace $0x80000046;
	[dreg:$0x1] =	wrdreg $0xFFFFFFFF  }
0x1f: {  	s28 =	simm.s32 $_size_execute0_lowered;
	s3 =	sadd.s32 s3, s5;
	[dreg:$0x0] =	wrdreg $0x0  }
0x20: {  	s5 =	sshll.u32 s28, $0x1;
	[dreg:$0x2] =	wrdreg s3  }
0x21: {  	[dreg:$0x3] =	wrdreg s5  }
0x22: {  	[dreg:$0x4] =	wrdreg $0xC0  }
0x23: {  	_ =	task [dreg:s7], $0x5FFFF  }
0x24: {  	[dreg:$0x1] =	wrdreg $0xFFFFFFFF  }
0x25: {  	[dreg:$0x0] =	wrdreg $0x60  }
0x26: {  	[dreg:$0x2] =	wrdreg s2  }
0x27: {  	[dreg:$0x3] =	wrdreg s25  }
0x28: {  	[dreg:$0x4] =	wrdreg $0x9  }
0x29: {  	_ =	task.clear_ibuf [dreg:s7], $0x5FFFF;
	_ =	strace $0x90000046  }
0x2a: {  	s29 =	simm.s32 $0x9;
	_ =	strace $0x80000048  }
0x2b: {  	_ =	swait.ge [sflag:s29], $0x1  }
0x2c: {  	[sflag:s29] =	ssyncadd.s32 $0xFFFFFFFF  }
0x2d: {  	_ =	strace $0x90000048  }
0x2e: {  	_ =	sfence  }
0x2f: {  	s30 =	sld [smem:$0x0];
	_ =	sdelay $0x2  }
0x30: {  	s31 =	sshll.u32 s1, $0xD;
	s1 =	sshrl.u32 s1, $0x2  }
0x31: {  	s3 =	sand.u32 $0x4000, s31;
	s1 =	sadd.s32 s1, s30  }
0x32: {  	s0 =	sor.u32 s3, s0;
	s1 =	sshll.u32 s1, $0x11  }
0x33: {  	s0 =	sor.u32 s1, s0  }
0x34: {  	s0 =	sadd.s32 $0x8F2B, s0  }
0x35: {  	[sflag:s0] =	ssyncadd.remote.s32 $0x1  }
0x36: {  	_ =	sfence.sel $0xFFFF  }
0x37: {  	[dreg:$0x0] =	wrdreg $0xFFFFFFFF;
	(pc) =	sbr.abs _section_cstart, $3  }
0x38: {  	[dreg:$0x1] =	wrdreg $0xFFFFFFFF  }
0x39: {  	_ =	task.clear_ibuf [dreg:s7], $0x2FFFF;
	_ =	strace $0x9FFFFFFF  }
0x3a: {  	(tm) =	ssettm $0x7FFFFFFF  }
0x3b: {  	_ =	shalt  }
tec
execute0_lowered:
.L_overlay_start_1:
0x0: {  	(tag) =	ssettag $0x1  }
0x1: {  	s0 =	stileid.u32;
	s7 =	rddreg [dreg:$0x0]  }
0x2: {  	s1 =	srdreg.scid;
	s4 =	rddreg [dreg:$0x1]  }
0x3: {  	s30 =	simm.s32 $0x2;
	s10 =	simm.s32 $0x0;
	s14 =	simm.s32 $0x0  }
0x4: {  	s15 =	simm.s32 $0x0;
	s11 =	simm.s32 $0x0;
	s13 =	simm.s32 $0x0  }
0x5: {  	s2 =	sand.u32 $0x1, s1;
	s3 =	sshll.u32 s0, $0x7;
	s1 =	rddreg [dreg:$0x2]  }
0x6: {  	_ =	strace $0x80000047;
	s5 =	ssub.s32 $0xC300, s3;
	s6 =	ssub.s32 $0x2, s2  }
.Ltmp0:
0x7: {  	s5 =	sshrl.u32 s5, $0xB;
	s8 =	sshrl.u32 s6, $0x1;
	(pc) =	sbr.rel .LBB1_1-.Ltmp0, $4  }
0x8: {  	s4 =	sadd.s32 $0x800, s4;
	s9 =	sadd.s32 $0x1, s5;
	s6 =	ssub.s32 s6, s8  }
0x9: {  	s31 =	sshll.u32 s2, $0x4;
	s5 =	simm.s32 $0x1;
	s6 =	smul.u32 s9, s6  }
0xa: {  	s12 =	smov.u32 s3;
	s7 =	sadd.s32 s7, s31;
	[sflag:s5] =	ssyncpa.u1 $0x0  }
0xb: {  	s9 =	simm.s32 $0x0;
	[sflag:s30] =	ssyncpa.u1 $0x0;
	s8 =	sadd.s32 $0x1, s6  }
.LBB1_4:
0xc: {  	s21 =	simm.s32 $0x0  }
.LBB1_8:
0xd: {  	_ =	sdelay $0x3  }
0xe: {  	v6 =	vld [tilespmem:s18+$0xFFFFFFC0];
	[tilespmem:v0+s20+$0x30 ss:$0x1] =	vst.idx.msk @p0 $0xffff, v2  }
0xf: {  	v58 =	vld [tilespmem:s18+$0xFFFFFFD0];
	[tilespmem:v0+s20+$0x40 ss:$0x1] =	vst.idx.msk @p0 $0xffff, v3;
	s21 =	sadd.s32 @p0 $0x80, s21  }
0x10: {  	v59 =	vld [tilespmem:s18+$0xFFFFFFE0];
	[tilespmem:v0+s20+$0x50 ss:$0x1] =	vst.idx.msk @p0 $0xffff, v5;
	s19 =	smov.u32 @p0 s21  }
0x11: {  	v60 =	vld [tilespmem:s18+$0xFFFFFFF0];
	[tilespmem:v0+s20+$0x60 ss:$0x1] =	vst.idx.msk @p0 $0xffff, v4;
	s19 =	sand.u32 $0x3F80, s19  }
0x12: {  	v61 =	vld [tilespmem:s18+$0x0];
	[tilespmem:v0+s19+$0x70 ss:$0x1] =	vst.idx.msk $0xffff, v1  }
0x13: {  	v62 =	vld [tilespmem:s18+$0x10];
	[tilespmem:v0+s19+$0x0 ss:$0x1] =	vst.idx.msk $0xffff, v6  }
0x14: {  	v63 =	vld [tilespmem:s18+$0x20];
	[tilespmem:v0+s19+$0x10 ss:$0x1] =	vst.idx.msk $0xffff, v58  }
0x15: {  	[tilespmem:v0+s19+$0x20 ss:$0x1] =	vst.idx.msk $0xffff, v59  }
0x16: {  	[tilespmem:v0+s19+$0x30 ss:$0x1] =	vst.idx.msk $0xffff, v60  }
0x17: {  	[tilespmem:v0+s19+$0x40 ss:$0x1] =	vst.idx.msk $0xffff, v61  }
0x18: {  	[tilespmem:v0+s19+$0x50 ss:$0x1] =	vst.idx.msk $0xffff, v62  }
0x19: {  	[tilespmem:v0+s19+$0x60 ss:$0x1] =	vst.idx.msk $0xffff, v63  }
.LBB1_9:
0x1a: {  	s18 =	sand.u32 $0x1FFFFFF, s11  }
0x1b: {  	s19 =	smulhi.u32 $0x14F8B59, s18;
	_ =	sdelay $0x1  }
0x1c: {  	s19 =	sshrl.u32 s19, $0x8  }
0x1d: {  	s19 =	smul.u32 $0xC350, s19  }
0x1e: {  	s15 =	smul.u32 $0xC3500, s15  }
0x1f: {  	s18 =	ssub.s32 s18, s19  }
0x20: {  	s15 =	sadd.s32 s4, s15;
	s18 =	sshll.u32 s18, $0x4  }
0x21: {  	s15 =	sadd.s32 s18, s15  }
0x22: {  	[hbm4b:s15+s9] =	stream.linear.scatter [tilespmem:s17], [sflag:$0x2], s16, $0x38;
	[tilespmem:$0x10000] =	vst v63  }
.LBB1_10:
0x23: {  	p0 =	slt.u32 s13, $0x2  }
0x24: {  	p1 =	sgt.s32 @!p0 s14, $0xC2D0  }
0x25: {  	s15 =	smov.u32 s14;
	s16 =	sshra.s32 @!p0 s14, $0x1F;
	p1 =	por !p1, p0  }
0x26: {  	s14 =	sand.u32 @!p0 s16, s14;
	s15 =	simm.s32 @p1 $0xC2D0  }
0x27: {  	s14 =	ssub.s32 @!p0 s15, s14  }
0x28: {  	s14 =	sadd.s32 @!p0 $0xFFFF3D30, s14  }
0x29: {  	s15 =	sshll.u32 @!p0 s14, $0x7  }
0x2a: {  	p1 =	sgt.s32 @!p0 s14, $0x7F;
	s14 =	ssub.s32 @!p0 $0x4000, s15  }
0x2b: {  	s16 =	sadd.s32 $0x800, s12;
	p1 =	por !p1, p0;
	s14 =	sand.u32 @!p0 $0x3FFFFF80, s14  }
0x2c: {  	s14 =	simm.s32 @!p1 $0x0;
	p1 =	sgt.s32 s16, $0xC34F  }
0x2d: {  	s16 =	smov.u32 @p1 s3;
	p1 =	sne.s32 s13, s8  }
.Ltmp1:
0x2e: {  	_ = 	snop;
	(pc) =	sbr.rel @!p1 .LBB1_11-.Ltmp1, $4  }
0x2f: {  	s10 =	sadd.s32 $0x4000, s10;
	s15 =	simm.s32 @!p0 $0x2  }
0x30: {  	_ =	swait.ge @!p0 [sflag:s15], s14;
	s17 =	ssub.s32 @!p0 $0x0, s14;
	s14 =	smov.u32 s11  }
0x31: {  	s13 =	sadd.s32 $0x1, s13;
	s11 =	smov.u32 s12;
	[sflag:s15] =	ssyncset.done @!p0 $0x0  }
0x32: {  	s12 =	smov.u32 s16;
	[sflag:s15] =	ssyncadd.s32 @!p0 s17;
	s15 =	smov.u32 s2  }
.LBB1_1:
0x33: {  	p0 =	sge.u32 s13, s6  }
0x34: {  	p1 =	sgt.s32 @!p0 s12, $0xC2D0  }
0x35: {  	s16 =	smov.u32 s12;
	s17 =	sshra.s32 @!p0 s12, $0x1F;
	p1 =	por !p1, p0  }
0x36: {  	s17 =	sand.u32 @!p0 s17, s12;
	s16 =	simm.s32 @p1 $0xC2D0  }
0x37: {  	s16 =	ssub.s32 @!p0 s16, s17  }
0x38: {  	s31 =	sadd.s32 $0xFFFFFFFF, s13;
	s18 =	sxor.u32 @!p0 $0xFFFFFFFF, s13;
	s16 =	sadd.s32 @!p0 $0xFFFF3D30, s16  }
0x39: {  	s19 =	simm.s32 @!p0 $0x80;
	s20 =	simm.s32 @!p0 $0x100;
	s17 =	sshll.u32 @!p0 s16, $0x7  }
0x3a: {  	p1 =	sgt.s32 @!p0 s16, $0x7F;
	s16 =	ssub.s32 @!p0 $0x4000, s17;
	s17 =	sshll.u32 @!p0 s18, $0xE  }
0x3b: {  	p1 =	por !p1, p0;
	s18 =	sshll.u32 @!p0 s12, $0x5;
	s16 =	sand.u32 @!p0 $0x3FFFFF80, s16  }
0x3c: {  	s17 =	sand.u32 @!p0 $0x4000, s17;
	s18 =	sadd.s32 @!p0 s18, s7;
	s16 =	simm.s32 @!p1 $0x0  }
0x3d: {  	[tilespmem:s17], [sflag:$0x1] =	stream.strided.gather @!p0 [hbm4b:s18+s19], s16, s20, s19, $0x38;
	[tilespmem:$0x10000] =	vst v63  }
0x3e: {  	p0 =	sge.u32 s31, s6  }
.Ltmp2:
0x3f: {  	_ = 	snop;
	(pc) =	sbr.rel @p0 .LBB1_10-.Ltmp2, $1  }
0x40: {  	_ =	sdelay $0x3  }
0x41: {  	p0 =	sgt.s32 s11, $0xC2D0;
	s16 =	smov.u32 s11;
	s17 =	sshra.s32 s11, $0x1F  }
0x42: {  	s16 =	simm.s32 @!p0 $0xC2D0;
	s17 =	sand.u32 s17, s11  }
0x43: {  	s16 =	ssub.s32 s16, s17  }
0x44: {  	s16 =	sadd.s32 $0xFFFF3D30, s16  }
0x45: {  	s30 =	sshll.u32 s16, $0x7  }
0x46: {  	s17 =	ssub.s32 $0x4000, s30  }
0x47: {  	p0 =	sgt.s32 s16, $0x7F;
	s16 =	sand.u32 $0x3FFFFF80, s17;
	s17 =	sadd.s32 $0x80, s11  }
0x48: {  	s16 =	simm.s32 @p0 $0x0;
	p0 =	slt.s32 s17, $0xC350  }
0x49: {  	s17 =	simm.s32 @!p0 $0xC350  }
0x4a: {  	s20 =	ssub.s32 s17, s11  }
0x4b: {  	p0 =	slt.s32 s20, $0x1  }
.Ltmp3:
0x4c: {  	_ = 	snop;
	(pc) =	sbr.rel @p0 .LBB1_9-.Ltmp3, $4  }
0x4d: {  	_ = 	snop  }
0x4e: {  	s19 =	sshll.u32 s13, $0xE;
	_ =	swait.ge [sflag:s5], s16  }
0x4f: {  	s31 =	sand.u32 $0x4000, s19;
	s18 =	ssub.s32 $0x0, s16;
	[sflag:s5] =	ssyncset.done $0x0  }
0x50: {  	s17 =	sor.u32 $0x8000, s31;
	[sflag:s5] =	ssyncadd.s32 s18  }
0x51: {  	p1 =	sne.s32 s20, $0x1  }
.Ltmp4:
0x52: {  	v0 =	vmov s17;
	(pc) =	sbr.rel @!p1 .LBB1_4-.Ltmp4, $4  }
0x53: {  	_ = 	snop  }
0x54: {  	s18 =	sand.u32 $0x4000, s10  }
0x55: {  	s18 =	sor.u32 $0x40, s18  }
0x56: {  	s19 =	simm.s32 $0x0;
	s21 =	sadd.s32 $0xFFFFFFFF, s20;
	p0 =	por $0x0, $0x0;
	v1 =	vld [tilespmem:s18+$0x30]  }
0x57: {  	v4 =	vld [tilespmem:s18+$0xFFFFFFC0]  }
0x58: {  	v6 =	vld [tilespmem:s18+$0xFFFFFFD0]  }
0x59: {  	v7 =	vld [tilespmem:s18+$0xFFFFFFE0];
	p1 =	sne.s32 s21, $0x1  }
.Ltmp5:
0x5a: {  	v2 =	vld [tilespmem:s18+$0xFFFFFFF0];
	s20 =	sand.u32 $0x3F80, s19;
	(pc) =	sbr.rel @!p1 .LBB1_6-.Ltmp5, $4  }
0x5b: {  	v3 =	vld [tilespmem:s18+$0x0];
	[tilespmem:v0+s20+$0x70 ss:$0x1] =	vst.idx.msk $0xffff, v1  }
0x5c: {  	v5 =	vld [tilespmem:s18+$0x10];
	[tilespmem:v0+s20+$0x0 ss:$0x1] =	vst.idx.msk $0xffff, v4  }
0x5d: {  	v4 =	vld [tilespmem:s18+$0x20];
	[tilespmem:v0+s20+$0x10 ss:$0x1] =	vst.idx.msk $0xffff, v6;
	s18 =	sadd.s32 $0x80, s18  }
0x5e: {  	s22 =	sadd.s32 $0xFFFFFFFF, s21;
	p0 =	por $0x1, $0x1;
	s21 =	simm.s32 $0x0;
	[tilespmem:v0+s20+$0x20 ss:$0x1] =	vst.idx.msk $0xffff, v7;
	v1 =	vld [tilespmem:s18+$0x30]  }
.LBB1_7:
0x5f: {  	p1 =	sne.s32 s22, $0x1;
	v6 =	vld [tilespmem:s18+$0xFFFFFFC0];
	[tilespmem:v0+s20+$0x30 ss:$0x1] =	vst.idx.msk $0xffff, v2  }
0x60: {  	v7 =	vld [tilespmem:s18+$0xFFFFFFD0];
	[tilespmem:v0+s20+$0x40 ss:$0x1] =	vst.idx.msk $0xffff, v3  }
0x61: {  	s21 =	sadd.s32 $0x80, s21;
	v8 =	vld [tilespmem:s18+$0xFFFFFFE0];
	[tilespmem:v0+s20+$0x50 ss:$0x1] =	vst.idx.msk $0xffff, v5  }
.Ltmp6:
0x62: {  	v2 =	vld [tilespmem:s18+$0xFFFFFFF0];
	[tilespmem:v0+s20+$0x60 ss:$0x1] =	vst.idx.msk $0xffff, v4;
	s20 =	sand.u32 $0x3F80, s21;
	(pc) =	sbr.rel @p1 .LBB1_7-.Ltmp6, $4  }
0x63: {  	v3 =	vld [tilespmem:s18+$0x0];
	[tilespmem:v0+s20+$0x70 ss:$0x1] =	vst.idx.msk $0xffff, v1  }
0x64: {  	[tilespmem:v0+s20+$0x0 ss:$0x1] =	vst.idx.msk $0xffff, v6;
	v5 =	vld [tilespmem:s18+$0x10]  }
0x65: {  	[tilespmem:v0+s20+$0x10 ss:$0x1] =	vst.idx.msk $0xffff, v7;
	v4 =	vld [tilespmem:s18+$0x20];
	s18 =	sadd.s32 $0x80, s18  }
0x66: {  	s22 =	sadd.s32 $0xFFFFFFFF, s22;
	v1 =	vld [tilespmem:s18+$0x30];
	[tilespmem:v0+s20+$0x20 ss:$0x1] =	vst.idx.msk $0xffff, v8  }
.Ltmp7:
0x67: {  	_ = 	snop;
	(pc) =	sbr.rel .LBB1_8-.Ltmp7, $1  }
0x68: {  	_ =	sdelay $0x3  }
.LBB1_6:
.Ltmp8:
0x69: {  	(pc) =	sbr.rel .LBB1_8-.Ltmp8, $2  }
0x6a: {  	_ =	sdelay $0x2  }
0x6b: {  	s21 =	simm.s32 $0x0  }
.LBB1_11:
0x6c: {  	_ =	sfence.sel $0x180000  }
0x6d: {  	s2 =	simm.s32 $0x1;
	[bflag:$0x0] =	sbarrier.arrive $0xFFFF  }
0x6e: {  	s31 =	simm.s32 $0x2;
	[sflag:s2] =	ssyncpa.u1 $0x1  }
0x6f: {  	[sflag:s31] =	ssyncpa.u1 $0x1  }
0x70: {  	p0 =	sne.s32 s0, $0x0;
	_ =	strace $0x90000047  }
0x71: {  	s0 =	sadd.s32 @!p0 $0x100000, s1;
	[bflag:$0x2] =	sbarrier.arrive $0xFFFF  }
0x72: {  	[sflag:s0] =	ssyncadd.tile.s32 @!p0 $0x1;
	_ =	shalt  }
.Lfunc_end1:
_tile_overlayer_lowered:
.L_overlay_start_2:
0x73: {  	(tag) =	ssettag $0x2  }
0x74: {  	s0 =	rddreg [dreg:$0x0];
	s2 =	stileid.u32  }
0x75: {  	s1 =	rddreg [dreg:$0x1];
	p0 =	sne.s32 s2, $0x0  }
0x76: {  	s3 =	rddreg [dreg:$0x2];
	[bflag:$0x3] =	sbarrier.arrive $0xFFFF;
	s2 =	simm.s32 @!p0 $0x1C01  }
0x77: {  	[timem:s3], [sflag:s2] =	dma.local @!p0 [hbm:s0], s1  }
0x78: {  	s0 =	simm.s32 @!p0 $0x1  }
0x79: {  	_ =	swait.ge @!p0 [sflag:s0], s1  }
0x7a: {  	s1 =	ssub.s32 @!p0 $0x0, s1;
	[sflag:s0] =	ssyncset.done @!p0 $0x0  }
0x7b: {  	[sflag:s0] =	ssyncadd.s32 @!p0 s1  }
0x7c: {  	[bflag:$0x3] =	sbarrier.arrive $0xFFFF  }
0x7d: {  	_ =	shalt  }

</sc_bundles>
